<compile_context>
chip_gen: v7x
topology: tpu7x:2x2x1
jax: 0.10.2.dev20260603
libtpu: 0.0.44.dev20260713+nightly
codegen_flags: <defaults>
</compile_context>

<pallas_src>
import functools

import jax
import jax.numpy as jnp
from jax import lax
from jax.experimental import pallas as pl
from jax.experimental.pallas import tpu as pltpu
from jax.experimental.pallas import tpu_sc as plsc

B = 16384
F = 100
V = 1000001

NC = 2
NS = 16
L = 16
NW = NC * NS

ROWS_PER_W = B // NW
CHUNK = 128
NCHUNK = ROWS_PER_W // CHUNK
GRP = CHUNK // L

PIECE = 6400
NPIECE_FULL = V // PIECE
NPJ = (NPIECE_FULL + NS - 1) // NS
TAIL_OFF = NPIECE_FULL * PIECE
TAIL = V - TAIL_OFF


def kernel(index, value, emb_table, bias):
    idx_t = index.astype(jnp.int32).T
    val_t = value.T
    tab_t = emb_table.T

    mesh = plsc.VectorSubcoreMesh(core_axis_name="c", subcore_axis_name="s")

    @functools.partial(
        pl.kernel,
        mesh=mesh,
        out_type=jax.ShapeDtypeStruct((B,), jnp.float32),
        compiler_params=pltpu.CompilerParams(needs_layout_passes=False),
        scratch_types=[
            pltpu.VMEM((F, CHUNK), jnp.int32),
            pltpu.VMEM((F, CHUNK), jnp.int32),
            pltpu.VMEM((F, CHUNK), jnp.float32),
            pltpu.VMEM((F, CHUNK), jnp.float32),
            pltpu.VMEM((CHUNK,), jnp.float32),
            pltpu.VMEM((L,), jnp.float32),
            pltpu.VMEM_SHARED((V,), jnp.float32),
            pltpu.VMEM((PIECE,), jnp.float32),
            pltpu.VMEM((PIECE,), jnp.float32),
            pltpu.SemaphoreType.DMA,
            pltpu.SemaphoreType.DMA,
            pltpu.SemaphoreType.DMA,
            pltpu.SemaphoreType.DMA,
        ],
    )
    def k(idx_hbm, val_hbm, tab_hbm, bias_hbm, out_hbm,
          idx0, idx1, val_v, gat_v, out_v, bias_v, tab_sh,
          stg0, stg1, sem_st, sem_idx, sem_val, sem_g):
        cid = lax.axis_index("c")
        sid = lax.axis_index("s")
        wid = sid * NC + cid

        idx_b = [idx0, idx1]
        stgs = [stg0, stg1]

        tab_flat = tab_hbm.at[0]
        row_base = wid * ROWS_PER_W

        def idx_copy(kc):
            r0 = row_base + kc * CHUNK
            return pltpu.make_async_copy(
                idx_hbm.at[:, pl.ds(r0, CHUNK)], idx_b[kc % 2], sem_idx)

        def val_copy(kc):
            r0 = row_base + kc * CHUNK
            return pltpu.make_async_copy(
                val_hbm.at[:, pl.ds(r0, CHUNK)], val_v, sem_val)

        def stg_in(j, p):
            return pltpu.make_async_copy(
                tab_flat.at[pl.ds(p * PIECE, PIECE)], stgs[j % 2], sem_st)

        with jax.named_scope("stage_table"):
            idx_copy(0).start()
            val_copy(0).start()

            @pl.when(sid < NPIECE_FULL)
            def _():
                stg_in(0, sid).start()

            for j in range(NPJ):
                p = sid + j * NS
                pnext = sid + (j + 1) * NS
                if j + 1 < NPJ:
                    @pl.when(pnext < NPIECE_FULL)
                    def _(j=j, pnext=pnext):
                        stg_in(j + 1, pnext).start()

                @pl.when(p < NPIECE_FULL)
                def _(j=j, p=p):
                    stg_in(j, p).wait()
                    pltpu.sync_copy(stgs[j % 2],
                                    tab_sh.at[pl.ds(p * PIECE, PIECE)])

            @pl.when(sid == 0)
            def _():
                pltpu.sync_copy(tab_flat.at[pl.ds(TAIL_OFF, TAIL)],
                                stg0.at[pl.ds(0, TAIL)])
                pltpu.sync_copy(stg0.at[pl.ds(0, TAIL)],
                                tab_sh.at[pl.ds(TAIL_OFF, TAIL)])

            pltpu.sync_copy(bias_hbm, bias_v.at[pl.ds(0, 1)])
            plsc.subcore_barrier()

        bias_s = bias_v[pl.ds(0, L)][0]

        for kc in range(NCHUNK):
            r0 = row_base + kc * CHUNK
            idx_v = idx_b[kc % 2]

            with jax.named_scope("wait_in"):
                idx_copy(kc).wait()
                if kc + 1 < NCHUNK:
                    idx_copy(kc + 1).start()

            def fire(f, _):
                pltpu.make_async_copy(
                    tab_sh.at[idx_v.at[f]], gat_v.at[f], sem_g).start()
                return ()

            with jax.named_scope("fire"):
                lax.fori_loop(0, F, fire, (), unroll=8)
                val_copy(kc).wait()

            def body(f, accs):
                pltpu.make_async_copy(
                    tab_sh.at[idx_v.at[f]], gat_v.at[f], sem_g).wait()
                new = []
                for g in range(GRP):
                    gv = gat_v[f, pl.ds(g * L, L)]
                    vv = val_v[f, pl.ds(g * L, L)]
                    new.append(accs[g] + gv * vv)
                return tuple(new)

            with jax.named_scope("drain_compute"):
                accs = lax.fori_loop(
                    0, F, body,
                    tuple(jnp.zeros((L,), jnp.float32) for _ in range(GRP)),
                    unroll=2)
                for g in range(GRP):
                    out_v[pl.ds(g * L, L)] = accs[g] + bias_s

                pltpu.sync_copy(out_v, out_hbm.at[pl.ds(r0, CHUNK)])
                if kc + 1 < NCHUNK:
                    val_copy(kc + 1).start()

    return k(idx_t, val_t, tab_t, bias)

# --- scband reference (transcript-rebuilt; emitter-appended) ---
"""Pipeline reference for scband-wide-25237227831979 (READ-ONLY COPY).

The authoritative reference and input builder live on the scoring server;
editing this copy changes nothing except your own understanding.
"""

import jax, jax.numpy as jnp
import numpy as np

FEATURE_DICT_SIZE = 1000000
BATCH = 16384
FIELDS = 100

def setup_inputs(seed: int = 0) -> dict:
    key = jax.random.key(seed)
    k1, k2, k3, k4 = jax.random.split(key, 4)
    index = jax.random.randint(k1, (BATCH, FIELDS), 0, FEATURE_DICT_SIZE + 1, dtype=jnp.int64 if jax.config.jax_enable_x64 else jnp.int32)
    value = jax.random.uniform(k2, (BATCH, FIELDS), dtype=jnp.float32)
    emb_table = jax.random.uniform(k3, (FEATURE_DICT_SIZE + 1, 1), dtype=jnp.float32, minval=-0.05, maxval=0.05)
    bias = jnp.zeros((1,), dtype=jnp.float32)
    return {"index": index, "value": value, "emb_table": emb_table, "bias": bias}

def reference(index, value, emb_table, bias):
    # Embedding lookup: [B, F] -> [B, F, 1]
    x = jnp.take(emb_table, index, axis=0)
    # squeeze last dim: [B, F]
    x = jnp.squeeze(x, axis=-1)
    # wide_addval: elementwise multiply with values
    x = x * value
    # sum over fields: [B]
    x = jnp.sum(x, axis=1)
    # add scalar bias
    x = x + bias
    return x

if __name__ == "__main__":
    import jax
    _d = setup_inputs()
    print(jax.jit(kernel)(*tuple(_d.values())))

</pallas_src>

<mosaic_0001>
#map = affine_map<(d0, d1) -> (0, 0)>
#map1 = affine_map<(d0, d1) -> (0)>
module attributes {stable_mosaic.version = 14 : i64} {
  func.func @k(%arg0: i32, %arg1: i32, %arg2: memref<100x16384xi32, #tpu.memory_space<hbm>>, %arg3: memref<100x16384xf32, #tpu.memory_space<hbm>>, %arg4: memref<1x1000001xf32, #tpu.memory_space<hbm>>, %arg5: memref<1xf32, #tpu.memory_space<hbm>>, %arg6: memref<16384xf32, #tpu.memory_space<hbm>>, %arg7: memref<100x128xi32, #tpu.memory_space<vmem>>, %arg8: memref<100x128xi32, #tpu.memory_space<vmem>>, %arg9: memref<100x128xf32, #tpu.memory_space<vmem>>, %arg10: memref<100x128xf32, #tpu.memory_space<vmem>>, %arg11: memref<128xf32, #tpu.memory_space<vmem>>, %arg12: memref<16xf32, #tpu.memory_space<vmem>>, %arg13: memref<1000001xf32, #tpu.memory_space<vmem_shared>>, %arg14: memref<6400xf32, #tpu.memory_space<vmem>>, %arg15: memref<6400xf32, #tpu.memory_space<vmem>>, %arg16: memref<!tpu.dma_semaphore, #tpu.memory_space<semaphore_mem>>, %arg17: memref<!tpu.dma_semaphore, #tpu.memory_space<semaphore_mem>>, %arg18: memref<!tpu.dma_semaphore, #tpu.memory_space<semaphore_mem>>, %arg19: memref<!tpu.dma_semaphore, #tpu.memory_space<semaphore_mem>>) attributes {dimension_semantics = [#tpu.dimension_semantics<core_parallel>, #tpu.dimension_semantics<subcore_parallel>], iteration_bounds = array<i64: 2, 16>, scalar_prefetch = 0 : i64, scratch_operands = 13 : i64, tpu.core_type = #tpu.core_type<sc_vector_subcore>, window_params = [{transform_indices = #map}, {transform_indices = #map}, {transform_indices = #map}, {transform_indices = #map1}, {transform_indices = #map1}]} {
    %mul3A = arith.constant 2 : i32
    %mul3A_0 = arith.muli %arg1, %mul3A : i32
    %add3A = arith.addi %mul3A_0, %arg0 : i32
    %mul3A_1 = arith.constant 512 : i32
    %mul3A_2 = arith.muli %add3A, %mul3A_1 : i32
    "tpu.trace_start"() <{level = 10 : i32, message = "stage_table"}> : () -> ()
    %add3A_3 = arith.constant 0 : i32
    %add3A_4 = arith.addi %mul3A_2, %add3A_3 : i32
    %dma_start3A = arith.constant 0 : i32
    %dma_start3A_5 = tpu.memref_slice %arg2[%dma_start3A, %add3A_4] : memref<100x16384xi32, #tpu.memory_space<hbm>> -> memref<100x128xi32, #tpu.memory_space<hbm>>
    %dma_start3A_6 = arith.constant 0 : i32
    %dma_start3A_7 = tpu.memref_slice %arg2[%dma_start3A_6, %add3A_4] : memref<100x16384xi32, #tpu.memory_space<hbm>> -> memref<100x128xi32, #tpu.memory_space<hbm>>
    tpu.enqueue_dma source(%dma_start3A_7 : memref<100x128xi32, #tpu.memory_space<hbm>>) target(%arg7 : memref<100x128xi32, #tpu.memory_space<vmem>>) target_semaphore(%arg17 : memref<!tpu.dma_semaphore, #tpu.memory_space<semaphore_mem>>)
    %add3A_8 = arith.constant 0 : i32
    %add3A_9 = arith.addi %mul3A_2, %add3A_8 : i32
    %dma_start3A_10 = arith.constant 0 : i32
    %dma_start3A_11 = tpu.memref_slice %arg3[%dma_start3A_10, %add3A_9] : memref<100x16384xf32, #tpu.memory_space<hbm>> -> memref<100x128xf32, #tpu.memory_space<hbm>>
    %dma_start3A_12 = arith.constant 0 : i32
    %dma_start3A_13 = tpu.memref_slice %arg3[%dma_start3A_12, %add3A_9] : memref<100x16384xf32, #tpu.memory_space<hbm>> -> memref<100x128xf32, #tpu.memory_space<hbm>>
    tpu.enqueue_dma source(%dma_start3A_13 : memref<100x128xf32, #tpu.memory_space<hbm>>) target(%arg9 : memref<100x128xf32, #tpu.memory_space<vmem>>) target_semaphore(%arg18 : memref<!tpu.dma_semaphore, #tpu.memory_space<semaphore_mem>>)
    %lt3A = arith.constant 156 : i32
    %lt3A_14 = arith.cmpi slt, %arg1, %lt3A : i32
    %convert_element_type3A = arith.extui %lt3A_14 : i1 to i32
    %cond3A = arith.constant 0 : i32
    %cond3A_15 = arith.constant 0 : i32
    %cond3A_16 = arith.cmpi ne, %convert_element_type3A, %cond3A_15 : i32
    scf.if %cond3A_16 {
      %mul3A_661 = arith.constant 6400 : i32
      %mul3A_662 = arith.muli %arg1, %mul3A_661 : i32
      %dma_start3A_663 = arith.constant 0 : i32
      %dma_start3A_664 = tpu.memref_slice %arg4[%cond3A, %dma_start3A_663] : memref<1x1000001xf32, #tpu.memory_space<hbm>> -> memref<1x1000001xf32, #tpu.memory_space<hbm>>
      %dma_start3A_665 = tpu.memref_squeeze %dma_start3A_664 : memref<1x1000001xf32, #tpu.memory_space<hbm>> -> memref<1000001xf32, #tpu.memory_space<hbm>>
      %dma_start3A_666 = tpu.memref_slice %dma_start3A_665[%mul3A_662] : memref<1000001xf32, #tpu.memory_space<hbm>> -> memref<6400xf32, #tpu.memory_space<hbm>>
      %dma_start3A_667 = arith.constant 0 : i32
      %dma_start3A_668 = tpu.memref_slice %arg4[%cond3A, %dma_start3A_667] : memref<1x1000001xf32, #tpu.memory_space<hbm>> -> memref<1x1000001xf32, #tpu.memory_space<hbm>>
      %dma_start3A_669 = tpu.memref_squeeze %dma_start3A_668 : memref<1x1000001xf32, #tpu.memory_space<hbm>> -> memref<1000001xf32, #tpu.memory_space<hbm>>
      %dma_start3A_670 = tpu.memref_slice %dma_start3A_669[%mul3A_662] : memref<1000001xf32, #tpu.memory_space<hbm>> -> memref<6400xf32, #tpu.memory_space<hbm>>
      tpu.enqueue_dma source(%dma_start3A_670 : memref<6400xf32, #tpu.memory_space<hbm>>) target(%arg14 : memref<6400xf32, #tpu.memory_space<vmem>>) target_semaphore(%arg16 : memref<!tpu.dma_semaphore, #tpu.memory_space<semaphore_mem>>)
    } else {
    }
    %add3A_17 = arith.constant 0 : i32
    %add3A_18 = arith.addi %arg1, %add3A_17 : i32
    %add3A_19 = arith.constant 16 : i32
    %add3A_20 = arith.addi %arg1, %add3A_19 : i32
    %lt3A_21 = arith.constant 156 : i32
    %lt3A_22 = arith.cmpi slt, %add3A_20, %lt3A_21 : i32
    %convert_element_type3A_23 = arith.extui %lt3A_22 : i1 to i32
    %cond3A_24 = arith.constant 0 : i32
    %cond3A_25 = arith.constant 0 : i32
    %cond3A_26 = arith.cmpi ne, %convert_element_type3A_23, %cond3A_25 : i32
    scf.if %cond3A_26 {
      %mul3A_661 = arith.constant 6400 : i32
      %mul3A_662 = arith.muli %add3A_20, %mul3A_661 : i32
      %dma_start3A_663 = arith.constant 0 : i32
      %dma_start3A_664 = tpu.memref_slice %arg4[%cond3A_24, %dma_start3A_663] : memref<1x1000001xf32, #tpu.memory_space<hbm>> -> memref<1x1000001xf32, #tpu.memory_space<hbm>>
      %dma_start3A_665 = tpu.memref_squeeze %dma_start3A_664 : memref<1x1000001xf32, #tpu.memory_space<hbm>> -> memref<1000001xf32, #tpu.memory_space<hbm>>
      %dma_start3A_666 = tpu.memref_slice %dma_start3A_665[%mul3A_662] : memref<1000001xf32, #tpu.memory_space<hbm>> -> memref<6400xf32, #tpu.memory_space<hbm>>
      %dma_start3A_667 = arith.constant 0 : i32
      %dma_start3A_668 = tpu.memref_slice %arg4[%cond3A_24, %dma_start3A_667] : memref<1x1000001xf32, #tpu.memory_space<hbm>> -> memref<1x1000001xf32, #tpu.memory_space<hbm>>
      %dma_start3A_669 = tpu.memref_squeeze %dma_start3A_668 : memref<1x1000001xf32, #tpu.memory_space<hbm>> -> memref<1000001xf32, #tpu.memory_space<hbm>>
      %dma_start3A_670 = tpu.memref_slice %dma_start3A_669[%mul3A_662] : memref<1000001xf32, #tpu.memory_space<hbm>> -> memref<6400xf32, #tpu.memory_space<hbm>>
      tpu.enqueue_dma source(%dma_start3A_670 : memref<6400xf32, #tpu.memory_space<hbm>>) target(%arg15 : memref<6400xf32, #tpu.memory_space<vmem>>) target_semaphore(%arg16 : memref<!tpu.dma_semaphore, #tpu.memory_space<semaphore_mem>>)
    } else {
    }
    %lt3A_27 = arith.constant 156 : i32
    %lt3A_28 = arith.cmpi slt, %add3A_18, %lt3A_27 : i32
    %convert_element_type3A_29 = arith.extui %lt3A_28 : i1 to i32
    %cond3A_30 = arith.constant 0 : i32
    %cond3A_31 = arith.constant 0 : i32
    %cond3A_32 = arith.cmpi ne, %convert_element_type3A_29, %cond3A_31 : i32
    scf.if %cond3A_32 {
      %mul3A_661 = arith.constant 6400 : i32
      %mul3A_662 = arith.muli %add3A_18, %mul3A_661 : i32
      %dma_wait3A_663 = arith.constant 0 : i32
      %dma_wait3A_664 = tpu.memref_slice %arg4[%cond3A_30, %dma_wait3A_663] : memref<1x1000001xf32, #tpu.memory_space<hbm>> -> memref<1x1000001xf32, #tpu.memory_space<hbm>>
      %dma_wait3A_665 = tpu.memref_squeeze %dma_wait3A_664 : memref<1x1000001xf32, #tpu.memory_space<hbm>> -> memref<1000001xf32, #tpu.memory_space<hbm>>
      %dma_wait3A_666 = tpu.memref_slice %dma_wait3A_665[%mul3A_662] : memref<1000001xf32, #tpu.memory_space<hbm>> -> memref<6400xf32, #tpu.memory_space<hbm>>
      %dma_wait3A_667 = arith.constant 0 : i32
      %dma_wait3A_668 = tpu.memref_slice %arg4[%cond3A_30, %dma_wait3A_667] : memref<1x1000001xf32, #tpu.memory_space<hbm>> -> memref<1x1000001xf32, #tpu.memory_space<hbm>>
      %dma_wait3A_669 = tpu.memref_squeeze %dma_wait3A_668 : memref<1x1000001xf32, #tpu.memory_space<hbm>> -> memref<1000001xf32, #tpu.memory_space<hbm>>
      %dma_wait3A_670 = tpu.memref_slice %dma_wait3A_669[%mul3A_662] : memref<1000001xf32, #tpu.memory_space<hbm>> -> memref<6400xf32, #tpu.memory_space<hbm>>
      tpu.wait_dma2 semaphore(%arg16 : memref<!tpu.dma_semaphore, #tpu.memory_space<semaphore_mem>>) src(%dma_wait3A_670 : memref<6400xf32, #tpu.memory_space<hbm>>) dst(%arg14 : memref<6400xf32, #tpu.memory_space<vmem>>)
      %mul3A_671 = arith.constant 6400 : i32
      %mul3A_672 = arith.muli %add3A_18, %mul3A_671 : i32
      "tpu.region"() ({
        %run_scoped3A = tpu.sem_alloc : memref<!tpu.dma_semaphore, #tpu.memory_space<semaphore_mem>>
        %dma_start3A_673 = tpu.memref_slice %arg13[%mul3A_672] : memref<1000001xf32, #tpu.memory_space<vmem_shared>> -> memref<6400xf32, #tpu.memory_space<vmem_shared>>
        %dma_start3A_674 = tpu.memref_slice %arg13[%mul3A_672] : memref<1000001xf32, #tpu.memory_space<vmem_shared>> -> memref<6400xf32, #tpu.memory_space<vmem_shared>>
        tpu.enqueue_dma source(%arg14 : memref<6400xf32, #tpu.memory_space<vmem>>) target(%dma_start3A_674 : memref<6400xf32, #tpu.memory_space<vmem_shared>>) target_semaphore(%run_scoped3A : memref<!tpu.dma_semaphore, #tpu.memory_space<semaphore_mem>>)
        %dma_wait3A_675 = tpu.memref_slice %arg13[%mul3A_672] : memref<1000001xf32, #tpu.memory_space<vmem_shared>> -> memref<6400xf32, #tpu.memory_space<vmem_shared>>
        %dma_wait3A_676 = tpu.memref_slice %arg13[%mul3A_672] : memref<1000001xf32, #tpu.memory_space<vmem_shared>> -> memref<6400xf32, #tpu.memory_space<vmem_shared>>
        tpu.wait_dma2 semaphore(%run_scoped3A : memref<!tpu.dma_semaphore, #tpu.memory_space<semaphore_mem>>) src(%arg14 : memref<6400xf32, #tpu.memory_space<vmem>>) dst(%dma_wait3A_676 : memref<6400xf32, #tpu.memory_space<vmem_shared>>)
        tpu.yield
      }) : () -> ()
    } else {
    }
    %add3A_33 = arith.constant 16 : i32
    %add3A_34 = arith.addi %arg1, %add3A_33 : i32
    %add3A_35 = arith.constant 32 : i32
    %add3A_36 = arith.addi %arg1, %add3A_35 : i32
    %lt3A_37 = arith.constant 156 : i32
    %lt3A_38 = arith.cmpi slt, %add3A_36, %lt3A_37 : i32
    %convert_element_type3A_39 = arith.extui %lt3A_38 : i1 to i32
    %cond3A_40 = arith.constant 0 : i32
    %cond3A_41 = arith.constant 0 : i32
    %cond3A_42 = arith.cmpi ne, %convert_element_type3A_39, %cond3A_41 : i32
    scf.if %cond3A_42 {
      %mul3A_661 = arith.constant 6400 : i32
      %mul3A_662 = arith.muli %add3A_36, %mul3A_661 : i32
      %dma_start3A_663 = arith.constant 0 : i32
      %dma_start3A_664 = tpu.memref_slice %arg4[%cond3A_40, %dma_start3A_663] : memref<1x1000001xf32, #tpu.memory_space<hbm>> -> memref<1x1000001xf32, #tpu.memory_space<hbm>>
      %dma_start3A_665 = tpu.memref_squeeze %dma_start3A_664 : memref<1x1000001xf32, #tpu.memory_space<hbm>> -> memref<1000001xf32, #tpu.memory_space<hbm>>
      %dma_start3A_666 = tpu.memref_slice %dma_start3A_665[%mul3A_662] : memref<1000001xf32, #tpu.memory_space<hbm>> -> memref<6400xf32, #tpu.memory_space<hbm>>
      %dma_start3A_667 = arith.constant 0 : i32
      %dma_start3A_668 = tpu.memref_slice %arg4[%cond3A_40, %dma_start3A_667] : memref<1x1000001xf32, #tpu.memory_space<hbm>> -> memref<1x1000001xf32, #tpu.memory_space<hbm>>
      %dma_start3A_669 = tpu.memref_squeeze %dma_start3A_668 : memref<1x1000001xf32, #tpu.memory_space<hbm>> -> memref<1000001xf32, #tpu.memory_space<hbm>>
      %dma_start3A_670 = tpu.memref_slice %dma_start3A_669[%mul3A_662] : memref<1000001xf32, #tpu.memory_space<hbm>> -> memref<6400xf32, #tpu.memory_space<hbm>>
      tpu.enqueue_dma source(%dma_start3A_670 : memref<6400xf32, #tpu.memory_space<hbm>>) target(%arg14 : memref<6400xf32, #tpu.memory_space<vmem>>) target_semaphore(%arg16 : memref<!tpu.dma_semaphore, #tpu.memory_space<semaphore_mem>>)
    } else {
    }
    %lt3A_43 = arith.constant 156 : i32
    %lt3A_44 = arith.cmpi slt, %add3A_34, %lt3A_43 : i32
    %convert_element_type3A_45 = arith.extui %lt3A_44 : i1 to i32
    %cond3A_46 = arith.constant 0 : i32
    %cond3A_47 = arith.constant 0 : i32
    %cond3A_48 = arith.cmpi ne, %convert_element_type3A_45, %cond3A_47 : i32
    scf.if %cond3A_48 {
      %mul3A_661 = arith.constant 6400 : i32
      %mul3A_662 = arith.muli %add3A_34, %mul3A_661 : i32
      %dma_wait3A_663 = arith.constant 0 : i32
      %dma_wait3A_664 = tpu.memref_slice %arg4[%cond3A_46, %dma_wait3A_663] : memref<1x1000001xf32, #tpu.memory_space<hbm>> -> memref<1x1000001xf32, #tpu.memory_space<hbm>>
      %dma_wait3A_665 = tpu.memref_squeeze %dma_wait3A_664 : memref<1x1000001xf32, #tpu.memory_space<hbm>> -> memref<1000001xf32, #tpu.memory_space<hbm>>
      %dma_wait3A_666 = tpu.memref_slice %dma_wait3A_665[%mul3A_662] : memref<1000001xf32, #tpu.memory_space<hbm>> -> memref<6400xf32, #tpu.memory_space<hbm>>
      %dma_wait3A_667 = arith.constant 0 : i32
      %dma_wait3A_668 = tpu.memref_slice %arg4[%cond3A_46, %dma_wait3A_667] : memref<1x1000001xf32, #tpu.memory_space<hbm>> -> memref<1x1000001xf32, #tpu.memory_space<hbm>>
      %dma_wait3A_669 = tpu.memref_squeeze %dma_wait3A_668 : memref<1x1000001xf32, #tpu.memory_space<hbm>> -> memref<1000001xf32, #tpu.memory_space<hbm>>
      %dma_wait3A_670 = tpu.memref_slice %dma_wait3A_669[%mul3A_662] : memref<1000001xf32, #tpu.memory_space<hbm>> -> memref<6400xf32, #tpu.memory_space<hbm>>
      tpu.wait_dma2 semaphore(%arg16 : memref<!tpu.dma_semaphore, #tpu.memory_space<semaphore_mem>>) src(%dma_wait3A_670 : memref<6400xf32, #tpu.memory_space<hbm>>) dst(%arg15 : memref<6400xf32, #tpu.memory_space<vmem>>)
      %mul3A_671 = arith.constant 6400 : i32
      %mul3A_672 = arith.muli %add3A_34, %mul3A_671 : i32
      "tpu.region"() ({
        %run_scoped3A = tpu.sem_alloc : memref<!tpu.dma_semaphore, #tpu.memory_space<semaphore_mem>>
        %dma_start3A_673 = tpu.memref_slice %arg13[%mul3A_672] : memref<1000001xf32, #tpu.memory_space<vmem_shared>> -> memref<6400xf32, #tpu.memory_space<vmem_shared>>
        %dma_start3A_674 = tpu.memref_slice %arg13[%mul3A_672] : memref<1000001xf32, #tpu.memory_space<vmem_shared>> -> memref<6400xf32, #tpu.memory_space<vmem_shared>>
        tpu.enqueue_dma source(%arg15 : memref<6400xf32, #tpu.memory_space<vmem>>) target(%dma_start3A_674 : memref<6400xf32, #tpu.memory_space<vmem_shared>>) target_semaphore(%run_scoped3A : memref<!tpu.dma_semaphore, #tpu.memory_space<semaphore_mem>>)
        %dma_wait3A_675 = tpu.memref_slice %arg13[%mul3A_672] : memref<1000001xf32, #tpu.memory_space<vmem_shared>> -> memref<6400xf32, #tpu.memory_space<vmem_shared>>
        %dma_wait3A_676 = tpu.memref_slice %arg13[%mul3A_672] : memref<1000001xf32, #tpu.memory_space<vmem_shared>> -> memref<6400xf32, #tpu.memory_space<vmem_shared>>
        tpu.wait_dma2 semaphore(%run_scoped3A : memref<!tpu.dma_semaphore, #tpu.memory_space<semaphore_mem>>) src(%arg15 : memref<6400xf32, #tpu.memory_space<vmem>>) dst(%dma_wait3A_676 : memref<6400xf32, #tpu.memory_space<vmem_shared>>)
        tpu.yield
      }) : () -> ()
    } else {
    }
    %add3A_49 = arith.constant 32 : i32
    %add3A_50 = arith.addi %arg1, %add3A_49 : i32
    %add3A_51 = arith.constant 48 : i32
    %add3A_52 = arith.addi %arg1, %add3A_51 : i32
    %lt3A_53 = arith.constant 156 : i32
    %lt3A_54 = arith.cmpi slt, %add3A_52, %lt3A_53 : i32
    %convert_element_type3A_55 = arith.extui %lt3A_54 : i1 to i32
    %cond3A_56 = arith.constant 0 : i32
    %cond3A_57 = arith.constant 0 : i32
    %cond3A_58 = arith.cmpi ne, %convert_element_type3A_55, %cond3A_57 : i32
    scf.if %cond3A_58 {
      %mul3A_661 = arith.constant 6400 : i32
      %mul3A_662 = arith.muli %add3A_52, %mul3A_661 : i32
      %dma_start3A_663 = arith.constant 0 : i32
      %dma_start3A_664 = tpu.memref_slice %arg4[%cond3A_56, %dma_start3A_663] : memref<1x1000001xf32, #tpu.memory_space<hbm>> -> memref<1x1000001xf32, #tpu.memory_space<hbm>>
      %dma_start3A_665 = tpu.memref_squeeze %dma_start3A_664 : memref<1x1000001xf32, #tpu.memory_space<hbm>> -> memref<1000001xf32, #tpu.memory_space<hbm>>
      %dma_start3A_666 = tpu.memref_slice %dma_start3A_665[%mul3A_662] : memref<1000001xf32, #tpu.memory_space<hbm>> -> memref<6400xf32, #tpu.memory_space<hbm>>
      %dma_start3A_667 = arith.constant 0 : i32
      %dma_start3A_668 = tpu.memref_slice %arg4[%cond3A_56, %dma_start3A_667] : memref<1x1000001xf32, #tpu.memory_space<hbm>> -> memref<1x1000001xf32, #tpu.memory_space<hbm>>
      %dma_start3A_669 = tpu.memref_squeeze %dma_start3A_668 : memref<1x1000001xf32, #tpu.memory_space<hbm>> -> memref<1000001xf32, #tpu.memory_space<hbm>>
      %dma_start3A_670 = tpu.memref_slice %dma_start3A_669[%mul3A_662] : memref<1000001xf32, #tpu.memory_space<hbm>> -> memref<6400xf32, #tpu.memory_space<hbm>>
      tpu.enqueue_dma source(%dma_start3A_670 : memref<6400xf32, #tpu.memory_space<hbm>>) target(%arg15 : memref<6400xf32, #tpu.memory_space<vmem>>) target_semaphore(%arg16 : memref<!tpu.dma_semaphore, #tpu.memory_space<semaphore_mem>>)
    } else {
    }
    %lt3A_59 = arith.constant 156 : i32
    %lt3A_60 = arith.cmpi slt, %add3A_50, %lt3A_59 : i32
    %convert_element_type3A_61 = arith.extui %lt3A_60 : i1 to i32
    %cond3A_62 = arith.constant 0 : i32
    %cond3A_63 = arith.constant 0 : i32
    %cond3A_64 = arith.cmpi ne, %convert_element_type3A_61, %cond3A_63 : i32
    scf.if %cond3A_64 {
      %mul3A_661 = arith.constant 6400 : i32
      %mul3A_662 = arith.muli %add3A_50, %mul3A_661 : i32
      %dma_wait3A_663 = arith.constant 0 : i32
      %dma_wait3A_664 = tpu.memref_slice %arg4[%cond3A_62, %dma_wait3A_663] : memref<1x1000001xf32, #tpu.memory_space<hbm>> -> memref<1x1000001xf32, #tpu.memory_space<hbm>>
      %dma_wait3A_665 = tpu.memref_squeeze %dma_wait3A_664 : memref<1x1000001xf32, #tpu.memory_space<hbm>> -> memref<1000001xf32, #tpu.memory_space<hbm>>
      %dma_wait3A_666 = tpu.memref_slice %dma_wait3A_665[%mul3A_662] : memref<1000001xf32, #tpu.memory_space<hbm>> -> memref<6400xf32, #tpu.memory_space<hbm>>
      %dma_wait3A_667 = arith.constant 0 : i32
      %dma_wait3A_668 = tpu.memref_slice %arg4[%cond3A_62, %dma_wait3A_667] : memref<1x1000001xf32, #tpu.memory_space<hbm>> -> memref<1x1000001xf32, #tpu.memory_space<hbm>>
      %dma_wait3A_669 = tpu.memref_squeeze %dma_wait3A_668 : memref<1x1000001xf32, #tpu.memory_space<hbm>> -> memref<1000001xf32, #tpu.memory_space<hbm>>
      %dma_wait3A_670 = tpu.memref_slice %dma_wait3A_669[%mul3A_662] : memref<1000001xf32, #tpu.memory_space<hbm>> -> memref<6400xf32, #tpu.memory_space<hbm>>
      tpu.wait_dma2 semaphore(%arg16 : memref<!tpu.dma_semaphore, #tpu.memory_space<semaphore_mem>>) src(%dma_wait3A_670 : memref<6400xf32, #tpu.memory_space<hbm>>) dst(%arg14 : memref<6400xf32, #tpu.memory_space<vmem>>)
      %mul3A_671 = arith.constant 6400 : i32
      %mul3A_672 = arith.muli %add3A_50, %mul3A_671 : i32
      "tpu.region"() ({
        %run_scoped3A = tpu.sem_alloc : memref<!tpu.dma_semaphore, #tpu.memory_space<semaphore_mem>>
        %dma_start3A_673 = tpu.memref_slice %arg13[%mul3A_672] : memref<1000001xf32, #tpu.memory_space<vmem_shared>> -> memref<6400xf32, #tpu.memory_space<vmem_shared>>
        %dma_start3A_674 = tpu.memref_slice %arg13[%mul3A_672] : memref<1000001xf32, #tpu.memory_space<vmem_shared>> -> memref<6400xf32, #tpu.memory_space<vmem_shared>>
        tpu.enqueue_dma source(%arg14 : memref<6400xf32, #tpu.memory_space<vmem>>) target(%dma_start3A_674 : memref<6400xf32, #tpu.memory_space<vmem_shared>>) target_semaphore(%run_scoped3A : memref<!tpu.dma_semaphore, #tpu.memory_space<semaphore_mem>>)
        %dma_wait3A_675 = tpu.memref_slice %arg13[%mul3A_672] : memref<1000001xf32, #tpu.memory_space<vmem_shared>> -> memref<6400xf32, #tpu.memory_space<vmem_shared>>
        %dma_wait3A_676 = tpu.memref_slice %arg13[%mul3A_672] : memref<1000001xf32, #tpu.memory_space<vmem_shared>> -> memref<6400xf32, #tpu.memory_space<vmem_shared>>
        tpu.wait_dma2 semaphore(%run_scoped3A : memref<!tpu.dma_semaphore, #tpu.memory_space<semaphore_mem>>) src(%arg14 : memref<6400xf32, #tpu.memory_space<vmem>>) dst(%dma_wait3A_676 : memref<6400xf32, #tpu.memory_space<vmem_shared>>)
        tpu.yield
      }) : () -> ()
    } else {
    }
    %add3A_65 = arith.constant 48 : i32
    %add3A_66 = arith.addi %arg1, %add3A_65 : i32
    %add3A_67 = arith.constant 64 : i32
    %add3A_68 = arith.addi %arg1, %add3A_67 : i32
    %lt3A_69 = arith.constant 156 : i32
    %lt3A_70 = arith.cmpi slt, %add3A_68, %lt3A_69 : i32
    %convert_element_type3A_71 = arith.extui %lt3A_70 : i1 to i32
    %cond3A_72 = arith.constant 0 : i32
    %cond3A_73 = arith.constant 0 : i32
    %cond3A_74 = arith.cmpi ne, %convert_element_type3A_71, %cond3A_73 : i32
    scf.if %cond3A_74 {
      %mul3A_661 = arith.constant 6400 : i32
      %mul3A_662 = arith.muli %add3A_68, %mul3A_661 : i32
      %dma_start3A_663 = arith.constant 0 : i32
      %dma_start3A_664 = tpu.memref_slice %arg4[%cond3A_72, %dma_start3A_663] : memref<1x1000001xf32, #tpu.memory_space<hbm>> -> memref<1x1000001xf32, #tpu.memory_space<hbm>>
      %dma_start3A_665 = tpu.memref_squeeze %dma_start3A_664 : memref<1x1000001xf32, #tpu.memory_space<hbm>> -> memref<1000001xf32, #tpu.memory_space<hbm>>
      %dma_start3A_666 = tpu.memref_slice %dma_start3A_665[%mul3A_662] : memref<1000001xf32, #tpu.memory_space<hbm>> -> memref<6400xf32, #tpu.memory_space<hbm>>
      %dma_start3A_667 = arith.constant 0 : i32
      %dma_start3A_668 = tpu.memref_slice %arg4[%cond3A_72, %dma_start3A_667] : memref<1x1000001xf32, #tpu.memory_space<hbm>> -> memref<1x1000001xf32, #tpu.memory_space<hbm>>
      %dma_start3A_669 = tpu.memref_squeeze %dma_start3A_668 : memref<1x1000001xf32, #tpu.memory_space<hbm>> -> memref<1000001xf32, #tpu.memory_space<hbm>>
      %dma_start3A_670 = tpu.memref_slice %dma_start3A_669[%mul3A_662] : memref<1000001xf32, #tpu.memory_space<hbm>> -> memref<6400xf32, #tpu.memory_space<hbm>>
      tpu.enqueue_dma source(%dma_start3A_670 : memref<6400xf32, #tpu.memory_space<hbm>>) target(%arg14 : memref<6400xf32, #tpu.memory_space<vmem>>) target_semaphore(%arg16 : memref<!tpu.dma_semaphore, #tpu.memory_space<semaphore_mem>>)
    } else {
    }
    %lt3A_75 = arith.constant 156 : i32
    %lt3A_76 = arith.cmpi slt, %add3A_66, %lt3A_75 : i32
    %convert_element_type3A_77 = arith.extui %lt3A_76 : i1 to i32
    %cond3A_78 = arith.constant 0 : i32
    %cond3A_79 = arith.constant 0 : i32
    %cond3A_80 = arith.cmpi ne, %convert_element_type3A_77, %cond3A_79 : i32
    scf.if %cond3A_80 {
      %mul3A_661 = arith.constant 6400 : i32
      %mul3A_662 = arith.muli %add3A_66, %mul3A_661 : i32
      %dma_wait3A_663 = arith.constant 0 : i32
      %dma_wait3A_664 = tpu.memref_slice %arg4[%cond3A_78, %dma_wait3A_663] : memref<1x1000001xf32, #tpu.memory_space<hbm>> -> memref<1x1000001xf32, #tpu.memory_space<hbm>>
      %dma_wait3A_665 = tpu.memref_squeeze %dma_wait3A_664 : memref<1x1000001xf32, #tpu.memory_space<hbm>> -> memref<1000001xf32, #tpu.memory_space<hbm>>
      %dma_wait3A_666 = tpu.memref_slice %dma_wait3A_665[%mul3A_662] : memref<1000001xf32, #tpu.memory_space<hbm>> -> memref<6400xf32, #tpu.memory_space<hbm>>
      %dma_wait3A_667 = arith.constant 0 : i32
      %dma_wait3A_668 = tpu.memref_slice %arg4[%cond3A_78, %dma_wait3A_667] : memref<1x1000001xf32, #tpu.memory_space<hbm>> -> memref<1x1000001xf32, #tpu.memory_space<hbm>>
      %dma_wait3A_669 = tpu.memref_squeeze %dma_wait3A_668 : memref<1x1000001xf32, #tpu.memory_space<hbm>> -> memref<1000001xf32, #tpu.memory_space<hbm>>
      %dma_wait3A_670 = tpu.memref_slice %dma_wait3A_669[%mul3A_662] : memref<1000001xf32, #tpu.memory_space<hbm>> -> memref<6400xf32, #tpu.memory_space<hbm>>
      tpu.wait_dma2 semaphore(%arg16 : memref<!tpu.dma_semaphore, #tpu.memory_space<semaphore_mem>>) src(%dma_wait3A_670 : memref<6400xf32, #tpu.memory_space<hbm>>) dst(%arg15 : memref<6400xf32, #tpu.memory_space<vmem>>)
      %mul3A_671 = arith.constant 6400 : i32
      %mul3A_672 = arith.muli %add3A_66, %mul3A_671 : i32
      "tpu.region"() ({
        %run_scoped3A = tpu.sem_alloc : memref<!tpu.dma_semaphore, #tpu.memory_space<semaphore_mem>>
        %dma_start3A_673 = tpu.memref_slice %arg13[%mul3A_672] : memref<1000001xf32, #tpu.memory_space<vmem_shared>> -> memref<6400xf32, #tpu.memory_space<vmem_shared>>
        %dma_start3A_674 = tpu.memref_slice %arg13[%mul3A_672] : memref<1000001xf32, #tpu.memory_space<vmem_shared>> -> memref<6400xf32, #tpu.memory_space<vmem_shared>>
        tpu.enqueue_dma source(%arg15 : memref<6400xf32, #tpu.memory_space<vmem>>) target(%dma_start3A_674 : memref<6400xf32, #tpu.memory_space<vmem_shared>>) target_semaphore(%run_scoped3A : memref<!tpu.dma_semaphore, #tpu.memory_space<semaphore_mem>>)
        %dma_wait3A_675 = tpu.memref_slice %arg13[%mul3A_672] : memref<1000001xf32, #tpu.memory_space<vmem_shared>> -> memref<6400xf32, #tpu.memory_space<vmem_shared>>
        %dma_wait3A_676 = tpu.memref_slice %arg13[%mul3A_672] : memref<1000001xf32, #tpu.memory_space<vmem_shared>> -> memref<6400xf32, #tpu.memory_space<vmem_shared>>
        tpu.wait_dma2 semaphore(%run_scoped3A : memref<!tpu.dma_semaphore, #tpu.memory_space<semaphore_mem>>) src(%arg15 : memref<6400xf32, #tpu.memory_space<vmem>>) dst(%dma_wait3A_676 : memref<6400xf32, #tpu.memory_space<vmem_shared>>)
        tpu.yield
      }) : () -> ()
    } else {
    }
    %add3A_81 = arith.constant 64 : i32
    %add3A_82 = arith.addi %arg1, %add3A_81 : i32
    %add3A_83 = arith.constant 80 : i32
    %add3A_84 = arith.addi %arg1, %add3A_83 : i32
    %lt3A_85 = arith.constant 156 : i32
    %lt3A_86 = arith.cmpi slt, %add3A_84, %lt3A_85 : i32
    %convert_element_type3A_87 = arith.extui %lt3A_86 : i1 to i32
    %cond3A_88 = arith.constant 0 : i32
    %cond3A_89 = arith.constant 0 : i32
    %cond3A_90 = arith.cmpi ne, %convert_element_type3A_87, %cond3A_89 : i32
    scf.if %cond3A_90 {
      %mul3A_661 = arith.constant 6400 : i32
      %mul3A_662 = arith.muli %add3A_84, %mul3A_661 : i32
      %dma_start3A_663 = arith.constant 0 : i32
      %dma_start3A_664 = tpu.memref_slice %arg4[%cond3A_88, %dma_start3A_663] : memref<1x1000001xf32, #tpu.memory_space<hbm>> -> memref<1x1000001xf32, #tpu.memory_space<hbm>>
      %dma_start3A_665 = tpu.memref_squeeze %dma_start3A_664 : memref<1x1000001xf32, #tpu.memory_space<hbm>> -> memref<1000001xf32, #tpu.memory_space<hbm>>
      %dma_start3A_666 = tpu.memref_slice %dma_start3A_665[%mul3A_662] : memref<1000001xf32, #tpu.memory_space<hbm>> -> memref<6400xf32, #tpu.memory_space<hbm>>
      %dma_start3A_667 = arith.constant 0 : i32
      %dma_start3A_668 = tpu.memref_slice %arg4[%cond3A_88, %dma_start3A_667] : memref<1x1000001xf32, #tpu.memory_space<hbm>> -> memref<1x1000001xf32, #tpu.memory_space<hbm>>
      %dma_start3A_669 = tpu.memref_squeeze %dma_start3A_668 : memref<1x1000001xf32, #tpu.memory_space<hbm>> -> memref<1000001xf32, #tpu.memory_space<hbm>>
      %dma_start3A_670 = tpu.memref_slice %dma_start3A_669[%mul3A_662] : memref<1000001xf32, #tpu.memory_space<hbm>> -> memref<6400xf32, #tpu.memory_space<hbm>>
      tpu.enqueue_dma source(%dma_start3A_670 : memref<6400xf32, #tpu.memory_space<hbm>>) target(%arg15 : memref<6400xf32, #tpu.memory_space<vmem>>) target_semaphore(%arg16 : memref<!tpu.dma_semaphore, #tpu.memory_space<semaphore_mem>>)
    } else {
    }
    %lt3A_91 = arith.constant 156 : i32
    %lt3A_92 = arith.cmpi slt, %add3A_82, %lt3A_91 : i32
    %convert_element_type3A_93 = arith.extui %lt3A_92 : i1 to i32
    %cond3A_94 = arith.constant 0 : i32
    %cond3A_95 = arith.constant 0 : i32
    %cond3A_96 = arith.cmpi ne, %convert_element_type3A_93, %cond3A_95 : i32
    scf.if %cond3A_96 {
      %mul3A_661 = arith.constant 6400 : i32
      %mul3A_662 = arith.muli %add3A_82, %mul3A_661 : i32
      %dma_wait3A_663 = arith.constant 0 : i32
      %dma_wait3A_664 = tpu.memref_slice %arg4[%cond3A_94, %dma_wait3A_663] : memref<1x1000001xf32, #tpu.memory_space<hbm>> -> memref<1x1000001xf32, #tpu.memory_space<hbm>>
      %dma_wait3A_665 = tpu.memref_squeeze %dma_wait3A_664 : memref<1x1000001xf32, #tpu.memory_space<hbm>> -> memref<1000001xf32, #tpu.memory_space<hbm>>
      %dma_wait3A_666 = tpu.memref_slice %dma_wait3A_665[%mul3A_662] : memref<1000001xf32, #tpu.memory_space<hbm>> -> memref<6400xf32, #tpu.memory_space<hbm>>
      %dma_wait3A_667 = arith.constant 0 : i32
      %dma_wait3A_668 = tpu.memref_slice %arg4[%cond3A_94, %dma_wait3A_667] : memref<1x1000001xf32, #tpu.memory_space<hbm>> -> memref<1x1000001xf32, #tpu.memory_space<hbm>>
      %dma_wait3A_669 = tpu.memref_squeeze %dma_wait3A_668 : memref<1x1000001xf32, #tpu.memory_space<hbm>> -> memref<1000001xf32, #tpu.memory_space<hbm>>
      %dma_wait3A_670 = tpu.memref_slice %dma_wait3A_669[%mul3A_662] : memref<1000001xf32, #tpu.memory_space<hbm>> -> memref<6400xf32, #tpu.memory_space<hbm>>
      tpu.wait_dma2 semaphore(%arg16 : memref<!tpu.dma_semaphore, #tpu.memory_space<semaphore_mem>>) src(%dma_wait3A_670 : memref<6400xf32, #tpu.memory_space<hbm>>) dst(%arg14 : memref<6400xf32, #tpu.memory_space<vmem>>)
      %mul3A_671 = arith.constant 6400 : i32
      %mul3A_672 = arith.muli %add3A_82, %mul3A_671 : i32
      "tpu.region"() ({
        %run_scoped3A = tpu.sem_alloc : memref<!tpu.dma_semaphore, #tpu.memory_space<semaphore_mem>>
        %dma_start3A_673 = tpu.memref_slice %arg13[%mul3A_672] : memref<1000001xf32, #tpu.memory_space<vmem_shared>> -> memref<6400xf32, #tpu.memory_space<vmem_shared>>
        %dma_start3A_674 = tpu.memref_slice %arg13[%mul3A_672] : memref<1000001xf32, #tpu.memory_space<vmem_shared>> -> memref<6400xf32, #tpu.memory_space<vmem_shared>>
        tpu.enqueue_dma source(%arg14 : memref<6400xf32, #tpu.memory_space<vmem>>) target(%dma_start3A_674 : memref<6400xf32, #tpu.memory_space<vmem_shared>>) target_semaphore(%run_scoped3A : memref<!tpu.dma_semaphore, #tpu.memory_space<semaphore_mem>>)
        %dma_wait3A_675 = tpu.memref_slice %arg13[%mul3A_672] : memref<1000001xf32, #tpu.memory_space<vmem_shared>> -> memref<6400xf32, #tpu.memory_space<vmem_shared>>
        %dma_wait3A_676 = tpu.memref_slice %arg13[%mul3A_672] : memref<1000001xf32, #tpu.memory_space<vmem_shared>> -> memref<6400xf32, #tpu.memory_space<vmem_shared>>
        tpu.wait_dma2 semaphore(%run_scoped3A : memref<!tpu.dma_semaphore, #tpu.memory_space<semaphore_mem>>) src(%arg14 : memref<6400xf32, #tpu.memory_space<vmem>>) dst(%dma_wait3A_676 : memref<6400xf32, #tpu.memory_space<vmem_shared>>)
        tpu.yield
      }) : () -> ()
    } else {
    }
    %add3A_97 = arith.constant 80 : i32
    %add3A_98 = arith.addi %arg1, %add3A_97 : i32
    %add3A_99 = arith.constant 96 : i32
    %add3A_100 = arith.addi %arg1, %add3A_99 : i32
    %lt3A_101 = arith.constant 156 : i32
    %lt3A_102 = arith.cmpi slt, %add3A_100, %lt3A_101 : i32
    %convert_element_type3A_103 = arith.extui %lt3A_102 : i1 to i32
    %cond3A_104 = arith.constant 0 : i32
    %cond3A_105 = arith.constant 0 : i32
    %cond3A_106 = arith.cmpi ne, %convert_element_type3A_103, %cond3A_105 : i32
    scf.if %cond3A_106 {
      %mul3A_661 = arith.constant 6400 : i32
      %mul3A_662 = arith.muli %add3A_100, %mul3A_661 : i32
      %dma_start3A_663 = arith.constant 0 : i32
      %dma_start3A_664 = tpu.memref_slice %arg4[%cond3A_104, %dma_start3A_663] : memref<1x1000001xf32, #tpu.memory_space<hbm>> -> memref<1x1000001xf32, #tpu.memory_space<hbm>>
      %dma_start3A_665 = tpu.memref_squeeze %dma_start3A_664 : memref<1x1000001xf32, #tpu.memory_space<hbm>> -> memref<1000001xf32, #tpu.memory_space<hbm>>
      %dma_start3A_666 = tpu.memref_slice %dma_start3A_665[%mul3A_662] : memref<1000001xf32, #tpu.memory_space<hbm>> -> memref<6400xf32, #tpu.memory_space<hbm>>
      %dma_start3A_667 = arith.constant 0 : i32
      %dma_start3A_668 = tpu.memref_slice %arg4[%cond3A_104, %dma_start3A_667] : memref<1x1000001xf32, #tpu.memory_space<hbm>> -> memref<1x1000001xf32, #tpu.memory_space<hbm>>
      %dma_start3A_669 = tpu.memref_squeeze %dma_start3A_668 : memref<1x1000001xf32, #tpu.memory_space<hbm>> -> memref<1000001xf32, #tpu.memory_space<hbm>>
      %dma_start3A_670 = tpu.memref_slice %dma_start3A_669[%mul3A_662] : memref<1000001xf32, #tpu.memory_space<hbm>> -> memref<6400xf32, #tpu.memory_space<hbm>>
      tpu.enqueue_dma source(%dma_start3A_670 : memref<6400xf32, #tpu.memory_space<hbm>>) target(%arg14 : memref<6400xf32, #tpu.memory_space<vmem>>) target_semaphore(%arg16 : memref<!tpu.dma_semaphore, #tpu.memory_space<semaphore_mem>>)
    } else {
    }
    %lt3A_107 = arith.constant 156 : i32
    %lt3A_108 = arith.cmpi slt, %add3A_98, %lt3A_107 : i32
    %convert_element_type3A_109 = arith.extui %lt3A_108 : i1 to i32
    %cond3A_110 = arith.constant 0 : i32
    %cond3A_111 = arith.constant 0 : i32
    %cond3A_112 = arith.cmpi ne, %convert_element_type3A_109, %cond3A_111 : i32
    scf.if %cond3A_112 {
      %mul3A_661 = arith.constant 6400 : i32
      %mul3A_662 = arith.muli %add3A_98, %mul3A_661 : i32
      %dma_wait3A_663 = arith.constant 0 : i32
      %dma_wait3A_664 = tpu.memref_slice %arg4[%cond3A_110, %dma_wait3A_663] : memref<1x1000001xf32, #tpu.memory_space<hbm>> -> memref<1x1000001xf32, #tpu.memory_space<hbm>>
      %dma_wait3A_665 = tpu.memref_squeeze %dma_wait3A_664 : memref<1x1000001xf32, #tpu.memory_space<hbm>> -> memref<1000001xf32, #tpu.memory_space<hbm>>
      %dma_wait3A_666 = tpu.memref_slice %dma_wait3A_665[%mul3A_662] : memref<1000001xf32, #tpu.memory_space<hbm>> -> memref<6400xf32, #tpu.memory_space<hbm>>
      %dma_wait3A_667 = arith.constant 0 : i32
      %dma_wait3A_668 = tpu.memref_slice %arg4[%cond3A_110, %dma_wait3A_667] : memref<1x1000001xf32, #tpu.memory_space<hbm>> -> memref<1x1000001xf32, #tpu.memory_space<hbm>>
      %dma_wait3A_669 = tpu.memref_squeeze %dma_wait3A_668 : memref<1x1000001xf32, #tpu.memory_space<hbm>> -> memref<1000001xf32, #tpu.memory_space<hbm>>
      %dma_wait3A_670 = tpu.memref_slice %dma_wait3A_669[%mul3A_662] : memref<1000001xf32, #tpu.memory_space<hbm>> -> memref<6400xf32, #tpu.memory_space<hbm>>
      tpu.wait_dma2 semaphore(%arg16 : memref<!tpu.dma_semaphore, #tpu.memory_space<semaphore_mem>>) src(%dma_wait3A_670 : memref<6400xf32, #tpu.memory_space<hbm>>) dst(%arg15 : memref<6400xf32, #tpu.memory_space<vmem>>)
      %mul3A_671 = arith.constant 6400 : i32
      %mul3A_672 = arith.muli %add3A_98, %mul3A_671 : i32
      "tpu.region"() ({
        %run_scoped3A = tpu.sem_alloc : memref<!tpu.dma_semaphore, #tpu.memory_space<semaphore_mem>>
        %dma_start3A_673 = tpu.memref_slice %arg13[%mul3A_672] : memref<1000001xf32, #tpu.memory_space<vmem_shared>> -> memref<6400xf32, #tpu.memory_space<vmem_shared>>
        %dma_start3A_674 = tpu.memref_slice %arg13[%mul3A_672] : memref<1000001xf32, #tpu.memory_space<vmem_shared>> -> memref<6400xf32, #tpu.memory_space<vmem_shared>>
        tpu.enqueue_dma source(%arg15 : memref<6400xf32, #tpu.memory_space<vmem>>) target(%dma_start3A_674 : memref<6400xf32, #tpu.memory_space<vmem_shared>>) target_semaphore(%run_scoped3A : memref<!tpu.dma_semaphore, #tpu.memory_space<semaphore_mem>>)
        %dma_wait3A_675 = tpu.memref_slice %arg13[%mul3A_672] : memref<1000001xf32, #tpu.memory_space<vmem_shared>> -> memref<6400xf32, #tpu.memory_space<vmem_shared>>
        %dma_wait3A_676 = tpu.memref_slice %arg13[%mul3A_672] : memref<1000001xf32, #tpu.memory_space<vmem_shared>> -> memref<6400xf32, #tpu.memory_space<vmem_shared>>
        tpu.wait_dma2 semaphore(%run_scoped3A : memref<!tpu.dma_semaphore, #tpu.memory_space<semaphore_mem>>) src(%arg15 : memref<6400xf32, #tpu.memory_space<vmem>>) dst(%dma_wait3A_676 : memref<6400xf32, #tpu.memory_space<vmem_shared>>)
        tpu.yield
      }) : () -> ()
    } else {
    }
    %add3A_113 = arith.constant 96 : i32
    %add3A_114 = arith.addi %arg1, %add3A_113 : i32
    %add3A_115 = arith.constant 112 : i32
    %add3A_116 = arith.addi %arg1, %add3A_115 : i32
    %lt3A_117 = arith.constant 156 : i32
    %lt3A_118 = arith.cmpi slt, %add3A_116, %lt3A_117 : i32
    %convert_element_type3A_119 = arith.extui %lt3A_118 : i1 to i32
    %cond3A_120 = arith.constant 0 : i32
    %cond3A_121 = arith.constant 0 : i32
    %cond3A_122 = arith.cmpi ne, %convert_element_type3A_119, %cond3A_121 : i32
    scf.if %cond3A_122 {
      %mul3A_661 = arith.constant 6400 : i32
      %mul3A_662 = arith.muli %add3A_116, %mul3A_661 : i32
      %dma_start3A_663 = arith.constant 0 : i32
      %dma_start3A_664 = tpu.memref_slice %arg4[%cond3A_120, %dma_start3A_663] : memref<1x1000001xf32, #tpu.memory_space<hbm>> -> memref<1x1000001xf32, #tpu.memory_space<hbm>>
      %dma_start3A_665 = tpu.memref_squeeze %dma_start3A_664 : memref<1x1000001xf32, #tpu.memory_space<hbm>> -> memref<1000001xf32, #tpu.memory_space<hbm>>
      %dma_start3A_666 = tpu.memref_slice %dma_start3A_665[%mul3A_662] : memref<1000001xf32, #tpu.memory_space<hbm>> -> memref<6400xf32, #tpu.memory_space<hbm>>
      %dma_start3A_667 = arith.constant 0 : i32
      %dma_start3A_668 = tpu.memref_slice %arg4[%cond3A_120, %dma_start3A_667] : memref<1x1000001xf32, #tpu.memory_space<hbm>> -> memref<1x1000001xf32, #tpu.memory_space<hbm>>
      %dma_start3A_669 = tpu.memref_squeeze %dma_start3A_668 : memref<1x1000001xf32, #tpu.memory_space<hbm>> -> memref<1000001xf32, #tpu.memory_space<hbm>>
      %dma_start3A_670 = tpu.memref_slice %dma_start3A_669[%mul3A_662] : memref<1000001xf32, #tpu.memory_space<hbm>> -> memref<6400xf32, #tpu.memory_space<hbm>>
      tpu.enqueue_dma source(%dma_start3A_670 : memref<6400xf32, #tpu.memory_space<hbm>>) target(%arg15 : memref<6400xf32, #tpu.memory_space<vmem>>) target_semaphore(%arg16 : memref<!tpu.dma_semaphore, #tpu.memory_space<semaphore_mem>>)
    } else {
    }
    %lt3A_123 = arith.constant 156 : i32
    %lt3A_124 = arith.cmpi slt, %add3A_114, %lt3A_123 : i32
    %convert_element_type3A_125 = arith.extui %lt3A_124 : i1 to i32
    %cond3A_126 = arith.constant 0 : i32
    %cond3A_127 = arith.constant 0 : i32
    %cond3A_128 = arith.cmpi ne, %convert_element_type3A_125, %cond3A_127 : i32
    scf.if %cond3A_128 {
      %mul3A_661 = arith.constant 6400 : i32
      %mul3A_662 = arith.muli %add3A_114, %mul3A_661 : i32
      %dma_wait3A_663 = arith.constant 0 : i32
      %dma_wait3A_664 = tpu.memref_slice %arg4[%cond3A_126, %dma_wait3A_663] : memref<1x1000001xf32, #tpu.memory_space<hbm>> -> memref<1x1000001xf32, #tpu.memory_space<hbm>>
      %dma_wait3A_665 = tpu.memref_squeeze %dma_wait3A_664 : memref<1x1000001xf32, #tpu.memory_space<hbm>> -> memref<1000001xf32, #tpu.memory_space<hbm>>
      %dma_wait3A_666 = tpu.memref_slice %dma_wait3A_665[%mul3A_662] : memref<1000001xf32, #tpu.memory_space<hbm>> -> memref<6400xf32, #tpu.memory_space<hbm>>
      %dma_wait3A_667 = arith.constant 0 : i32
      %dma_wait3A_668 = tpu.memref_slice %arg4[%cond3A_126, %dma_wait3A_667] : memref<1x1000001xf32, #tpu.memory_space<hbm>> -> memref<1x1000001xf32, #tpu.memory_space<hbm>>
      %dma_wait3A_669 = tpu.memref_squeeze %dma_wait3A_668 : memref<1x1000001xf32, #tpu.memory_space<hbm>> -> memref<1000001xf32, #tpu.memory_space<hbm>>
      %dma_wait3A_670 = tpu.memref_slice %dma_wait3A_669[%mul3A_662] : memref<1000001xf32, #tpu.memory_space<hbm>> -> memref<6400xf32, #tpu.memory_space<hbm>>
      tpu.wait_dma2 semaphore(%arg16 : memref<!tpu.dma_semaphore, #tpu.memory_space<semaphore_mem>>) src(%dma_wait3A_670 : memref<6400xf32, #tpu.memory_space<hbm>>) dst(%arg14 : memref<6400xf32, #tpu.memory_space<vmem>>)
      %mul3A_671 = arith.constant 6400 : i32
      %mul3A_672 = arith.muli %add3A_114, %mul3A_671 : i32
      "tpu.region"() ({
        %run_scoped3A = tpu.sem_alloc : memref<!tpu.dma_semaphore, #tpu.memory_space<semaphore_mem>>
        %dma_start3A_673 = tpu.memref_slice %arg13[%mul3A_672] : memref<1000001xf32, #tpu.memory_space<vmem_shared>> -> memref<6400xf32, #tpu.memory_space<vmem_shared>>
        %dma_start3A_674 = tpu.memref_slice %arg13[%mul3A_672] : memref<1000001xf32, #tpu.memory_space<vmem_shared>> -> memref<6400xf32, #tpu.memory_space<vmem_shared>>
        tpu.enqueue_dma source(%arg14 : memref<6400xf32, #tpu.memory_space<vmem>>) target(%dma_start3A_674 : memref<6400xf32, #tpu.memory_space<vmem_shared>>) target_semaphore(%run_scoped3A : memref<!tpu.dma_semaphore, #tpu.memory_space<semaphore_mem>>)
        %dma_wait3A_675 = tpu.memref_slice %arg13[%mul3A_672] : memref<1000001xf32, #tpu.memory_space<vmem_shared>> -> memref<6400xf32, #tpu.memory_space<vmem_shared>>
        %dma_wait3A_676 = tpu.memref_slice %arg13[%mul3A_672] : memref<1000001xf32, #tpu.memory_space<vmem_shared>> -> memref<6400xf32, #tpu.memory_space<vmem_shared>>
        tpu.wait_dma2 semaphore(%run_scoped3A : memref<!tpu.dma_semaphore, #tpu.memory_space<semaphore_mem>>) src(%arg14 : memref<6400xf32, #tpu.memory_space<vmem>>) dst(%dma_wait3A_676 : memref<6400xf32, #tpu.memory_space<vmem_shared>>)
        tpu.yield
      }) : () -> ()
    } else {
    }
    %add3A_129 = arith.constant 112 : i32
    %add3A_130 = arith.addi %arg1, %add3A_129 : i32
    %add3A_131 = arith.constant 128 : i32
    %add3A_132 = arith.addi %arg1, %add3A_131 : i32
    %lt3A_133 = arith.constant 156 : i32
    %lt3A_134 = arith.cmpi slt, %add3A_132, %lt3A_133 : i32
    %convert_element_type3A_135 = arith.extui %lt3A_134 : i1 to i32
    %cond3A_136 = arith.constant 0 : i32
    %cond3A_137 = arith.constant 0 : i32
    %cond3A_138 = arith.cmpi ne, %convert_element_type3A_135, %cond3A_137 : i32
    scf.if %cond3A_138 {
      %mul3A_661 = arith.constant 6400 : i32
      %mul3A_662 = arith.muli %add3A_132, %mul3A_661 : i32
      %dma_start3A_663 = arith.constant 0 : i32
      %dma_start3A_664 = tpu.memref_slice %arg4[%cond3A_136, %dma_start3A_663] : memref<1x1000001xf32, #tpu.memory_space<hbm>> -> memref<1x1000001xf32, #tpu.memory_space<hbm>>
      %dma_start3A_665 = tpu.memref_squeeze %dma_start3A_664 : memref<1x1000001xf32, #tpu.memory_space<hbm>> -> memref<1000001xf32, #tpu.memory_space<hbm>>
      %dma_start3A_666 = tpu.memref_slice %dma_start3A_665[%mul3A_662] : memref<1000001xf32, #tpu.memory_space<hbm>> -> memref<6400xf32, #tpu.memory_space<hbm>>
      %dma_start3A_667 = arith.constant 0 : i32
      %dma_start3A_668 = tpu.memref_slice %arg4[%cond3A_136, %dma_start3A_667] : memref<1x1000001xf32, #tpu.memory_space<hbm>> -> memref<1x1000001xf32, #tpu.memory_space<hbm>>
      %dma_start3A_669 = tpu.memref_squeeze %dma_start3A_668 : memref<1x1000001xf32, #tpu.memory_space<hbm>> -> memref<1000001xf32, #tpu.memory_space<hbm>>
      %dma_start3A_670 = tpu.memref_slice %dma_start3A_669[%mul3A_662] : memref<1000001xf32, #tpu.memory_space<hbm>> -> memref<6400xf32, #tpu.memory_space<hbm>>
      tpu.enqueue_dma source(%dma_start3A_670 : memref<6400xf32, #tpu.memory_space<hbm>>) target(%arg14 : memref<6400xf32, #tpu.memory_space<vmem>>) target_semaphore(%arg16 : memref<!tpu.dma_semaphore, #tpu.memory_space<semaphore_mem>>)
    } else {
    }
    %lt3A_139 = arith.constant 156 : i32
    %lt3A_140 = arith.cmpi slt, %add3A_130, %lt3A_139 : i32
    %convert_element_type3A_141 = arith.extui %lt3A_140 : i1 to i32
    %cond3A_142 = arith.constant 0 : i32
    %cond3A_143 = arith.constant 0 : i32
    %cond3A_144 = arith.cmpi ne, %convert_element_type3A_141, %cond3A_143 : i32
    scf.if %cond3A_144 {
      %mul3A_661 = arith.constant 6400 : i32
      %mul3A_662 = arith.muli %add3A_130, %mul3A_661 : i32
      %dma_wait3A_663 = arith.constant 0 : i32
      %dma_wait3A_664 = tpu.memref_slice %arg4[%cond3A_142, %dma_wait3A_663] : memref<1x1000001xf32, #tpu.memory_space<hbm>> -> memref<1x1000001xf32, #tpu.memory_space<hbm>>
      %dma_wait3A_665 = tpu.memref_squeeze %dma_wait3A_664 : memref<1x1000001xf32, #tpu.memory_space<hbm>> -> memref<1000001xf32, #tpu.memory_space<hbm>>
      %dma_wait3A_666 = tpu.memref_slice %dma_wait3A_665[%mul3A_662] : memref<1000001xf32, #tpu.memory_space<hbm>> -> memref<6400xf32, #tpu.memory_space<hbm>>
      %dma_wait3A_667 = arith.constant 0 : i32
      %dma_wait3A_668 = tpu.memref_slice %arg4[%cond3A_142, %dma_wait3A_667] : memref<1x1000001xf32, #tpu.memory_space<hbm>> -> memref<1x1000001xf32, #tpu.memory_space<hbm>>
      %dma_wait3A_669 = tpu.memref_squeeze %dma_wait3A_668 : memref<1x1000001xf32, #tpu.memory_space<hbm>> -> memref<1000001xf32, #tpu.memory_space<hbm>>
      %dma_wait3A_670 = tpu.memref_slice %dma_wait3A_669[%mul3A_662] : memref<1000001xf32, #tpu.memory_space<hbm>> -> memref<6400xf32, #tpu.memory_space<hbm>>
      tpu.wait_dma2 semaphore(%arg16 : memref<!tpu.dma_semaphore, #tpu.memory_space<semaphore_mem>>) src(%dma_wait3A_670 : memref<6400xf32, #tpu.memory_space<hbm>>) dst(%arg15 : memref<6400xf32, #tpu.memory_space<vmem>>)
      %mul3A_671 = arith.constant 6400 : i32
      %mul3A_672 = arith.muli %add3A_130, %mul3A_671 : i32
      "tpu.region"() ({
        %run_scoped3A = tpu.sem_alloc : memref<!tpu.dma_semaphore, #tpu.memory_space<semaphore_mem>>
        %dma_start3A_673 = tpu.memref_slice %arg13[%mul3A_672] : memref<1000001xf32, #tpu.memory_space<vmem_shared>> -> memref<6400xf32, #tpu.memory_space<vmem_shared>>
        %dma_start3A_674 = tpu.memref_slice %arg13[%mul3A_672] : memref<1000001xf32, #tpu.memory_space<vmem_shared>> -> memref<6400xf32, #tpu.memory_space<vmem_shared>>
        tpu.enqueue_dma source(%arg15 : memref<6400xf32, #tpu.memory_space<vmem>>) target(%dma_start3A_674 : memref<6400xf32, #tpu.memory_space<vmem_shared>>) target_semaphore(%run_scoped3A : memref<!tpu.dma_semaphore, #tpu.memory_space<semaphore_mem>>)
        %dma_wait3A_675 = tpu.memref_slice %arg13[%mul3A_672] : memref<1000001xf32, #tpu.memory_space<vmem_shared>> -> memref<6400xf32, #tpu.memory_space<vmem_shared>>
        %dma_wait3A_676 = tpu.memref_slice %arg13[%mul3A_672] : memref<1000001xf32, #tpu.memory_space<vmem_shared>> -> memref<6400xf32, #tpu.memory_space<vmem_shared>>
        tpu.wait_dma2 semaphore(%run_scoped3A : memref<!tpu.dma_semaphore, #tpu.memory_space<semaphore_mem>>) src(%arg15 : memref<6400xf32, #tpu.memory_space<vmem>>) dst(%dma_wait3A_676 : memref<6400xf32, #tpu.memory_space<vmem_shared>>)
        tpu.yield
      }) : () -> ()
    } else {
    }
    %add3A_145 = arith.constant 128 : i32
    %add3A_146 = arith.addi %arg1, %add3A_145 : i32
    %add3A_147 = arith.constant 144 : i32
    %add3A_148 = arith.addi %arg1, %add3A_147 : i32
    %lt3A_149 = arith.constant 156 : i32
    %lt3A_150 = arith.cmpi slt, %add3A_148, %lt3A_149 : i32
    %convert_element_type3A_151 = arith.extui %lt3A_150 : i1 to i32
    %cond3A_152 = arith.constant 0 : i32
    %cond3A_153 = arith.constant 0 : i32
    %cond3A_154 = arith.cmpi ne, %convert_element_type3A_151, %cond3A_153 : i32
    scf.if %cond3A_154 {
      %mul3A_661 = arith.constant 6400 : i32
      %mul3A_662 = arith.muli %add3A_148, %mul3A_661 : i32
      %dma_start3A_663 = arith.constant 0 : i32
      %dma_start3A_664 = tpu.memref_slice %arg4[%cond3A_152, %dma_start3A_663] : memref<1x1000001xf32, #tpu.memory_space<hbm>> -> memref<1x1000001xf32, #tpu.memory_space<hbm>>
      %dma_start3A_665 = tpu.memref_squeeze %dma_start3A_664 : memref<1x1000001xf32, #tpu.memory_space<hbm>> -> memref<1000001xf32, #tpu.memory_space<hbm>>
      %dma_start3A_666 = tpu.memref_slice %dma_start3A_665[%mul3A_662] : memref<1000001xf32, #tpu.memory_space<hbm>> -> memref<6400xf32, #tpu.memory_space<hbm>>
      %dma_start3A_667 = arith.constant 0 : i32
      %dma_start3A_668 = tpu.memref_slice %arg4[%cond3A_152, %dma_start3A_667] : memref<1x1000001xf32, #tpu.memory_space<hbm>> -> memref<1x1000001xf32, #tpu.memory_space<hbm>>
      %dma_start3A_669 = tpu.memref_squeeze %dma_start3A_668 : memref<1x1000001xf32, #tpu.memory_space<hbm>> -> memref<1000001xf32, #tpu.memory_space<hbm>>
      %dma_start3A_670 = tpu.memref_slice %dma_start3A_669[%mul3A_662] : memref<1000001xf32, #tpu.memory_space<hbm>> -> memref<6400xf32, #tpu.memory_space<hbm>>
      tpu.enqueue_dma source(%dma_start3A_670 : memref<6400xf32, #tpu.memory_space<hbm>>) target(%arg15 : memref<6400xf32, #tpu.memory_space<vmem>>) target_semaphore(%arg16 : memref<!tpu.dma_semaphore, #tpu.memory_space<semaphore_mem>>)
    } else {
    }
    %lt3A_155 = arith.constant 156 : i32
    %lt3A_156 = arith.cmpi slt, %add3A_146, %lt3A_155 : i32
    %convert_element_type3A_157 = arith.extui %lt3A_156 : i1 to i32
    %cond3A_158 = arith.constant 0 : i32
    %cond3A_159 = arith.constant 0 : i32
    %cond3A_160 = arith.cmpi ne, %convert_element_type3A_157, %cond3A_159 : i32
    scf.if %cond3A_160 {
      %mul3A_661 = arith.constant 6400 : i32
      %mul3A_662 = arith.muli %add3A_146, %mul3A_661 : i32
      %dma_wait3A_663 = arith.constant 0 : i32
      %dma_wait3A_664 = tpu.memref_slice %arg4[%cond3A_158, %dma_wait3A_663] : memref<1x1000001xf32, #tpu.memory_space<hbm>> -> memref<1x1000001xf32, #tpu.memory_space<hbm>>
      %dma_wait3A_665 = tpu.memref_squeeze %dma_wait3A_664 : memref<1x1000001xf32, #tpu.memory_space<hbm>> -> memref<1000001xf32, #tpu.memory_space<hbm>>
      %dma_wait3A_666 = tpu.memref_slice %dma_wait3A_665[%mul3A_662] : memref<1000001xf32, #tpu.memory_space<hbm>> -> memref<6400xf32, #tpu.memory_space<hbm>>
      %dma_wait3A_667 = arith.constant 0 : i32
      %dma_wait3A_668 = tpu.memref_slice %arg4[%cond3A_158, %dma_wait3A_667] : memref<1x1000001xf32, #tpu.memory_space<hbm>> -> memref<1x1000001xf32, #tpu.memory_space<hbm>>
      %dma_wait3A_669 = tpu.memref_squeeze %dma_wait3A_668 : memref<1x1000001xf32, #tpu.memory_space<hbm>> -> memref<1000001xf32, #tpu.memory_space<hbm>>
      %dma_wait3A_670 = tpu.memref_slice %dma_wait3A_669[%mul3A_662] : memref<1000001xf32, #tpu.memory_space<hbm>> -> memref<6400xf32, #tpu.memory_space<hbm>>
      tpu.wait_dma2 semaphore(%arg16 : memref<!tpu.dma_semaphore, #tpu.memory_space<semaphore_mem>>) src(%dma_wait3A_670 : memref<6400xf32, #tpu.memory_space<hbm>>) dst(%arg14 : memref<6400xf32, #tpu.memory_space<vmem>>)
      %mul3A_671 = arith.constant 6400 : i32
      %mul3A_672 = arith.muli %add3A_146, %mul3A_671 : i32
      "tpu.region"() ({
        %run_scoped3A = tpu.sem_alloc : memref<!tpu.dma_semaphore, #tpu.memory_space<semaphore_mem>>
        %dma_start3A_673 = tpu.memref_slice %arg13[%mul3A_672] : memref<1000001xf32, #tpu.memory_space<vmem_shared>> -> memref<6400xf32, #tpu.memory_space<vmem_shared>>
        %dma_start3A_674 = tpu.memref_slice %arg13[%mul3A_672] : memref<1000001xf32, #tpu.memory_space<vmem_shared>> -> memref<6400xf32, #tpu.memory_space<vmem_shared>>
        tpu.enqueue_dma source(%arg14 : memref<6400xf32, #tpu.memory_space<vmem>>) target(%dma_start3A_674 : memref<6400xf32, #tpu.memory_space<vmem_shared>>) target_semaphore(%run_scoped3A : memref<!tpu.dma_semaphore, #tpu.memory_space<semaphore_mem>>)
        %dma_wait3A_675 = tpu.memref_slice %arg13[%mul3A_672] : memref<1000001xf32, #tpu.memory_space<vmem_shared>> -> memref<6400xf32, #tpu.memory_space<vmem_shared>>
        %dma_wait3A_676 = tpu.memref_slice %arg13[%mul3A_672] : memref<1000001xf32, #tpu.memory_space<vmem_shared>> -> memref<6400xf32, #tpu.memory_space<vmem_shared>>
        tpu.wait_dma2 semaphore(%run_scoped3A : memref<!tpu.dma_semaphore, #tpu.memory_space<semaphore_mem>>) src(%arg14 : memref<6400xf32, #tpu.memory_space<vmem>>) dst(%dma_wait3A_676 : memref<6400xf32, #tpu.memory_space<vmem_shared>>)
        tpu.yield
      }) : () -> ()
    } else {
    }
    %add3A_161 = arith.constant 144 : i32
    %add3A_162 = arith.addi %arg1, %add3A_161 : i32
    %add3A_163 = arith.constant 160 : i32
    %add3A_164 = arith.addi %arg1, %add3A_163 : i32
    %lt3A_165 = arith.constant 156 : i32
    %lt3A_166 = arith.cmpi slt, %add3A_162, %lt3A_165 : i32
    %convert_element_type3A_167 = arith.extui %lt3A_166 : i1 to i32
    %cond3A_168 = arith.constant 0 : i32
    %cond3A_169 = arith.constant 0 : i32
    %cond3A_170 = arith.cmpi ne, %convert_element_type3A_167, %cond3A_169 : i32
    scf.if %cond3A_170 {
      %mul3A_661 = arith.constant 6400 : i32
      %mul3A_662 = arith.muli %add3A_162, %mul3A_661 : i32
      %dma_wait3A_663 = arith.constant 0 : i32
      %dma_wait3A_664 = tpu.memref_slice %arg4[%cond3A_168, %dma_wait3A_663] : memref<1x1000001xf32, #tpu.memory_space<hbm>> -> memref<1x1000001xf32, #tpu.memory_space<hbm>>
      %dma_wait3A_665 = tpu.memref_squeeze %dma_wait3A_664 : memref<1x1000001xf32, #tpu.memory_space<hbm>> -> memref<1000001xf32, #tpu.memory_space<hbm>>
      %dma_wait3A_666 = tpu.memref_slice %dma_wait3A_665[%mul3A_662] : memref<1000001xf32, #tpu.memory_space<hbm>> -> memref<6400xf32, #tpu.memory_space<hbm>>
      %dma_wait3A_667 = arith.constant 0 : i32
      %dma_wait3A_668 = tpu.memref_slice %arg4[%cond3A_168, %dma_wait3A_667] : memref<1x1000001xf32, #tpu.memory_space<hbm>> -> memref<1x1000001xf32, #tpu.memory_space<hbm>>
      %dma_wait3A_669 = tpu.memref_squeeze %dma_wait3A_668 : memref<1x1000001xf32, #tpu.memory_space<hbm>> -> memref<1000001xf32, #tpu.memory_space<hbm>>
      %dma_wait3A_670 = tpu.memref_slice %dma_wait3A_669[%mul3A_662] : memref<1000001xf32, #tpu.memory_space<hbm>> -> memref<6400xf32, #tpu.memory_space<hbm>>
      tpu.wait_dma2 semaphore(%arg16 : memref<!tpu.dma_semaphore, #tpu.memory_space<semaphore_mem>>) src(%dma_wait3A_670 : memref<6400xf32, #tpu.memory_space<hbm>>) dst(%arg15 : memref<6400xf32, #tpu.memory_space<vmem>>)
      %mul3A_671 = arith.constant 6400 : i32
      %mul3A_672 = arith.muli %add3A_162, %mul3A_671 : i32
      "tpu.region"() ({
        %run_scoped3A = tpu.sem_alloc : memref<!tpu.dma_semaphore, #tpu.memory_space<semaphore_mem>>
        %dma_start3A_673 = tpu.memref_slice %arg13[%mul3A_672] : memref<1000001xf32, #tpu.memory_space<vmem_shared>> -> memref<6400xf32, #tpu.memory_space<vmem_shared>>
        %dma_start3A_674 = tpu.memref_slice %arg13[%mul3A_672] : memref<1000001xf32, #tpu.memory_space<vmem_shared>> -> memref<6400xf32, #tpu.memory_space<vmem_shared>>
        tpu.enqueue_dma source(%arg15 : memref<6400xf32, #tpu.memory_space<vmem>>) target(%dma_start3A_674 : memref<6400xf32, #tpu.memory_space<vmem_shared>>) target_semaphore(%run_scoped3A : memref<!tpu.dma_semaphore, #tpu.memory_space<semaphore_mem>>)
        %dma_wait3A_675 = tpu.memref_slice %arg13[%mul3A_672] : memref<1000001xf32, #tpu.memory_space<vmem_shared>> -> memref<6400xf32, #tpu.memory_space<vmem_shared>>
        %dma_wait3A_676 = tpu.memref_slice %arg13[%mul3A_672] : memref<1000001xf32, #tpu.memory_space<vmem_shared>> -> memref<6400xf32, #tpu.memory_space<vmem_shared>>
        tpu.wait_dma2 semaphore(%run_scoped3A : memref<!tpu.dma_semaphore, #tpu.memory_space<semaphore_mem>>) src(%arg15 : memref<6400xf32, #tpu.memory_space<vmem>>) dst(%dma_wait3A_676 : memref<6400xf32, #tpu.memory_space<vmem_shared>>)
        tpu.yield
      }) : () -> ()
    } else {
    }
    %eq3A = arith.constant 0 : i32
    %eq3A_171 = arith.cmpi eq, %arg1, %eq3A : i32
    %convert_element_type3A_172 = arith.extui %eq3A_171 : i1 to i32
    %cond3A_173 = arith.constant 0 : i32
    %cond3A_174 = arith.constant 0 : i32
    %cond3A_175 = arith.cmpi ne, %convert_element_type3A_172, %cond3A_174 : i32
    scf.if %cond3A_175 {
      "tpu.region"() ({
        %run_scoped3A = tpu.sem_alloc : memref<!tpu.dma_semaphore, #tpu.memory_space<semaphore_mem>>
        %dma_start3A_661 = arith.constant 0 : i32
        %dma_start3A_662 = tpu.memref_slice %arg14[%dma_start3A_661] : memref<6400xf32, #tpu.memory_space<vmem>> -> memref<1601xf32, #tpu.memory_space<vmem>>
        %dma_start3A_663 = arith.constant 0 : i32
        %dma_start3A_664 = tpu.memref_slice %arg4[%cond3A_173, %dma_start3A_663] : memref<1x1000001xf32, #tpu.memory_space<hbm>> -> memref<1x1000001xf32, #tpu.memory_space<hbm>>
        %dma_start3A_665 = tpu.memref_squeeze %dma_start3A_664 : memref<1x1000001xf32, #tpu.memory_space<hbm>> -> memref<1000001xf32, #tpu.memory_space<hbm>>
        %dma_start3A_666 = arith.constant 998400 : i32
        %dma_start3A_667 = tpu.memref_slice %dma_start3A_665[%dma_start3A_666] : memref<1000001xf32, #tpu.memory_space<hbm>> -> memref<1601xf32, #tpu.memory_space<hbm>>
        %dma_start3A_668 = arith.constant 0 : i32
        %dma_start3A_669 = tpu.memref_slice %arg14[%dma_start3A_668] : memref<6400xf32, #tpu.memory_space<vmem>> -> memref<1601xf32, #tpu.memory_space<vmem>>
        %dma_start3A_670 = arith.constant 0 : i32
        %dma_start3A_671 = tpu.memref_slice %arg4[%cond3A_173, %dma_start3A_670] : memref<1x1000001xf32, #tpu.memory_space<hbm>> -> memref<1x1000001xf32, #tpu.memory_space<hbm>>
        %dma_start3A_672 = tpu.memref_squeeze %dma_start3A_671 : memref<1x1000001xf32, #tpu.memory_space<hbm>> -> memref<1000001xf32, #tpu.memory_space<hbm>>
        %dma_start3A_673 = arith.constant 998400 : i32
        %dma_start3A_674 = tpu.memref_slice %dma_start3A_672[%dma_start3A_673] : memref<1000001xf32, #tpu.memory_space<hbm>> -> memref<1601xf32, #tpu.memory_space<hbm>>
        tpu.enqueue_dma source(%dma_start3A_674 : memref<1601xf32, #tpu.memory_space<hbm>>) target(%dma_start3A_669 : memref<1601xf32, #tpu.memory_space<vmem>>) target_semaphore(%run_scoped3A : memref<!tpu.dma_semaphore, #tpu.memory_space<semaphore_mem>>)
        %dma_wait3A_675 = arith.constant 0 : i32
        %dma_wait3A_676 = tpu.memref_slice %arg14[%dma_wait3A_675] : memref<6400xf32, #tpu.memory_space<vmem>> -> memref<1601xf32, #tpu.memory_space<vmem>>
        %dma_wait3A_677 = arith.constant 0 : i32
        %dma_wait3A_678 = tpu.memref_slice %arg4[%cond3A_173, %dma_wait3A_677] : memref<1x1000001xf32, #tpu.memory_space<hbm>> -> memref<1x1000001xf32, #tpu.memory_space<hbm>>
        %dma_wait3A_679 = tpu.memref_squeeze %dma_wait3A_678 : memref<1x1000001xf32, #tpu.memory_space<hbm>> -> memref<1000001xf32, #tpu.memory_space<hbm>>
        %dma_wait3A_680 = arith.constant 998400 : i32
        %dma_wait3A_681 = tpu.memref_slice %dma_wait3A_679[%dma_wait3A_680] : memref<1000001xf32, #tpu.memory_space<hbm>> -> memref<1601xf32, #tpu.memory_space<hbm>>
        %dma_wait3A_682 = arith.constant 0 : i32
        %dma_wait3A_683 = tpu.memref_slice %arg14[%dma_wait3A_682] : memref<6400xf32, #tpu.memory_space<vmem>> -> memref<1601xf32, #tpu.memory_space<vmem>>
        %dma_wait3A_684 = arith.constant 0 : i32
        %dma_wait3A_685 = tpu.memref_slice %arg4[%cond3A_173, %dma_wait3A_684] : memref<1x1000001xf32, #tpu.memory_space<hbm>> -> memref<1x1000001xf32, #tpu.memory_space<hbm>>
        %dma_wait3A_686 = tpu.memref_squeeze %dma_wait3A_685 : memref<1x1000001xf32, #tpu.memory_space<hbm>> -> memref<1000001xf32, #tpu.memory_space<hbm>>
        %dma_wait3A_687 = arith.constant 998400 : i32
        %dma_wait3A_688 = tpu.memref_slice %dma_wait3A_686[%dma_wait3A_687] : memref<1000001xf32, #tpu.memory_space<hbm>> -> memref<1601xf32, #tpu.memory_space<hbm>>
        tpu.wait_dma2 semaphore(%run_scoped3A : memref<!tpu.dma_semaphore, #tpu.memory_space<semaphore_mem>>) src(%dma_wait3A_688 : memref<1601xf32, #tpu.memory_space<hbm>>) dst(%dma_wait3A_683 : memref<1601xf32, #tpu.memory_space<vmem>>)
        tpu.yield
      }) : () -> ()
      "tpu.region"() ({
        %run_scoped3A = tpu.sem_alloc : memref<!tpu.dma_semaphore, #tpu.memory_space<semaphore_mem>>
        %dma_start3A_661 = arith.constant 0 : i32
        %dma_start3A_662 = tpu.memref_slice %arg14[%dma_start3A_661] : memref<6400xf32, #tpu.memory_space<vmem>> -> memref<1601xf32, #tpu.memory_space<vmem>>
        %dma_start3A_663 = arith.constant 998400 : i32
        %dma_start3A_664 = tpu.memref_slice %arg13[%dma_start3A_663] : memref<1000001xf32, #tpu.memory_space<vmem_shared>> -> memref<1601xf32, #tpu.memory_space<vmem_shared>>
        %dma_start3A_665 = arith.constant 998400 : i32
        %dma_start3A_666 = tpu.memref_slice %arg13[%dma_start3A_665] : memref<1000001xf32, #tpu.memory_space<vmem_shared>> -> memref<1601xf32, #tpu.memory_space<vmem_shared>>
        %dma_start3A_667 = arith.constant 0 : i32
        %dma_start3A_668 = tpu.memref_slice %arg14[%dma_start3A_667] : memref<6400xf32, #tpu.memory_space<vmem>> -> memref<1601xf32, #tpu.memory_space<vmem>>
        tpu.enqueue_dma source(%dma_start3A_668 : memref<1601xf32, #tpu.memory_space<vmem>>) target(%dma_start3A_666 : memref<1601xf32, #tpu.memory_space<vmem_shared>>) target_semaphore(%run_scoped3A : memref<!tpu.dma_semaphore, #tpu.memory_space<semaphore_mem>>)
        %dma_wait3A_669 = arith.constant 0 : i32
        %dma_wait3A_670 = tpu.memref_slice %arg14[%dma_wait3A_669] : memref<6400xf32, #tpu.memory_space<vmem>> -> memref<1601xf32, #tpu.memory_space<vmem>>
        %dma_wait3A_671 = arith.constant 998400 : i32
        %dma_wait3A_672 = tpu.memref_slice %arg13[%dma_wait3A_671] : memref<1000001xf32, #tpu.memory_space<vmem_shared>> -> memref<1601xf32, #tpu.memory_space<vmem_shared>>
        %dma_wait3A_673 = arith.constant 998400 : i32
        %dma_wait3A_674 = tpu.memref_slice %arg13[%dma_wait3A_673] : memref<1000001xf32, #tpu.memory_space<vmem_shared>> -> memref<1601xf32, #tpu.memory_space<vmem_shared>>
        %dma_wait3A_675 = arith.constant 0 : i32
        %dma_wait3A_676 = tpu.memref_slice %arg14[%dma_wait3A_675] : memref<6400xf32, #tpu.memory_space<vmem>> -> memref<1601xf32, #tpu.memory_space<vmem>>
        tpu.wait_dma2 semaphore(%run_scoped3A : memref<!tpu.dma_semaphore, #tpu.memory_space<semaphore_mem>>) src(%dma_wait3A_676 : memref<1601xf32, #tpu.memory_space<vmem>>) dst(%dma_wait3A_674 : memref<1601xf32, #tpu.memory_space<vmem_shared>>)
        tpu.yield
      }) : () -> ()
    } else {
    }
    "tpu.region"() ({
      %run_scoped3A = tpu.sem_alloc : memref<!tpu.dma_semaphore, #tpu.memory_space<semaphore_mem>>
      %dma_start3A_661 = arith.constant 0 : i32
      %dma_start3A_662 = tpu.memref_slice %arg12[%dma_start3A_661] : memref<16xf32, #tpu.memory_space<vmem>> -> memref<1xf32, #tpu.memory_space<vmem>>
      %dma_start3A_663 = arith.constant 0 : i32
      %dma_start3A_664 = tpu.memref_slice %arg12[%dma_start3A_663] : memref<16xf32, #tpu.memory_space<vmem>> -> memref<1xf32, #tpu.memory_space<vmem>>
      tpu.enqueue_dma source(%arg5 : memref<1xf32, #tpu.memory_space<hbm>>) target(%dma_start3A_664 : memref<1xf32, #tpu.memory_space<vmem>>) target_semaphore(%run_scoped3A : memref<!tpu.dma_semaphore, #tpu.memory_space<semaphore_mem>>)
      %dma_wait3A_665 = arith.constant 0 : i32
      %dma_wait3A_666 = tpu.memref_slice %arg12[%dma_wait3A_665] : memref<16xf32, #tpu.memory_space<vmem>> -> memref<1xf32, #tpu.memory_space<vmem>>
      %dma_wait3A_667 = arith.constant 0 : i32
      %dma_wait3A_668 = tpu.memref_slice %arg12[%dma_wait3A_667] : memref<16xf32, #tpu.memory_space<vmem>> -> memref<1xf32, #tpu.memory_space<vmem>>
      tpu.wait_dma2 semaphore(%run_scoped3A : memref<!tpu.dma_semaphore, #tpu.memory_space<semaphore_mem>>) src(%arg5 : memref<1xf32, #tpu.memory_space<hbm>>) dst(%dma_wait3A_668 : memref<1xf32, #tpu.memory_space<vmem>>)
      tpu.yield
    }) : () -> ()
    %barrier3A = arith.constant 0 : index
    tpu.barrier barrier_id(%barrier3A)
    "tpu.trace_stop"() : () -> ()
    %get3A = arith.constant 0 : index
    %get3A_176 = tpu.vector_load %arg12[%get3A] {strides = array<i32>} : memref<16xf32, #tpu.memory_space<vmem>>, vector<16xf32>,
    %slice3A = vector.extract_strided_slice %get3A_176 {offsets = [0], sizes = [1], strides = [1]} : vector<16xf32> to vector<1xf32>
    %squeeze3A = vector.extract %slice3A[0] : f32 from vector<1xf32>
    %add3A_177 = arith.constant 0 : i32
    %add3A_178 = arith.addi %mul3A_2, %add3A_177 : i32
    "tpu.trace_start"() <{level = 10 : i32, message = "wait_in"}> : () -> ()
    %add3A_179 = arith.constant 0 : i32
    %add3A_180 = arith.addi %mul3A_2, %add3A_179 : i32
    %dma_wait3A = arith.constant 0 : i32
    %dma_wait3A_181 = tpu.memref_slice %arg2[%dma_wait3A, %add3A_180] : memref<100x16384xi32, #tpu.memory_space<hbm>> -> memref<100x128xi32, #tpu.memory_space<hbm>>
    %dma_wait3A_182 = arith.constant 0 : i32
    %dma_wait3A_183 = tpu.memref_slice %arg2[%dma_wait3A_182, %add3A_180] : memref<100x16384xi32, #tpu.memory_space<hbm>> -> memref<100x128xi32, #tpu.memory_space<hbm>>
    tpu.wait_dma2 semaphore(%arg17 : memref<!tpu.dma_semaphore, #tpu.memory_space<semaphore_mem>>) src(%dma_wait3A_183 : memref<100x128xi32, #tpu.memory_space<hbm>>) dst(%arg7 : memref<100x128xi32, #tpu.memory_space<vmem>>)
    %add3A_184 = arith.constant 128 : i32
    %add3A_185 = arith.addi %mul3A_2, %add3A_184 : i32
    %dma_start3A_186 = arith.constant 0 : i32
    %dma_start3A_187 = tpu.memref_slice %arg2[%dma_start3A_186, %add3A_185] : memref<100x16384xi32, #tpu.memory_space<hbm>> -> memref<100x128xi32, #tpu.memory_space<hbm>>
    %dma_start3A_188 = arith.constant 0 : i32
    %dma_start3A_189 = tpu.memref_slice %arg2[%dma_start3A_188, %add3A_185] : memref<100x16384xi32, #tpu.memory_space<hbm>> -> memref<100x128xi32, #tpu.memory_space<hbm>>
    tpu.enqueue_dma source(%dma_start3A_189 : memref<100x128xi32, #tpu.memory_space<hbm>>) target(%arg8 : memref<100x128xi32, #tpu.memory_space<vmem>>) target_semaphore(%arg17 : memref<!tpu.dma_semaphore, #tpu.memory_space<semaphore_mem>>)
    "tpu.trace_stop"() : () -> ()
    "tpu.trace_start"() <{level = 10 : i32, message = "fire"}> : () -> ()
    %scan3A = arith.constant 0 : i32
    %scan3A_190 = arith.constant 96 : i32
    %scan3A_191 = arith.addi %scan3A, %scan3A_190 : i32
    %scan3A_192 = arith.constant 8 : i32
    scf.for %scan3A_661 = %scan3A to %scan3A_191 step %scan3A_192  : i32 {
      %dma_start3A_662 = arith.constant 0 : i32
      %dma_start3A_663 = tpu.memref_slice %arg10[%scan3A_661, %dma_start3A_662] : memref<100x128xf32, #tpu.memory_space<vmem>> -> memref<1x128xf32, #tpu.memory_space<vmem>>
      %dma_start3A_664 = tpu.memref_squeeze %dma_start3A_663 : memref<1x128xf32, #tpu.memory_space<vmem>> -> memref<128xf32, #tpu.memory_space<vmem>>
      %dma_start3A_665 = arith.constant 0 : i32
      %dma_start3A_666 = tpu.memref_slice %arg7[%scan3A_661, %dma_start3A_665] : memref<100x128xi32, #tpu.memory_space<vmem>> -> memref<1x128xi32, #tpu.memory_space<vmem>>
      %dma_start3A_667 = tpu.memref_squeeze %dma_start3A_666 : memref<1x128xi32, #tpu.memory_space<vmem>> -> memref<128xi32, #tpu.memory_space<vmem>>
      %dma_start3A_668 = arith.constant 0 : i32
      %dma_start3A_669 = tpu.memref_slice %arg13[%dma_start3A_668] : memref<1000001xf32, #tpu.memory_space<vmem_shared>> -> memref<1000001xf32, #tpu.memory_space<vmem_shared>>
      tpu.enqueue_indirect_dma source(%dma_start3A_669 : memref<1000001xf32, #tpu.memory_space<vmem_shared>>) target(%dma_start3A_664 : memref<128xf32, #tpu.memory_space<vmem>>) offsets(%dma_start3A_667 : memref<128xi32, #tpu.memory_space<vmem>>) semaphore(%arg19 : memref<!tpu.dma_semaphore, #tpu.memory_space<semaphore_mem>>)
      %scan3A_670 = arith.constant 1 : i32
      %scan3A_671 = arith.addi %scan3A_661, %scan3A_670 : i32
      %dma_start3A_672 = arith.constant 0 : i32
      %dma_start3A_673 = tpu.memref_slice %arg10[%scan3A_671, %dma_start3A_672] : memref<100x128xf32, #tpu.memory_space<vmem>> -> memref<1x128xf32, #tpu.memory_space<vmem>>
      %dma_start3A_674 = tpu.memref_squeeze %dma_start3A_673 : memref<1x128xf32, #tpu.memory_space<vmem>> -> memref<128xf32, #tpu.memory_space<vmem>>
      %dma_start3A_675 = arith.constant 0 : i32
      %dma_start3A_676 = tpu.memref_slice %arg7[%scan3A_671, %dma_start3A_675] : memref<100x128xi32, #tpu.memory_space<vmem>> -> memref<1x128xi32, #tpu.memory_space<vmem>>
      %dma_start3A_677 = tpu.memref_squeeze %dma_start3A_676 : memref<1x128xi32, #tpu.memory_space<vmem>> -> memref<128xi32, #tpu.memory_space<vmem>>
      %dma_start3A_678 = arith.constant 0 : i32
      %dma_start3A_679 = tpu.memref_slice %arg13[%dma_start3A_678] : memref<1000001xf32, #tpu.memory_space<vmem_shared>> -> memref<1000001xf32, #tpu.memory_space<vmem_shared>>
      tpu.enqueue_indirect_dma source(%dma_start3A_679 : memref<1000001xf32, #tpu.memory_space<vmem_shared>>) target(%dma_start3A_674 : memref<128xf32, #tpu.memory_space<vmem>>) offsets(%dma_start3A_677 : memref<128xi32, #tpu.memory_space<vmem>>) semaphore(%arg19 : memref<!tpu.dma_semaphore, #tpu.memory_space<semaphore_mem>>)
      %scan3A_680 = arith.constant 2 : i32
      %scan3A_681 = arith.addi %scan3A_661, %scan3A_680 : i32
      %dma_start3A_682 = arith.constant 0 : i32
      %dma_start3A_683 = tpu.memref_slice %arg10[%scan3A_681, %dma_start3A_682] : memref<100x128xf32, #tpu.memory_space<vmem>> -> memref<1x128xf32, #tpu.memory_space<vmem>>
      %dma_start3A_684 = tpu.memref_squeeze %dma_start3A_683 : memref<1x128xf32, #tpu.memory_space<vmem>> -> memref<128xf32, #tpu.memory_space<vmem>>
      %dma_start3A_685 = arith.constant 0 : i32
      %dma_start3A_686 = tpu.memref_slice %arg7[%scan3A_681, %dma_start3A_685] : memref<100x128xi32, #tpu.memory_space<vmem>> -> memref<1x128xi32, #tpu.memory_space<vmem>>
      %dma_start3A_687 = tpu.memref_squeeze %dma_start3A_686 : memref<1x128xi32, #tpu.memory_space<vmem>> -> memref<128xi32, #tpu.memory_space<vmem>>
      %dma_start3A_688 = arith.constant 0 : i32
      %dma_start3A_689 = tpu.memref_slice %arg13[%dma_start3A_688] : memref<1000001xf32, #tpu.memory_space<vmem_shared>> -> memref<1000001xf32, #tpu.memory_space<vmem_shared>>
      tpu.enqueue_indirect_dma source(%dma_start3A_689 : memref<1000001xf32, #tpu.memory_space<vmem_shared>>) target(%dma_start3A_684 : memref<128xf32, #tpu.memory_space<vmem>>) offsets(%dma_start3A_687 : memref<128xi32, #tpu.memory_space<vmem>>) semaphore(%arg19 : memref<!tpu.dma_semaphore, #tpu.memory_space<semaphore_mem>>)
      %scan3A_690 = arith.constant 3 : i32
      %scan3A_691 = arith.addi %scan3A_661, %scan3A_690 : i32
      %dma_start3A_692 = arith.constant 0 : i32
      %dma_start3A_693 = tpu.memref_slice %arg10[%scan3A_691, %dma_start3A_692] : memref<100x128xf32, #tpu.memory_space<vmem>> -> memref<1x128xf32, #tpu.memory_space<vmem>>
      %dma_start3A_694 = tpu.memref_squeeze %dma_start3A_693 : memref<1x128xf32, #tpu.memory_space<vmem>> -> memref<128xf32, #tpu.memory_space<vmem>>
      %dma_start3A_695 = arith.constant 0 : i32
      %dma_start3A_696 = tpu.memref_slice %arg7[%scan3A_691, %dma_start3A_695] : memref<100x128xi32, #tpu.memory_space<vmem>> -> memref<1x128xi32, #tpu.memory_space<vmem>>
      %dma_start3A_697 = tpu.memref_squeeze %dma_start3A_696 : memref<1x128xi32, #tpu.memory_space<vmem>> -> memref<128xi32, #tpu.memory_space<vmem>>
      %dma_start3A_698 = arith.constant 0 : i32
      %dma_start3A_699 = tpu.memref_slice %arg13[%dma_start3A_698] : memref<1000001xf32, #tpu.memory_space<vmem_shared>> -> memref<1000001xf32, #tpu.memory_space<vmem_shared>>
      tpu.enqueue_indirect_dma source(%dma_start3A_699 : memref<1000001xf32, #tpu.memory_space<vmem_shared>>) target(%dma_start3A_694 : memref<128xf32, #tpu.memory_space<vmem>>) offsets(%dma_start3A_697 : memref<128xi32, #tpu.memory_space<vmem>>) semaphore(%arg19 : memref<!tpu.dma_semaphore, #tpu.memory_space<semaphore_mem>>)
      %scan3A_700 = arith.constant 4 : i32
      %scan3A_701 = arith.addi %scan3A_661, %scan3A_700 : i32
      %dma_start3A_702 = arith.constant 0 : i32
      %dma_start3A_703 = tpu.memref_slice %arg10[%scan3A_701, %dma_start3A_702] : memref<100x128xf32, #tpu.memory_space<vmem>> -> memref<1x128xf32, #tpu.memory_space<vmem>>
      %dma_start3A_704 = tpu.memref_squeeze %dma_start3A_703 : memref<1x128xf32, #tpu.memory_space<vmem>> -> memref<128xf32, #tpu.memory_space<vmem>>
      %dma_start3A_705 = arith.constant 0 : i32
      %dma_start3A_706 = tpu.memref_slice %arg7[%scan3A_701, %dma_start3A_705] : memref<100x128xi32, #tpu.memory_space<vmem>> -> memref<1x128xi32, #tpu.memory_space<vmem>>
      %dma_start3A_707 = tpu.memref_squeeze %dma_start3A_706 : memref<1x128xi32, #tpu.memory_space<vmem>> -> memref<128xi32, #tpu.memory_space<vmem>>
      %dma_start3A_708 = arith.constant 0 : i32
      %dma_start3A_709 = tpu.memref_slice %arg13[%dma_start3A_708] : memref<1000001xf32, #tpu.memory_space<vmem_shared>> -> memref<1000001xf32, #tpu.memory_space<vmem_shared>>
      tpu.enqueue_indirect_dma source(%dma_start3A_709 : memref<1000001xf32, #tpu.memory_space<vmem_shared>>) target(%dma_start3A_704 : memref<128xf32, #tpu.memory_space<vmem>>) offsets(%dma_start3A_707 : memref<128xi32, #tpu.memory_space<vmem>>) semaphore(%arg19 : memref<!tpu.dma_semaphore, #tpu.memory_space<semaphore_mem>>)
      %scan3A_710 = arith.constant 5 : i32
      %scan3A_711 = arith.addi %scan3A_661, %scan3A_710 : i32
      %dma_start3A_712 = arith.constant 0 : i32
      %dma_start3A_713 = tpu.memref_slice %arg10[%scan3A_711, %dma_start3A_712] : memref<100x128xf32, #tpu.memory_space<vmem>> -> memref<1x128xf32, #tpu.memory_space<vmem>>
      %dma_start3A_714 = tpu.memref_squeeze %dma_start3A_713 : memref<1x128xf32, #tpu.memory_space<vmem>> -> memref<128xf32, #tpu.memory_space<vmem>>
      %dma_start3A_715 = arith.constant 0 : i32
      %dma_start3A_716 = tpu.memref_slice %arg7[%scan3A_711, %dma_start3A_715] : memref<100x128xi32, #tpu.memory_space<vmem>> -> memref<1x128xi32, #tpu.memory_space<vmem>>
      %dma_start3A_717 = tpu.memref_squeeze %dma_start3A_716 : memref<1x128xi32, #tpu.memory_space<vmem>> -> memref<128xi32, #tpu.memory_space<vmem>>
      %dma_start3A_718 = arith.constant 0 : i32
      %dma_start3A_719 = tpu.memref_slice %arg13[%dma_start3A_718] : memref<1000001xf32, #tpu.memory_space<vmem_shared>> -> memref<1000001xf32, #tpu.memory_space<vmem_shared>>
      tpu.enqueue_indirect_dma source(%dma_start3A_719 : memref<1000001xf32, #tpu.memory_space<vmem_shared>>) target(%dma_start3A_714 : memref<128xf32, #tpu.memory_space<vmem>>) offsets(%dma_start3A_717 : memref<128xi32, #tpu.memory_space<vmem>>) semaphore(%arg19 : memref<!tpu.dma_semaphore, #tpu.memory_space<semaphore_mem>>)
      %scan3A_720 = arith.constant 6 : i32
      %scan3A_721 = arith.addi %scan3A_661, %scan3A_720 : i32
      %dma_start3A_722 = arith.constant 0 : i32
      %dma_start3A_723 = tpu.memref_slice %arg10[%scan3A_721, %dma_start3A_722] : memref<100x128xf32, #tpu.memory_space<vmem>> -> memref<1x128xf32, #tpu.memory_space<vmem>>
      %dma_start3A_724 = tpu.memref_squeeze %dma_start3A_723 : memref<1x128xf32, #tpu.memory_space<vmem>> -> memref<128xf32, #tpu.memory_space<vmem>>
      %dma_start3A_725 = arith.constant 0 : i32
      %dma_start3A_726 = tpu.memref_slice %arg7[%scan3A_721, %dma_start3A_725] : memref<100x128xi32, #tpu.memory_space<vmem>> -> memref<1x128xi32, #tpu.memory_space<vmem>>
      %dma_start3A_727 = tpu.memref_squeeze %dma_start3A_726 : memref<1x128xi32, #tpu.memory_space<vmem>> -> memref<128xi32, #tpu.memory_space<vmem>>
      %dma_start3A_728 = arith.constant 0 : i32
      %dma_start3A_729 = tpu.memref_slice %arg13[%dma_start3A_728] : memref<1000001xf32, #tpu.memory_space<vmem_shared>> -> memref<1000001xf32, #tpu.memory_space<vmem_shared>>
      tpu.enqueue_indirect_dma source(%dma_start3A_729 : memref<1000001xf32, #tpu.memory_space<vmem_shared>>) target(%dma_start3A_724 : memref<128xf32, #tpu.memory_space<vmem>>) offsets(%dma_start3A_727 : memref<128xi32, #tpu.memory_space<vmem>>) semaphore(%arg19 : memref<!tpu.dma_semaphore, #tpu.memory_space<semaphore_mem>>)
      %scan3A_730 = arith.constant 7 : i32
      %scan3A_731 = arith.addi %scan3A_661, %scan3A_730 : i32
      %dma_start3A_732 = arith.constant 0 : i32
      %dma_start3A_733 = tpu.memref_slice %arg10[%scan3A_731, %dma_start3A_732] : memref<100x128xf32, #tpu.memory_space<vmem>> -> memref<1x128xf32, #tpu.memory_space<vmem>>
      %dma_start3A_734 = tpu.memref_squeeze %dma_start3A_733 : memref<1x128xf32, #tpu.memory_space<vmem>> -> memref<128xf32, #tpu.memory_space<vmem>>
      %dma_start3A_735 = arith.constant 0 : i32
      %dma_start3A_736 = tpu.memref_slice %arg7[%scan3A_731, %dma_start3A_735] : memref<100x128xi32, #tpu.memory_space<vmem>> -> memref<1x128xi32, #tpu.memory_space<vmem>>
      %dma_start3A_737 = tpu.memref_squeeze %dma_start3A_736 : memref<1x128xi32, #tpu.memory_space<vmem>> -> memref<128xi32, #tpu.memory_space<vmem>>
      %dma_start3A_738 = arith.constant 0 : i32
      %dma_start3A_739 = tpu.memref_slice %arg13[%dma_start3A_738] : memref<1000001xf32, #tpu.memory_space<vmem_shared>> -> memref<1000001xf32, #tpu.memory_space<vmem_shared>>
      tpu.enqueue_indirect_dma source(%dma_start3A_739 : memref<1000001xf32, #tpu.memory_space<vmem_shared>>) target(%dma_start3A_734 : memref<128xf32, #tpu.memory_space<vmem>>) offsets(%dma_start3A_737 : memref<128xi32, #tpu.memory_space<vmem>>) semaphore(%arg19 : memref<!tpu.dma_semaphore, #tpu.memory_space<semaphore_mem>>)
    }
    %scan3A_193 = arith.constant 96 : i32
    %scan3A_194 = arith.addi %scan3A, %scan3A_193 : i32
    %dma_start3A_195 = arith.constant 0 : i32
    %dma_start3A_196 = tpu.memref_slice %arg10[%scan3A_194, %dma_start3A_195] : memref<100x128xf32, #tpu.memory_space<vmem>> -> memref<1x128xf32, #tpu.memory_space<vmem>>
    %dma_start3A_197 = tpu.memref_squeeze %dma_start3A_196 : memref<1x128xf32, #tpu.memory_space<vmem>> -> memref<128xf32, #tpu.memory_space<vmem>>
    %dma_start3A_198 = arith.constant 0 : i32
    %dma_start3A_199 = tpu.memref_slice %arg7[%scan3A_194, %dma_start3A_198] : memref<100x128xi32, #tpu.memory_space<vmem>> -> memref<1x128xi32, #tpu.memory_space<vmem>>
    %dma_start3A_200 = tpu.memref_squeeze %dma_start3A_199 : memref<1x128xi32, #tpu.memory_space<vmem>> -> memref<128xi32, #tpu.memory_space<vmem>>
    %dma_start3A_201 = arith.constant 0 : i32
    %dma_start3A_202 = tpu.memref_slice %arg13[%dma_start3A_201] : memref<1000001xf32, #tpu.memory_space<vmem_shared>> -> memref<1000001xf32, #tpu.memory_space<vmem_shared>>
    tpu.enqueue_indirect_dma source(%dma_start3A_202 : memref<1000001xf32, #tpu.memory_space<vmem_shared>>) target(%dma_start3A_197 : memref<128xf32, #tpu.memory_space<vmem>>) offsets(%dma_start3A_200 : memref<128xi32, #tpu.memory_space<vmem>>) semaphore(%arg19 : memref<!tpu.dma_semaphore, #tpu.memory_space<semaphore_mem>>)
    %scan3A_203 = arith.constant 97 : i32
    %scan3A_204 = arith.addi %scan3A, %scan3A_203 : i32
    %dma_start3A_205 = arith.constant 0 : i32
    %dma_start3A_206 = tpu.memref_slice %arg10[%scan3A_204, %dma_start3A_205] : memref<100x128xf32, #tpu.memory_space<vmem>> -> memref<1x128xf32, #tpu.memory_space<vmem>>
    %dma_start3A_207 = tpu.memref_squeeze %dma_start3A_206 : memref<1x128xf32, #tpu.memory_space<vmem>> -> memref<128xf32, #tpu.memory_space<vmem>>
    %dma_start3A_208 = arith.constant 0 : i32
    %dma_start3A_209 = tpu.memref_slice %arg7[%scan3A_204, %dma_start3A_208] : memref<100x128xi32, #tpu.memory_space<vmem>> -> memref<1x128xi32, #tpu.memory_space<vmem>>
    %dma_start3A_210 = tpu.memref_squeeze %dma_start3A_209 : memref<1x128xi32, #tpu.memory_space<vmem>> -> memref<128xi32, #tpu.memory_space<vmem>>
    %dma_start3A_211 = arith.constant 0 : i32
    %dma_start3A_212 = tpu.memref_slice %arg13[%dma_start3A_211] : memref<1000001xf32, #tpu.memory_space<vmem_shared>> -> memref<1000001xf32, #tpu.memory_space<vmem_shared>>
    tpu.enqueue_indirect_dma source(%dma_start3A_212 : memref<1000001xf32, #tpu.memory_space<vmem_shared>>) target(%dma_start3A_207 : memref<128xf32, #tpu.memory_space<vmem>>) offsets(%dma_start3A_210 : memref<128xi32, #tpu.memory_space<vmem>>) semaphore(%arg19 : memref<!tpu.dma_semaphore, #tpu.memory_space<semaphore_mem>>)
    %scan3A_213 = arith.constant 98 : i32
    %scan3A_214 = arith.addi %scan3A, %scan3A_213 : i32
    %dma_start3A_215 = arith.constant 0 : i32
    %dma_start3A_216 = tpu.memref_slice %arg10[%scan3A_214, %dma_start3A_215] : memref<100x128xf32, #tpu.memory_space<vmem>> -> memref<1x128xf32, #tpu.memory_space<vmem>>
    %dma_start3A_217 = tpu.memref_squeeze %dma_start3A_216 : memref<1x128xf32, #tpu.memory_space<vmem>> -> memref<128xf32, #tpu.memory_space<vmem>>
    %dma_start3A_218 = arith.constant 0 : i32
    %dma_start3A_219 = tpu.memref_slice %arg7[%scan3A_214, %dma_start3A_218] : memref<100x128xi32, #tpu.memory_space<vmem>> -> memref<1x128xi32, #tpu.memory_space<vmem>>
    %dma_start3A_220 = tpu.memref_squeeze %dma_start3A_219 : memref<1x128xi32, #tpu.memory_space<vmem>> -> memref<128xi32, #tpu.memory_space<vmem>>
    %dma_start3A_221 = arith.constant 0 : i32
    %dma_start3A_222 = tpu.memref_slice %arg13[%dma_start3A_221] : memref<1000001xf32, #tpu.memory_space<vmem_shared>> -> memref<1000001xf32, #tpu.memory_space<vmem_shared>>
    tpu.enqueue_indirect_dma source(%dma_start3A_222 : memref<1000001xf32, #tpu.memory_space<vmem_shared>>) target(%dma_start3A_217 : memref<128xf32, #tpu.memory_space<vmem>>) offsets(%dma_start3A_220 : memref<128xi32, #tpu.memory_space<vmem>>) semaphore(%arg19 : memref<!tpu.dma_semaphore, #tpu.memory_space<semaphore_mem>>)
    %scan3A_223 = arith.constant 99 : i32
    %scan3A_224 = arith.addi %scan3A, %scan3A_223 : i32
    %dma_start3A_225 = arith.constant 0 : i32
    %dma_start3A_226 = tpu.memref_slice %arg10[%scan3A_224, %dma_start3A_225] : memref<100x128xf32, #tpu.memory_space<vmem>> -> memref<1x128xf32, #tpu.memory_space<vmem>>
    %dma_start3A_227 = tpu.memref_squeeze %dma_start3A_226 : memref<1x128xf32, #tpu.memory_space<vmem>> -> memref<128xf32, #tpu.memory_space<vmem>>
    %dma_start3A_228 = arith.constant 0 : i32
    %dma_start3A_229 = tpu.memref_slice %arg7[%scan3A_224, %dma_start3A_228] : memref<100x128xi32, #tpu.memory_space<vmem>> -> memref<1x128xi32, #tpu.memory_space<vmem>>
    %dma_start3A_230 = tpu.memref_squeeze %dma_start3A_229 : memref<1x128xi32, #tpu.memory_space<vmem>> -> memref<128xi32, #tpu.memory_space<vmem>>
    %dma_start3A_231 = arith.constant 0 : i32
    %dma_start3A_232 = tpu.memref_slice %arg13[%dma_start3A_231] : memref<1000001xf32, #tpu.memory_space<vmem_shared>> -> memref<1000001xf32, #tpu.memory_space<vmem_shared>>
    tpu.enqueue_indirect_dma source(%dma_start3A_232 : memref<1000001xf32, #tpu.memory_space<vmem_shared>>) target(%dma_start3A_227 : memref<128xf32, #tpu.memory_space<vmem>>) offsets(%dma_start3A_230 : memref<128xi32, #tpu.memory_space<vmem>>) semaphore(%arg19 : memref<!tpu.dma_semaphore, #tpu.memory_space<semaphore_mem>>)
    %scan3A_233 = arith.constant 100 : i32
    %add3A_234 = arith.constant 0 : i32
    %add3A_235 = arith.addi %mul3A_2, %add3A_234 : i32
    %dma_wait3A_236 = arith.constant 0 : i32
    %dma_wait3A_237 = tpu.memref_slice %arg3[%dma_wait3A_236, %add3A_235] : memref<100x16384xf32, #tpu.memory_space<hbm>> -> memref<100x128xf32, #tpu.memory_space<hbm>>
    %dma_wait3A_238 = arith.constant 0 : i32
    %dma_wait3A_239 = tpu.memref_slice %arg3[%dma_wait3A_238, %add3A_235] : memref<100x16384xf32, #tpu.memory_space<hbm>> -> memref<100x128xf32, #tpu.memory_space<hbm>>
    tpu.wait_dma2 semaphore(%arg18 : memref<!tpu.dma_semaphore, #tpu.memory_space<semaphore_mem>>) src(%dma_wait3A_239 : memref<100x128xf32, #tpu.memory_space<hbm>>) dst(%arg9 : memref<100x128xf32, #tpu.memory_space<vmem>>)
    %broadcast_in_dim3A = arith.constant 0.000000e+00 : f32
    "tpu.trace_stop"() : () -> ()
    "tpu.trace_start"() <{level = 10 : i32, message = "drain_compute"}> : () -> ()
    %broadcast_in_dim3A_240 = vector.broadcast %broadcast_in_dim3A : f32 to vector<16xf32>
    %broadcast_in_dim3A_241 = arith.constant 0.000000e+00 : f32
    %broadcast_in_dim3A_242 = vector.broadcast %broadcast_in_dim3A_241 : f32 to vector<16xf32>
    %broadcast_in_dim3A_243 = arith.constant 0.000000e+00 : f32
    %broadcast_in_dim3A_244 = vector.broadcast %broadcast_in_dim3A_243 : f32 to vector<16xf32>
    %broadcast_in_dim3A_245 = arith.constant 0.000000e+00 : f32
    %broadcast_in_dim3A_246 = vector.broadcast %broadcast_in_dim3A_245 : f32 to vector<16xf32>
    %broadcast_in_dim3A_247 = arith.constant 0.000000e+00 : f32
    %broadcast_in_dim3A_248 = vector.broadcast %broadcast_in_dim3A_247 : f32 to vector<16xf32>
    %broadcast_in_dim3A_249 = arith.constant 0.000000e+00 : f32
    %broadcast_in_dim3A_250 = vector.broadcast %broadcast_in_dim3A_249 : f32 to vector<16xf32>
    %broadcast_in_dim3A_251 = arith.constant 0.000000e+00 : f32
    %broadcast_in_dim3A_252 = vector.broadcast %broadcast_in_dim3A_251 : f32 to vector<16xf32>
    %broadcast_in_dim3A_253 = arith.constant 0.000000e+00 : f32
    %broadcast_in_dim3A_254 = vector.broadcast %broadcast_in_dim3A_253 : f32 to vector<16xf32>
    %scan3A_255 = arith.constant 0 : i32
    %scan3A_256 = arith.constant 100 : i32
    %scan3A_257 = arith.addi %scan3A_255, %scan3A_256 : i32
    %scan3A_258 = arith.constant 2 : i32
    %scan3A_259:8 = scf.for %scan3A_661 = %scan3A_255 to %scan3A_257 step %scan3A_258 iter_args(%scan3A_662 = %broadcast_in_dim3A_240, %scan3A_663 = %broadcast_in_dim3A_242, %scan3A_664 = %broadcast_in_dim3A_244, %scan3A_665 = %broadcast_in_dim3A_246, %scan3A_666 = %broadcast_in_dim3A_248, %scan3A_667 = %broadcast_in_dim3A_250, %scan3A_668 = %broadcast_in_dim3A_252, %scan3A_669 = %broadcast_in_dim3A_254) -> (vector<16xf32>, vector<16xf32>, vector<16xf32>, vector<16xf32>, vector<16xf32>, vector<16xf32>, vector<16xf32>, vector<16xf32>)  : i32 {
      %dma_wait3A_670 = arith.constant 0 : i32
      %dma_wait3A_671 = tpu.memref_slice %arg10[%scan3A_661, %dma_wait3A_670] : memref<100x128xf32, #tpu.memory_space<vmem>> -> memref<1x128xf32, #tpu.memory_space<vmem>>
      %dma_wait3A_672 = tpu.memref_squeeze %dma_wait3A_671 : memref<1x128xf32, #tpu.memory_space<vmem>> -> memref<128xf32, #tpu.memory_space<vmem>>
      %dma_wait3A_673 = arith.constant 0 : i32
      %dma_wait3A_674 = tpu.memref_slice %arg7[%scan3A_661, %dma_wait3A_673] : memref<100x128xi32, #tpu.memory_space<vmem>> -> memref<1x128xi32, #tpu.memory_space<vmem>>
      %dma_wait3A_675 = tpu.memref_squeeze %dma_wait3A_674 : memref<1x128xi32, #tpu.memory_space<vmem>> -> memref<128xi32, #tpu.memory_space<vmem>>
      %dma_wait3A_676 = arith.constant 0 : i32
      %dma_wait3A_677 = tpu.memref_slice %arg13[%dma_wait3A_676] : memref<1000001xf32, #tpu.memory_space<vmem_shared>> -> memref<1000001xf32, #tpu.memory_space<vmem_shared>>
      tpu.wait_indirect_dma semaphore(%arg19 : memref<!tpu.dma_semaphore, #tpu.memory_space<semaphore_mem>>) src(%dma_wait3A_677 : memref<1000001xf32, #tpu.memory_space<vmem_shared>>) dst(%dma_wait3A_672 : memref<128xf32, #tpu.memory_space<vmem>>)
      %get3A_678 = arith.index_cast %scan3A_661 : i32 to index
      %get3A_679 = arith.constant 0 : index
      %get3A_680 = tpu.vector_load %arg10[%get3A_678, %get3A_679] {strides = array<i32>} : memref<100x128xf32, #tpu.memory_space<vmem>>, vector<16xf32>,
      %get3A_681 = arith.index_cast %scan3A_661 : i32 to index
      %get3A_682 = arith.constant 0 : index
      %get3A_683 = tpu.vector_load %arg9[%get3A_681, %get3A_682] {strides = array<i32>} : memref<100x128xf32, #tpu.memory_space<vmem>>, vector<16xf32>,
      %mul3A_684 = arith.mulf %get3A_680, %get3A_683 : vector<16xf32>
      %add3A_685 = arith.addf %scan3A_662, %mul3A_684 : vector<16xf32>
      %get3A_686 = arith.index_cast %scan3A_661 : i32 to index
      %get3A_687 = arith.constant 16 : index
      %get3A_688 = tpu.vector_load %arg10[%get3A_686, %get3A_687] {strides = array<i32>} : memref<100x128xf32, #tpu.memory_space<vmem>>, vector<16xf32>,
      %get3A_689 = arith.index_cast %scan3A_661 : i32 to index
      %get3A_690 = arith.constant 16 : index
      %get3A_691 = tpu.vector_load %arg9[%get3A_689, %get3A_690] {strides = array<i32>} : memref<100x128xf32, #tpu.memory_space<vmem>>, vector<16xf32>,
      %mul3A_692 = arith.mulf %get3A_688, %get3A_691 : vector<16xf32>
      %add3A_693 = arith.addf %scan3A_663, %mul3A_692 : vector<16xf32>
      %get3A_694 = arith.index_cast %scan3A_661 : i32 to index
      %get3A_695 = arith.constant 32 : index
      %get3A_696 = tpu.vector_load %arg10[%get3A_694, %get3A_695] {strides = array<i32>} : memref<100x128xf32, #tpu.memory_space<vmem>>, vector<16xf32>,
      %get3A_697 = arith.index_cast %scan3A_661 : i32 to index
      %get3A_698 = arith.constant 32 : index
      %get3A_699 = tpu.vector_load %arg9[%get3A_697, %get3A_698] {strides = array<i32>} : memref<100x128xf32, #tpu.memory_space<vmem>>, vector<16xf32>,
      %mul3A_700 = arith.mulf %get3A_696, %get3A_699 : vector<16xf32>
      %add3A_701 = arith.addf %scan3A_664, %mul3A_700 : vector<16xf32>
      %get3A_702 = arith.index_cast %scan3A_661 : i32 to index
      %get3A_703 = arith.constant 48 : index
      %get3A_704 = tpu.vector_load %arg10[%get3A_702, %get3A_703] {strides = array<i32>} : memref<100x128xf32, #tpu.memory_space<vmem>>, vector<16xf32>,
      %get3A_705 = arith.index_cast %scan3A_661 : i32 to index
      %get3A_706 = arith.constant 48 : index
      %get3A_707 = tpu.vector_load %arg9[%get3A_705, %get3A_706] {strides = array<i32>} : memref<100x128xf32, #tpu.memory_space<vmem>>, vector<16xf32>,
      %mul3A_708 = arith.mulf %get3A_704, %get3A_707 : vector<16xf32>
      %add3A_709 = arith.addf %scan3A_665, %mul3A_708 : vector<16xf32>
      %get3A_710 = arith.index_cast %scan3A_661 : i32 to index
      %get3A_711 = arith.constant 64 : index
      %get3A_712 = tpu.vector_load %arg10[%get3A_710, %get3A_711] {strides = array<i32>} : memref<100x128xf32, #tpu.memory_space<vmem>>, vector<16xf32>,
      %get3A_713 = arith.index_cast %scan3A_661 : i32 to index
      %get3A_714 = arith.constant 64 : index
      %get3A_715 = tpu.vector_load %arg9[%get3A_713, %get3A_714] {strides = array<i32>} : memref<100x128xf32, #tpu.memory_space<vmem>>, vector<16xf32>,
      %mul3A_716 = arith.mulf %get3A_712, %get3A_715 : vector<16xf32>
      %add3A_717 = arith.addf %scan3A_666, %mul3A_716 : vector<16xf32>
      %get3A_718 = arith.index_cast %scan3A_661 : i32 to index
      %get3A_719 = arith.constant 80 : index
      %get3A_720 = tpu.vector_load %arg10[%get3A_718, %get3A_719] {strides = array<i32>} : memref<100x128xf32, #tpu.memory_space<vmem>>, vector<16xf32>,
      %get3A_721 = arith.index_cast %scan3A_661 : i32 to index
      %get3A_722 = arith.constant 80 : index
      %get3A_723 = tpu.vector_load %arg9[%get3A_721, %get3A_722] {strides = array<i32>} : memref<100x128xf32, #tpu.memory_space<vmem>>, vector<16xf32>,
      %mul3A_724 = arith.mulf %get3A_720, %get3A_723 : vector<16xf32>
      %add3A_725 = arith.addf %scan3A_667, %mul3A_724 : vector<16xf32>
      %get3A_726 = arith.index_cast %scan3A_661 : i32 to index
      %get3A_727 = arith.constant 96 : index
      %get3A_728 = tpu.vector_load %arg10[%get3A_726, %get3A_727] {strides = array<i32>} : memref<100x128xf32, #tpu.memory_space<vmem>>, vector<16xf32>,
      %get3A_729 = arith.index_cast %scan3A_661 : i32 to index
      %get3A_730 = arith.constant 96 : index
      %get3A_731 = tpu.vector_load %arg9[%get3A_729, %get3A_730] {strides = array<i32>} : memref<100x128xf32, #tpu.memory_space<vmem>>, vector<16xf32>,
      %mul3A_732 = arith.mulf %get3A_728, %get3A_731 : vector<16xf32>
      %add3A_733 = arith.addf %scan3A_668, %mul3A_732 : vector<16xf32>
      %get3A_734 = arith.index_cast %scan3A_661 : i32 to index
      %get3A_735 = arith.constant 112 : index
      %get3A_736 = tpu.vector_load %arg10[%get3A_734, %get3A_735] {strides = array<i32>} : memref<100x128xf32, #tpu.memory_space<vmem>>, vector<16xf32>,
      %get3A_737 = arith.index_cast %scan3A_661 : i32 to index
      %get3A_738 = arith.constant 112 : index
      %get3A_739 = tpu.vector_load %arg9[%get3A_737, %get3A_738] {strides = array<i32>} : memref<100x128xf32, #tpu.memory_space<vmem>>, vector<16xf32>,
      %mul3A_740 = arith.mulf %get3A_736, %get3A_739 : vector<16xf32>
      %add3A_741 = arith.addf %scan3A_669, %mul3A_740 : vector<16xf32>
      %scan3A_742 = arith.constant 1 : i32
      %scan3A_743 = arith.addi %scan3A_661, %scan3A_742 : i32
      %dma_wait3A_744 = arith.constant 0 : i32
      %dma_wait3A_745 = tpu.memref_slice %arg10[%scan3A_743, %dma_wait3A_744] : memref<100x128xf32, #tpu.memory_space<vmem>> -> memref<1x128xf32, #tpu.memory_space<vmem>>
      %dma_wait3A_746 = tpu.memref_squeeze %dma_wait3A_745 : memref<1x128xf32, #tpu.memory_space<vmem>> -> memref<128xf32, #tpu.memory_space<vmem>>
      %dma_wait3A_747 = arith.constant 0 : i32
      %dma_wait3A_748 = tpu.memref_slice %arg7[%scan3A_743, %dma_wait3A_747] : memref<100x128xi32, #tpu.memory_space<vmem>> -> memref<1x128xi32, #tpu.memory_space<vmem>>
      %dma_wait3A_749 = tpu.memref_squeeze %dma_wait3A_748 : memref<1x128xi32, #tpu.memory_space<vmem>> -> memref<128xi32, #tpu.memory_space<vmem>>
      %dma_wait3A_750 = arith.constant 0 : i32
      %dma_wait3A_751 = tpu.memref_slice %arg13[%dma_wait3A_750] : memref<1000001xf32, #tpu.memory_space<vmem_shared>> -> memref<1000001xf32, #tpu.memory_space<vmem_shared>>
      tpu.wait_indirect_dma semaphore(%arg19 : memref<!tpu.dma_semaphore, #tpu.memory_space<semaphore_mem>>) src(%dma_wait3A_751 : memref<1000001xf32, #tpu.memory_space<vmem_shared>>) dst(%dma_wait3A_746 : memref<128xf32, #tpu.memory_space<vmem>>)
      %get3A_752 = arith.index_cast %scan3A_743 : i32 to index
      %get3A_753 = arith.constant 0 : index
      %get3A_754 = tpu.vector_load %arg10[%get3A_752, %get3A_753] {strides = array<i32>} : memref<100x128xf32, #tpu.memory_space<vmem>>, vector<16xf32>,
      %get3A_755 = arith.index_cast %scan3A_743 : i32 to index
      %get3A_756 = arith.constant 0 : index
      %get3A_757 = tpu.vector_load %arg9[%get3A_755, %get3A_756] {strides = array<i32>} : memref<100x128xf32, #tpu.memory_space<vmem>>, vector<16xf32>,
      %mul3A_758 = arith.mulf %get3A_754, %get3A_757 : vector<16xf32>
      %add3A_759 = arith.addf %add3A_685, %mul3A_758 : vector<16xf32>
      %get3A_760 = arith.index_cast %scan3A_743 : i32 to index
      %get3A_761 = arith.constant 16 : index
      %get3A_762 = tpu.vector_load %arg10[%get3A_760, %get3A_761] {strides = array<i32>} : memref<100x128xf32, #tpu.memory_space<vmem>>, vector<16xf32>,
      %get3A_763 = arith.index_cast %scan3A_743 : i32 to index
      %get3A_764 = arith.constant 16 : index
      %get3A_765 = tpu.vector_load %arg9[%get3A_763, %get3A_764] {strides = array<i32>} : memref<100x128xf32, #tpu.memory_space<vmem>>, vector<16xf32>,
      %mul3A_766 = arith.mulf %get3A_762, %get3A_765 : vector<16xf32>
      %add3A_767 = arith.addf %add3A_693, %mul3A_766 : vector<16xf32>
      %get3A_768 = arith.index_cast %scan3A_743 : i32 to index
      %get3A_769 = arith.constant 32 : index
      %get3A_770 = tpu.vector_load %arg10[%get3A_768, %get3A_769] {strides = array<i32>} : memref<100x128xf32, #tpu.memory_space<vmem>>, vector<16xf32>,
      %get3A_771 = arith.index_cast %scan3A_743 : i32 to index
      %get3A_772 = arith.constant 32 : index
      %get3A_773 = tpu.vector_load %arg9[%get3A_771, %get3A_772] {strides = array<i32>} : memref<100x128xf32, #tpu.memory_space<vmem>>, vector<16xf32>,
      %mul3A_774 = arith.mulf %get3A_770, %get3A_773 : vector<16xf32>
      %add3A_775 = arith.addf %add3A_701, %mul3A_774 : vector<16xf32>
      %get3A_776 = arith.index_cast %scan3A_743 : i32 to index
      %get3A_777 = arith.constant 48 : index
      %get3A_778 = tpu.vector_load %arg10[%get3A_776, %get3A_777] {strides = array<i32>} : memref<100x128xf32, #tpu.memory_space<vmem>>, vector<16xf32>,
      %get3A_779 = arith.index_cast %scan3A_743 : i32 to index
      %get3A_780 = arith.constant 48 : index
      %get3A_781 = tpu.vector_load %arg9[%get3A_779, %get3A_780] {strides = array<i32>} : memref<100x128xf32, #tpu.memory_space<vmem>>, vector<16xf32>,
      %mul3A_782 = arith.mulf %get3A_778, %get3A_781 : vector<16xf32>
      %add3A_783 = arith.addf %add3A_709, %mul3A_782 : vector<16xf32>
      %get3A_784 = arith.index_cast %scan3A_743 : i32 to index
      %get3A_785 = arith.constant 64 : index
      %get3A_786 = tpu.vector_load %arg10[%get3A_784, %get3A_785] {strides = array<i32>} : memref<100x128xf32, #tpu.memory_space<vmem>>, vector<16xf32>,
      %get3A_787 = arith.index_cast %scan3A_743 : i32 to index
      %get3A_788 = arith.constant 64 : index
      %get3A_789 = tpu.vector_load %arg9[%get3A_787, %get3A_788] {strides = array<i32>} : memref<100x128xf32, #tpu.memory_space<vmem>>, vector<16xf32>,
      %mul3A_790 = arith.mulf %get3A_786, %get3A_789 : vector<16xf32>
      %add3A_791 = arith.addf %add3A_717, %mul3A_790 : vector<16xf32>
      %get3A_792 = arith.index_cast %scan3A_743 : i32 to index
      %get3A_793 = arith.constant 80 : index
      %get3A_794 = tpu.vector_load %arg10[%get3A_792, %get3A_793] {strides = array<i32>} : memref<100x128xf32, #tpu.memory_space<vmem>>, vector<16xf32>,
      %get3A_795 = arith.index_cast %scan3A_743 : i32 to index
      %get3A_796 = arith.constant 80 : index
      %get3A_797 = tpu.vector_load %arg9[%get3A_795, %get3A_796] {strides = array<i32>} : memref<100x128xf32, #tpu.memory_space<vmem>>, vector<16xf32>,
      %mul3A_798 = arith.mulf %get3A_794, %get3A_797 : vector<16xf32>
      %add3A_799 = arith.addf %add3A_725, %mul3A_798 : vector<16xf32>
      %get3A_800 = arith.index_cast %scan3A_743 : i32 to index
      %get3A_801 = arith.constant 96 : index
      %get3A_802 = tpu.vector_load %arg10[%get3A_800, %get3A_801] {strides = array<i32>} : memref<100x128xf32, #tpu.memory_space<vmem>>, vector<16xf32>,
      %get3A_803 = arith.index_cast %scan3A_743 : i32 to index
      %get3A_804 = arith.constant 96 : index
      %get3A_805 = tpu.vector_load %arg9[%get3A_803, %get3A_804] {strides = array<i32>} : memref<100x128xf32, #tpu.memory_space<vmem>>, vector<16xf32>,
      %mul3A_806 = arith.mulf %get3A_802, %get3A_805 : vector<16xf32>
      %add3A_807 = arith.addf %add3A_733, %mul3A_806 : vector<16xf32>
      %get3A_808 = arith.index_cast %scan3A_743 : i32 to index
      %get3A_809 = arith.constant 112 : index
      %get3A_810 = tpu.vector_load %arg10[%get3A_808, %get3A_809] {strides = array<i32>} : memref<100x128xf32, #tpu.memory_space<vmem>>, vector<16xf32>,
      %get3A_811 = arith.index_cast %scan3A_743 : i32 to index
      %get3A_812 = arith.constant 112 : index
      %get3A_813 = tpu.vector_load %arg9[%get3A_811, %get3A_812] {strides = array<i32>} : memref<100x128xf32, #tpu.memory_space<vmem>>, vector<16xf32>,
      %mul3A_814 = arith.mulf %get3A_810, %get3A_813 : vector<16xf32>
      %add3A_815 = arith.addf %add3A_741, %mul3A_814 : vector<16xf32>
      scf.yield %add3A_759, %add3A_767, %add3A_775, %add3A_783, %add3A_791, %add3A_799, %add3A_807, %add3A_815 : vector<16xf32>, vector<16xf32>, vector<16xf32>, vector<16xf32>, vector<16xf32>, vector<16xf32>, vector<16xf32>, vector<16xf32>
    }
    %scan3A_260 = arith.constant 100 : i32
    %add3A_261 = vector.broadcast %squeeze3A : f32 to vector<16xf32>
    %add3A_262 = arith.addf %scan3A_259#0, %add3A_261 : vector<16xf32>
    %swap3A = arith.constant 0 : index
    %swap3A_263 = tpu.vector_load %arg11[%swap3A] {strides = array<i32>} : memref<128xf32, #tpu.memory_space<vmem>>, vector<16xf32>,
    tpu.vector_store %arg11[%swap3A], %add3A_262 {strides = array<i32>} : memref<128xf32, #tpu.memory_space<vmem>>, vector<16xf32>,
    %add3A_264 = vector.broadcast %squeeze3A : f32 to vector<16xf32>
    %add3A_265 = arith.addf %scan3A_259#1, %add3A_264 : vector<16xf32>
    %swap3A_266 = arith.constant 16 : index
    %swap3A_267 = tpu.vector_load %arg11[%swap3A_266] {strides = array<i32>} : memref<128xf32, #tpu.memory_space<vmem>>, vector<16xf32>,
    tpu.vector_store %arg11[%swap3A_266], %add3A_265 {strides = array<i32>} : memref<128xf32, #tpu.memory_space<vmem>>, vector<16xf32>,
    %add3A_268 = vector.broadcast %squeeze3A : f32 to vector<16xf32>
    %add3A_269 = arith.addf %scan3A_259#2, %add3A_268 : vector<16xf32>
    %swap3A_270 = arith.constant 32 : index
    %swap3A_271 = tpu.vector_load %arg11[%swap3A_270] {strides = array<i32>} : memref<128xf32, #tpu.memory_space<vmem>>, vector<16xf32>,
    tpu.vector_store %arg11[%swap3A_270], %add3A_269 {strides = array<i32>} : memref<128xf32, #tpu.memory_space<vmem>>, vector<16xf32>,
    %add3A_272 = vector.broadcast %squeeze3A : f32 to vector<16xf32>
    %add3A_273 = arith.addf %scan3A_259#3, %add3A_272 : vector<16xf32>
    %swap3A_274 = arith.constant 48 : index
    %swap3A_275 = tpu.vector_load %arg11[%swap3A_274] {strides = array<i32>} : memref<128xf32, #tpu.memory_space<vmem>>, vector<16xf32>,
    tpu.vector_store %arg11[%swap3A_274], %add3A_273 {strides = array<i32>} : memref<128xf32, #tpu.memory_space<vmem>>, vector<16xf32>,
    %add3A_276 = vector.broadcast %squeeze3A : f32 to vector<16xf32>
    %add3A_277 = arith.addf %scan3A_259#4, %add3A_276 : vector<16xf32>
    %swap3A_278 = arith.constant 64 : index
    %swap3A_279 = tpu.vector_load %arg11[%swap3A_278] {strides = array<i32>} : memref<128xf32, #tpu.memory_space<vmem>>, vector<16xf32>,
    tpu.vector_store %arg11[%swap3A_278], %add3A_277 {strides = array<i32>} : memref<128xf32, #tpu.memory_space<vmem>>, vector<16xf32>,
    %add3A_280 = vector.broadcast %squeeze3A : f32 to vector<16xf32>
    %add3A_281 = arith.addf %scan3A_259#5, %add3A_280 : vector<16xf32>
    %swap3A_282 = arith.constant 80 : index
    %swap3A_283 = tpu.vector_load %arg11[%swap3A_282] {strides = array<i32>} : memref<128xf32, #tpu.memory_space<vmem>>, vector<16xf32>,
    tpu.vector_store %arg11[%swap3A_282], %add3A_281 {strides = array<i32>} : memref<128xf32, #tpu.memory_space<vmem>>, vector<16xf32>,
    %add3A_284 = vector.broadcast %squeeze3A : f32 to vector<16xf32>
    %add3A_285 = arith.addf %scan3A_259#6, %add3A_284 : vector<16xf32>
    %swap3A_286 = arith.constant 96 : index
    %swap3A_287 = tpu.vector_load %arg11[%swap3A_286] {strides = array<i32>} : memref<128xf32, #tpu.memory_space<vmem>>, vector<16xf32>,
    tpu.vector_store %arg11[%swap3A_286], %add3A_285 {strides = array<i32>} : memref<128xf32, #tpu.memory_space<vmem>>, vector<16xf32>,
    %add3A_288 = vector.broadcast %squeeze3A : f32 to vector<16xf32>
    %add3A_289 = arith.addf %scan3A_259#7, %add3A_288 : vector<16xf32>
    %swap3A_290 = arith.constant 112 : index
    %swap3A_291 = tpu.vector_load %arg11[%swap3A_290] {strides = array<i32>} : memref<128xf32, #tpu.memory_space<vmem>>, vector<16xf32>,
    tpu.vector_store %arg11[%swap3A_290], %add3A_289 {strides = array<i32>} : memref<128xf32, #tpu.memory_space<vmem>>, vector<16xf32>,
    "tpu.region"() ({
      %run_scoped3A = tpu.sem_alloc : memref<!tpu.dma_semaphore, #tpu.memory_space<semaphore_mem>>
      %dma_start3A_661 = tpu.memref_slice %arg6[%add3A_178] : memref<16384xf32, #tpu.memory_space<hbm>> -> memref<128xf32, #tpu.memory_space<hbm>>
      %dma_start3A_662 = tpu.memref_slice %arg6[%add3A_178] : memref<16384xf32, #tpu.memory_space<hbm>> -> memref<128xf32, #tpu.memory_space<hbm>>
      tpu.enqueue_dma source(%arg11 : memref<128xf32, #tpu.memory_space<vmem>>) target(%dma_start3A_662 : memref<128xf32, #tpu.memory_space<hbm>>) target_semaphore(%run_scoped3A : memref<!tpu.dma_semaphore, #tpu.memory_space<semaphore_mem>>)
      %dma_wait3A_663 = tpu.memref_slice %arg6[%add3A_178] : memref<16384xf32, #tpu.memory_space<hbm>> -> memref<128xf32, #tpu.memory_space<hbm>>
      %dma_wait3A_664 = tpu.memref_slice %arg6[%add3A_178] : memref<16384xf32, #tpu.memory_space<hbm>> -> memref<128xf32, #tpu.memory_space<hbm>>
      tpu.wait_dma2 semaphore(%run_scoped3A : memref<!tpu.dma_semaphore, #tpu.memory_space<semaphore_mem>>) src(%arg11 : memref<128xf32, #tpu.memory_space<vmem>>) dst(%dma_wait3A_664 : memref<128xf32, #tpu.memory_space<hbm>>)
      tpu.yield
    }) : () -> ()
    %add3A_292 = arith.constant 128 : i32
    %add3A_293 = arith.addi %mul3A_2, %add3A_292 : i32
    %dma_start3A_294 = arith.constant 0 : i32
    %dma_start3A_295 = tpu.memref_slice %arg3[%dma_start3A_294, %add3A_293] : memref<100x16384xf32, #tpu.memory_space<hbm>> -> memref<100x128xf32, #tpu.memory_space<hbm>>
    %dma_start3A_296 = arith.constant 0 : i32
    %dma_start3A_297 = tpu.memref_slice %arg3[%dma_start3A_296, %add3A_293] : memref<100x16384xf32, #tpu.memory_space<hbm>> -> memref<100x128xf32, #tpu.memory_space<hbm>>
    tpu.enqueue_dma source(%dma_start3A_297 : memref<100x128xf32, #tpu.memory_space<hbm>>) target(%arg9 : memref<100x128xf32, #tpu.memory_space<vmem>>) target_semaphore(%arg18 : memref<!tpu.dma_semaphore, #tpu.memory_space<semaphore_mem>>)
    "tpu.trace_stop"() : () -> ()
    %add3A_298 = arith.constant 128 : i32
    %add3A_299 = arith.addi %mul3A_2, %add3A_298 : i32
    "tpu.trace_start"() <{level = 10 : i32, message = "wait_in"}> : () -> ()
    %add3A_300 = arith.constant 128 : i32
    %add3A_301 = arith.addi %mul3A_2, %add3A_300 : i32
    %dma_wait3A_302 = arith.constant 0 : i32
    %dma_wait3A_303 = tpu.memref_slice %arg2[%dma_wait3A_302, %add3A_301] : memref<100x16384xi32, #tpu.memory_space<hbm>> -> memref<100x128xi32, #tpu.memory_space<hbm>>
    %dma_wait3A_304 = arith.constant 0 : i32
    %dma_wait3A_305 = tpu.memref_slice %arg2[%dma_wait3A_304, %add3A_301] : memref<100x16384xi32, #tpu.memory_space<hbm>> -> memref<100x128xi32, #tpu.memory_space<hbm>>
    tpu.wait_dma2 semaphore(%arg17 : memref<!tpu.dma_semaphore, #tpu.memory_space<semaphore_mem>>) src(%dma_wait3A_305 : memref<100x128xi32, #tpu.memory_space<hbm>>) dst(%arg8 : memref<100x128xi32, #tpu.memory_space<vmem>>)
    %add3A_306 = arith.constant 256 : i32
    %add3A_307 = arith.addi %mul3A_2, %add3A_306 : i32
    %dma_start3A_308 = arith.constant 0 : i32
    %dma_start3A_309 = tpu.memref_slice %arg2[%dma_start3A_308, %add3A_307] : memref<100x16384xi32, #tpu.memory_space<hbm>> -> memref<100x128xi32, #tpu.memory_space<hbm>>
    %dma_start3A_310 = arith.constant 0 : i32
    %dma_start3A_311 = tpu.memref_slice %arg2[%dma_start3A_310, %add3A_307] : memref<100x16384xi32, #tpu.memory_space<hbm>> -> memref<100x128xi32, #tpu.memory_space<hbm>>
    tpu.enqueue_dma source(%dma_start3A_311 : memref<100x128xi32, #tpu.memory_space<hbm>>) target(%arg7 : memref<100x128xi32, #tpu.memory_space<vmem>>) target_semaphore(%arg17 : memref<!tpu.dma_semaphore, #tpu.memory_space<semaphore_mem>>)
    "tpu.trace_stop"() : () -> ()
    "tpu.trace_start"() <{level = 10 : i32, message = "fire"}> : () -> ()
    %scan3A_312 = arith.constant 0 : i32
    %scan3A_313 = arith.constant 96 : i32
    %scan3A_314 = arith.addi %scan3A_312, %scan3A_313 : i32
    %scan3A_315 = arith.constant 8 : i32
    scf.for %scan3A_661 = %scan3A_312 to %scan3A_314 step %scan3A_315  : i32 {
      %dma_start3A_662 = arith.constant 0 : i32
      %dma_start3A_663 = tpu.memref_slice %arg10[%scan3A_661, %dma_start3A_662] : memref<100x128xf32, #tpu.memory_space<vmem>> -> memref<1x128xf32, #tpu.memory_space<vmem>>
      %dma_start3A_664 = tpu.memref_squeeze %dma_start3A_663 : memref<1x128xf32, #tpu.memory_space<vmem>> -> memref<128xf32, #tpu.memory_space<vmem>>
      %dma_start3A_665 = arith.constant 0 : i32
      %dma_start3A_666 = tpu.memref_slice %arg8[%scan3A_661, %dma_start3A_665] : memref<100x128xi32, #tpu.memory_space<vmem>> -> memref<1x128xi32, #tpu.memory_space<vmem>>
      %dma_start3A_667 = tpu.memref_squeeze %dma_start3A_666 : memref<1x128xi32, #tpu.memory_space<vmem>> -> memref<128xi32, #tpu.memory_space<vmem>>
      %dma_start3A_668 = arith.constant 0 : i32
      %dma_start3A_669 = tpu.memref_slice %arg13[%dma_start3A_668] : memref<1000001xf32, #tpu.memory_space<vmem_shared>> -> memref<1000001xf32, #tpu.memory_space<vmem_shared>>
      tpu.enqueue_indirect_dma source(%dma_start3A_669 : memref<1000001xf32, #tpu.memory_space<vmem_shared>>) target(%dma_start3A_664 : memref<128xf32, #tpu.memory_space<vmem>>) offsets(%dma_start3A_667 : memref<128xi32, #tpu.memory_space<vmem>>) semaphore(%arg19 : memref<!tpu.dma_semaphore, #tpu.memory_space<semaphore_mem>>)
      %scan3A_670 = arith.constant 1 : i32
      %scan3A_671 = arith.addi %scan3A_661, %scan3A_670 : i32
      %dma_start3A_672 = arith.constant 0 : i32
      %dma_start3A_673 = tpu.memref_slice %arg10[%scan3A_671, %dma_start3A_672] : memref<100x128xf32, #tpu.memory_space<vmem>> -> memref<1x128xf32, #tpu.memory_space<vmem>>
      %dma_start3A_674 = tpu.memref_squeeze %dma_start3A_673 : memref<1x128xf32, #tpu.memory_space<vmem>> -> memref<128xf32, #tpu.memory_space<vmem>>
      %dma_start3A_675 = arith.constant 0 : i32
      %dma_start3A_676 = tpu.memref_slice %arg8[%scan3A_671, %dma_start3A_675] : memref<100x128xi32, #tpu.memory_space<vmem>> -> memref<1x128xi32, #tpu.memory_space<vmem>>
      %dma_start3A_677 = tpu.memref_squeeze %dma_start3A_676 : memref<1x128xi32, #tpu.memory_space<vmem>> -> memref<128xi32, #tpu.memory_space<vmem>>
      %dma_start3A_678 = arith.constant 0 : i32
      %dma_start3A_679 = tpu.memref_slice %arg13[%dma_start3A_678] : memref<1000001xf32, #tpu.memory_space<vmem_shared>> -> memref<1000001xf32, #tpu.memory_space<vmem_shared>>
      tpu.enqueue_indirect_dma source(%dma_start3A_679 : memref<1000001xf32, #tpu.memory_space<vmem_shared>>) target(%dma_start3A_674 : memref<128xf32, #tpu.memory_space<vmem>>) offsets(%dma_start3A_677 : memref<128xi32, #tpu.memory_space<vmem>>) semaphore(%arg19 : memref<!tpu.dma_semaphore, #tpu.memory_space<semaphore_mem>>)
      %scan3A_680 = arith.constant 2 : i32
      %scan3A_681 = arith.addi %scan3A_661, %scan3A_680 : i32
      %dma_start3A_682 = arith.constant 0 : i32
      %dma_start3A_683 = tpu.memref_slice %arg10[%scan3A_681, %dma_start3A_682] : memref<100x128xf32, #tpu.memory_space<vmem>> -> memref<1x128xf32, #tpu.memory_space<vmem>>
      %dma_start3A_684 = tpu.memref_squeeze %dma_start3A_683 : memref<1x128xf32, #tpu.memory_space<vmem>> -> memref<128xf32, #tpu.memory_space<vmem>>
      %dma_start3A_685 = arith.constant 0 : i32
      %dma_start3A_686 = tpu.memref_slice %arg8[%scan3A_681, %dma_start3A_685] : memref<100x128xi32, #tpu.memory_space<vmem>> -> memref<1x128xi32, #tpu.memory_space<vmem>>
      %dma_start3A_687 = tpu.memref_squeeze %dma_start3A_686 : memref<1x128xi32, #tpu.memory_space<vmem>> -> memref<128xi32, #tpu.memory_space<vmem>>
      %dma_start3A_688 = arith.constant 0 : i32
      %dma_start3A_689 = tpu.memref_slice %arg13[%dma_start3A_688] : memref<1000001xf32, #tpu.memory_space<vmem_shared>> -> memref<1000001xf32, #tpu.memory_space<vmem_shared>>
      tpu.enqueue_indirect_dma source(%dma_start3A_689 : memref<1000001xf32, #tpu.memory_space<vmem_shared>>) target(%dma_start3A_684 : memref<128xf32, #tpu.memory_space<vmem>>) offsets(%dma_start3A_687 : memref<128xi32, #tpu.memory_space<vmem>>) semaphore(%arg19 : memref<!tpu.dma_semaphore, #tpu.memory_space<semaphore_mem>>)
      %scan3A_690 = arith.constant 3 : i32
      %scan3A_691 = arith.addi %scan3A_661, %scan3A_690 : i32
      %dma_start3A_692 = arith.constant 0 : i32
      %dma_start3A_693 = tpu.memref_slice %arg10[%scan3A_691, %dma_start3A_692] : memref<100x128xf32, #tpu.memory_space<vmem>> -> memref<1x128xf32, #tpu.memory_space<vmem>>
      %dma_start3A_694 = tpu.memref_squeeze %dma_start3A_693 : memref<1x128xf32, #tpu.memory_space<vmem>> -> memref<128xf32, #tpu.memory_space<vmem>>
      %dma_start3A_695 = arith.constant 0 : i32
      %dma_start3A_696 = tpu.memref_slice %arg8[%scan3A_691, %dma_start3A_695] : memref<100x128xi32, #tpu.memory_space<vmem>> -> memref<1x128xi32, #tpu.memory_space<vmem>>
      %dma_start3A_697 = tpu.memref_squeeze %dma_start3A_696 : memref<1x128xi32, #tpu.memory_space<vmem>> -> memref<128xi32, #tpu.memory_space<vmem>>
      %dma_start3A_698 = arith.constant 0 : i32
      %dma_start3A_699 = tpu.memref_slice %arg13[%dma_start3A_698] : memref<1000001xf32, #tpu.memory_space<vmem_shared>> -> memref<1000001xf32, #tpu.memory_space<vmem_shared>>
      tpu.enqueue_indirect_dma source(%dma_start3A_699 : memref<1000001xf32, #tpu.memory_space<vmem_shared>>) target(%dma_start3A_694 : memref<128xf32, #tpu.memory_space<vmem>>) offsets(%dma_start3A_697 : memref<128xi32, #tpu.memory_space<vmem>>) semaphore(%arg19 : memref<!tpu.dma_semaphore, #tpu.memory_space<semaphore_mem>>)
      %scan3A_700 = arith.constant 4 : i32
      %scan3A_701 = arith.addi %scan3A_661, %scan3A_700 : i32
      %dma_start3A_702 = arith.constant 0 : i32
      %dma_start3A_703 = tpu.memref_slice %arg10[%scan3A_701, %dma_start3A_702] : memref<100x128xf32, #tpu.memory_space<vmem>> -> memref<1x128xf32, #tpu.memory_space<vmem>>
      %dma_start3A_704 = tpu.memref_squeeze %dma_start3A_703 : memref<1x128xf32, #tpu.memory_space<vmem>> -> memref<128xf32, #tpu.memory_space<vmem>>
      %dma_start3A_705 = arith.constant 0 : i32
      %dma_start3A_706 = tpu.memref_slice %arg8[%scan3A_701, %dma_start3A_705] : memref<100x128xi32, #tpu.memory_space<vmem>> -> memref<1x128xi32, #tpu.memory_space<vmem>>
      %dma_start3A_707 = tpu.memref_squeeze %dma_start3A_706 : memref<1x128xi32, #tpu.memory_space<vmem>> -> memref<128xi32, #tpu.memory_space<vmem>>
      %dma_start3A_708 = arith.constant 0 : i32
      %dma_start3A_709 = tpu.memref_slice %arg13[%dma_start3A_708] : memref<1000001xf32, #tpu.memory_space<vmem_shared>> -> memref<1000001xf32, #tpu.memory_space<vmem_shared>>
      tpu.enqueue_indirect_dma source(%dma_start3A_709 : memref<1000001xf32, #tpu.memory_space<vmem_shared>>) target(%dma_start3A_704 : memref<128xf32, #tpu.memory_space<vmem>>) offsets(%dma_start3A_707 : memref<128xi32, #tpu.memory_space<vmem>>) semaphore(%arg19 : memref<!tpu.dma_semaphore, #tpu.memory_space<semaphore_mem>>)
      %scan3A_710 = arith.constant 5 : i32
      %scan3A_711 = arith.addi %scan3A_661, %scan3A_710 : i32
      %dma_start3A_712 = arith.constant 0 : i32
      %dma_start3A_713 = tpu.memref_slice %arg10[%scan3A_711, %dma_start3A_712] : memref<100x128xf32, #tpu.memory_space<vmem>> -> memref<1x128xf32, #tpu.memory_space<vmem>>
      %dma_start3A_714 = tpu.memref_squeeze %dma_start3A_713 : memref<1x128xf32, #tpu.memory_space<vmem>> -> memref<128xf32, #tpu.memory_space<vmem>>
      %dma_start3A_715 = arith.constant 0 : i32
      %dma_start3A_716 = tpu.memref_slice %arg8[%scan3A_711, %dma_start3A_715] : memref<100x128xi32, #tpu.memory_space<vmem>> -> memref<1x128xi32, #tpu.memory_space<vmem>>
      %dma_start3A_717 = tpu.memref_squeeze %dma_start3A_716 : memref<1x128xi32, #tpu.memory_space<vmem>> -> memref<128xi32, #tpu.memory_space<vmem>>
      %dma_start3A_718 = arith.constant 0 : i32
      %dma_start3A_719 = tpu.memref_slice %arg13[%dma_start3A_718] : memref<1000001xf32, #tpu.memory_space<vmem_shared>> -> memref<1000001xf32, #tpu.memory_space<vmem_shared>>
      tpu.enqueue_indirect_dma source(%dma_start3A_719 : memref<1000001xf32, #tpu.memory_space<vmem_shared>>) target(%dma_start3A_714 : memref<128xf32, #tpu.memory_space<vmem>>) offsets(%dma_start3A_717 : memref<128xi32, #tpu.memory_space<vmem>>) semaphore(%arg19 : memref<!tpu.dma_semaphore, #tpu.memory_space<semaphore_mem>>)
      %scan3A_720 = arith.constant 6 : i32
      %scan3A_721 = arith.addi %scan3A_661, %scan3A_720 : i32
      %dma_start3A_722 = arith.constant 0 : i32
      %dma_start3A_723 = tpu.memref_slice %arg10[%scan3A_721, %dma_start3A_722] : memref<100x128xf32, #tpu.memory_space<vmem>> -> memref<1x128xf32, #tpu.memory_space<vmem>>
      %dma_start3A_724 = tpu.memref_squeeze %dma_start3A_723 : memref<1x128xf32, #tpu.memory_space<vmem>> -> memref<128xf32, #tpu.memory_space<vmem>>
      %dma_start3A_725 = arith.constant 0 : i32
      %dma_start3A_726 = tpu.memref_slice %arg8[%scan3A_721, %dma_start3A_725] : memref<100x128xi32, #tpu.memory_space<vmem>> -> memref<1x128xi32, #tpu.memory_space<vmem>>
      %dma_start3A_727 = tpu.memref_squeeze %dma_start3A_726 : memref<1x128xi32, #tpu.memory_space<vmem>> -> memref<128xi32, #tpu.memory_space<vmem>>
      %dma_start3A_728 = arith.constant 0 : i32
      %dma_start3A_729 = tpu.memref_slice %arg13[%dma_start3A_728] : memref<1000001xf32, #tpu.memory_space<vmem_shared>> -> memref<1000001xf32, #tpu.memory_space<vmem_shared>>
      tpu.enqueue_indirect_dma source(%dma_start3A_729 : memref<1000001xf32, #tpu.memory_space<vmem_shared>>) target(%dma_start3A_724 : memref<128xf32, #tpu.memory_space<vmem>>) offsets(%dma_start3A_727 : memref<128xi32, #tpu.memory_space<vmem>>) semaphore(%arg19 : memref<!tpu.dma_semaphore, #tpu.memory_space<semaphore_mem>>)
      %scan3A_730 = arith.constant 7 : i32
      %scan3A_731 = arith.addi %scan3A_661, %scan3A_730 : i32
      %dma_start3A_732 = arith.constant 0 : i32
      %dma_start3A_733 = tpu.memref_slice %arg10[%scan3A_731, %dma_start3A_732] : memref<100x128xf32, #tpu.memory_space<vmem>> -> memref<1x128xf32, #tpu.memory_space<vmem>>
      %dma_start3A_734 = tpu.memref_squeeze %dma_start3A_733 : memref<1x128xf32, #tpu.memory_space<vmem>> -> memref<128xf32, #tpu.memory_space<vmem>>
      %dma_start3A_735 = arith.constant 0 : i32
      %dma_start3A_736 = tpu.memref_slice %arg8[%scan3A_731, %dma_start3A_735] : memref<100x128xi32, #tpu.memory_space<vmem>> -> memref<1x128xi32, #tpu.memory_space<vmem>>
      %dma_start3A_737 = tpu.memref_squeeze %dma_start3A_736 : memref<1x128xi32, #tpu.memory_space<vmem>> -> memref<128xi32, #tpu.memory_space<vmem>>
      %dma_start3A_738 = arith.constant 0 : i32
      %dma_start3A_739 = tpu.memref_slice %arg13[%dma_start3A_738] : memref<1000001xf32, #tpu.memory_space<vmem_shared>> -> memref<1000001xf32, #tpu.memory_space<vmem_shared>>
      tpu.enqueue_indirect_dma source(%dma_start3A_739 : memref<1000001xf32, #tpu.memory_space<vmem_shared>>) target(%dma_start3A_734 : memref<128xf32, #tpu.memory_space<vmem>>) offsets(%dma_start3A_737 : memref<128xi32, #tpu.memory_space<vmem>>) semaphore(%arg19 : memref<!tpu.dma_semaphore, #tpu.memory_space<semaphore_mem>>)
    }
    %scan3A_316 = arith.constant 96 : i32
    %scan3A_317 = arith.addi %scan3A_312, %scan3A_316 : i32
    %dma_start3A_318 = arith.constant 0 : i32
    %dma_start3A_319 = tpu.memref_slice %arg10[%scan3A_317, %dma_start3A_318] : memref<100x128xf32, #tpu.memory_space<vmem>> -> memref<1x128xf32, #tpu.memory_space<vmem>>
    %dma_start3A_320 = tpu.memref_squeeze %dma_start3A_319 : memref<1x128xf32, #tpu.memory_space<vmem>> -> memref<128xf32, #tpu.memory_space<vmem>>
    %dma_start3A_321 = arith.constant 0 : i32
    %dma_start3A_322 = tpu.memref_slice %arg8[%scan3A_317, %dma_start3A_321] : memref<100x128xi32, #tpu.memory_space<vmem>> -> memref<1x128xi32, #tpu.memory_space<vmem>>
    %dma_start3A_323 = tpu.memref_squeeze %dma_start3A_322 : memref<1x128xi32, #tpu.memory_space<vmem>> -> memref<128xi32, #tpu.memory_space<vmem>>
    %dma_start3A_324 = arith.constant 0 : i32
    %dma_start3A_325 = tpu.memref_slice %arg13[%dma_start3A_324] : memref<1000001xf32, #tpu.memory_space<vmem_shared>> -> memref<1000001xf32, #tpu.memory_space<vmem_shared>>
    tpu.enqueue_indirect_dma source(%dma_start3A_325 : memref<1000001xf32, #tpu.memory_space<vmem_shared>>) target(%dma_start3A_320 : memref<128xf32, #tpu.memory_space<vmem>>) offsets(%dma_start3A_323 : memref<128xi32, #tpu.memory_space<vmem>>) semaphore(%arg19 : memref<!tpu.dma_semaphore, #tpu.memory_space<semaphore_mem>>)
    %scan3A_326 = arith.constant 97 : i32
    %scan3A_327 = arith.addi %scan3A_312, %scan3A_326 : i32
    %dma_start3A_328 = arith.constant 0 : i32
    %dma_start3A_329 = tpu.memref_slice %arg10[%scan3A_327, %dma_start3A_328] : memref<100x128xf32, #tpu.memory_space<vmem>> -> memref<1x128xf32, #tpu.memory_space<vmem>>
    %dma_start3A_330 = tpu.memref_squeeze %dma_start3A_329 : memref<1x128xf32, #tpu.memory_space<vmem>> -> memref<128xf32, #tpu.memory_space<vmem>>
    %dma_start3A_331 = arith.constant 0 : i32
    %dma_start3A_332 = tpu.memref_slice %arg8[%scan3A_327, %dma_start3A_331] : memref<100x128xi32, #tpu.memory_space<vmem>> -> memref<1x128xi32, #tpu.memory_space<vmem>>
    %dma_start3A_333 = tpu.memref_squeeze %dma_start3A_332 : memref<1x128xi32, #tpu.memory_space<vmem>> -> memref<128xi32, #tpu.memory_space<vmem>>
    %dma_start3A_334 = arith.constant 0 : i32
    %dma_start3A_335 = tpu.memref_slice %arg13[%dma_start3A_334] : memref<1000001xf32, #tpu.memory_space<vmem_shared>> -> memref<1000001xf32, #tpu.memory_space<vmem_shared>>
    tpu.enqueue_indirect_dma source(%dma_start3A_335 : memref<1000001xf32, #tpu.memory_space<vmem_shared>>) target(%dma_start3A_330 : memref<128xf32, #tpu.memory_space<vmem>>) offsets(%dma_start3A_333 : memref<128xi32, #tpu.memory_space<vmem>>) semaphore(%arg19 : memref<!tpu.dma_semaphore, #tpu.memory_space<semaphore_mem>>)
    %scan3A_336 = arith.constant 98 : i32
    %scan3A_337 = arith.addi %scan3A_312, %scan3A_336 : i32
    %dma_start3A_338 = arith.constant 0 : i32
    %dma_start3A_339 = tpu.memref_slice %arg10[%scan3A_337, %dma_start3A_338] : memref<100x128xf32, #tpu.memory_space<vmem>> -> memref<1x128xf32, #tpu.memory_space<vmem>>
    %dma_start3A_340 = tpu.memref_squeeze %dma_start3A_339 : memref<1x128xf32, #tpu.memory_space<vmem>> -> memref<128xf32, #tpu.memory_space<vmem>>
    %dma_start3A_341 = arith.constant 0 : i32
    %dma_start3A_342 = tpu.memref_slice %arg8[%scan3A_337, %dma_start3A_341] : memref<100x128xi32, #tpu.memory_space<vmem>> -> memref<1x128xi32, #tpu.memory_space<vmem>>
    %dma_start3A_343 = tpu.memref_squeeze %dma_start3A_342 : memref<1x128xi32, #tpu.memory_space<vmem>> -> memref<128xi32, #tpu.memory_space<vmem>>
    %dma_start3A_344 = arith.constant 0 : i32
    %dma_start3A_345 = tpu.memref_slice %arg13[%dma_start3A_344] : memref<1000001xf32, #tpu.memory_space<vmem_shared>> -> memref<1000001xf32, #tpu.memory_space<vmem_shared>>
    tpu.enqueue_indirect_dma source(%dma_start3A_345 : memref<1000001xf32, #tpu.memory_space<vmem_shared>>) target(%dma_start3A_340 : memref<128xf32, #tpu.memory_space<vmem>>) offsets(%dma_start3A_343 : memref<128xi32, #tpu.memory_space<vmem>>) semaphore(%arg19 : memref<!tpu.dma_semaphore, #tpu.memory_space<semaphore_mem>>)
    %scan3A_346 = arith.constant 99 : i32
    %scan3A_347 = arith.addi %scan3A_312, %scan3A_346 : i32
    %dma_start3A_348 = arith.constant 0 : i32
    %dma_start3A_349 = tpu.memref_slice %arg10[%scan3A_347, %dma_start3A_348] : memref<100x128xf32, #tpu.memory_space<vmem>> -> memref<1x128xf32, #tpu.memory_space<vmem>>
    %dma_start3A_350 = tpu.memref_squeeze %dma_start3A_349 : memref<1x128xf32, #tpu.memory_space<vmem>> -> memref<128xf32, #tpu.memory_space<vmem>>
    %dma_start3A_351 = arith.constant 0 : i32
    %dma_start3A_352 = tpu.memref_slice %arg8[%scan3A_347, %dma_start3A_351] : memref<100x128xi32, #tpu.memory_space<vmem>> -> memref<1x128xi32, #tpu.memory_space<vmem>>
    %dma_start3A_353 = tpu.memref_squeeze %dma_start3A_352 : memref<1x128xi32, #tpu.memory_space<vmem>> -> memref<128xi32, #tpu.memory_space<vmem>>
    %dma_start3A_354 = arith.constant 0 : i32
    %dma_start3A_355 = tpu.memref_slice %arg13[%dma_start3A_354] : memref<1000001xf32, #tpu.memory_space<vmem_shared>> -> memref<1000001xf32, #tpu.memory_space<vmem_shared>>
    tpu.enqueue_indirect_dma source(%dma_start3A_355 : memref<1000001xf32, #tpu.memory_space<vmem_shared>>) target(%dma_start3A_350 : memref<128xf32, #tpu.memory_space<vmem>>) offsets(%dma_start3A_353 : memref<128xi32, #tpu.memory_space<vmem>>) semaphore(%arg19 : memref<!tpu.dma_semaphore, #tpu.memory_space<semaphore_mem>>)
    %scan3A_356 = arith.constant 100 : i32
    %add3A_357 = arith.constant 128 : i32
    %add3A_358 = arith.addi %mul3A_2, %add3A_357 : i32
    %dma_wait3A_359 = arith.constant 0 : i32
    %dma_wait3A_360 = tpu.memref_slice %arg3[%dma_wait3A_359, %add3A_358] : memref<100x16384xf32, #tpu.memory_space<hbm>> -> memref<100x128xf32, #tpu.memory_space<hbm>>
    %dma_wait3A_361 = arith.constant 0 : i32
    %dma_wait3A_362 = tpu.memref_slice %arg3[%dma_wait3A_361, %add3A_358] : memref<100x16384xf32, #tpu.memory_space<hbm>> -> memref<100x128xf32, #tpu.memory_space<hbm>>
    tpu.wait_dma2 semaphore(%arg18 : memref<!tpu.dma_semaphore, #tpu.memory_space<semaphore_mem>>) src(%dma_wait3A_362 : memref<100x128xf32, #tpu.memory_space<hbm>>) dst(%arg9 : memref<100x128xf32, #tpu.memory_space<vmem>>)
    %broadcast_in_dim3A_363 = arith.constant 0.000000e+00 : f32
    "tpu.trace_stop"() : () -> ()
    "tpu.trace_start"() <{level = 10 : i32, message = "drain_compute"}> : () -> ()
    %broadcast_in_dim3A_364 = vector.broadcast %broadcast_in_dim3A_363 : f32 to vector<16xf32>
    %broadcast_in_dim3A_365 = arith.constant 0.000000e+00 : f32
    %broadcast_in_dim3A_366 = vector.broadcast %broadcast_in_dim3A_365 : f32 to vector<16xf32>
    %broadcast_in_dim3A_367 = arith.constant 0.000000e+00 : f32
    %broadcast_in_dim3A_368 = vector.broadcast %broadcast_in_dim3A_367 : f32 to vector<16xf32>
    %broadcast_in_dim3A_369 = arith.constant 0.000000e+00 : f32
    %broadcast_in_dim3A_370 = vector.broadcast %broadcast_in_dim3A_369 : f32 to vector<16xf32>
    %broadcast_in_dim3A_371 = arith.constant 0.000000e+00 : f32
    %broadcast_in_dim3A_372 = vector.broadcast %broadcast_in_dim3A_371 : f32 to vector<16xf32>
    %broadcast_in_dim3A_373 = arith.constant 0.000000e+00 : f32
    %broadcast_in_dim3A_374 = vector.broadcast %broadcast_in_dim3A_373 : f32 to vector<16xf32>
    %broadcast_in_dim3A_375 = arith.constant 0.000000e+00 : f32
    %broadcast_in_dim3A_376 = vector.broadcast %broadcast_in_dim3A_375 : f32 to vector<16xf32>
    %broadcast_in_dim3A_377 = arith.constant 0.000000e+00 : f32
    %broadcast_in_dim3A_378 = vector.broadcast %broadcast_in_dim3A_377 : f32 to vector<16xf32>
    %scan3A_379 = arith.constant 0 : i32
    %scan3A_380 = arith.constant 100 : i32
    %scan3A_381 = arith.addi %scan3A_379, %scan3A_380 : i32
    %scan3A_382 = arith.constant 2 : i32
    %scan3A_383:8 = scf.for %scan3A_661 = %scan3A_379 to %scan3A_381 step %scan3A_382 iter_args(%scan3A_662 = %broadcast_in_dim3A_364, %scan3A_663 = %broadcast_in_dim3A_366, %scan3A_664 = %broadcast_in_dim3A_368, %scan3A_665 = %broadcast_in_dim3A_370, %scan3A_666 = %broadcast_in_dim3A_372, %scan3A_667 = %broadcast_in_dim3A_374, %scan3A_668 = %broadcast_in_dim3A_376, %scan3A_669 = %broadcast_in_dim3A_378) -> (vector<16xf32>, vector<16xf32>, vector<16xf32>, vector<16xf32>, vector<16xf32>, vector<16xf32>, vector<16xf32>, vector<16xf32>)  : i32 {
      %dma_wait3A_670 = arith.constant 0 : i32
      %dma_wait3A_671 = tpu.memref_slice %arg10[%scan3A_661, %dma_wait3A_670] : memref<100x128xf32, #tpu.memory_space<vmem>> -> memref<1x128xf32, #tpu.memory_space<vmem>>
      %dma_wait3A_672 = tpu.memref_squeeze %dma_wait3A_671 : memref<1x128xf32, #tpu.memory_space<vmem>> -> memref<128xf32, #tpu.memory_space<vmem>>
      %dma_wait3A_673 = arith.constant 0 : i32
      %dma_wait3A_674 = tpu.memref_slice %arg8[%scan3A_661, %dma_wait3A_673] : memref<100x128xi32, #tpu.memory_space<vmem>> -> memref<1x128xi32, #tpu.memory_space<vmem>>
      %dma_wait3A_675 = tpu.memref_squeeze %dma_wait3A_674 : memref<1x128xi32, #tpu.memory_space<vmem>> -> memref<128xi32, #tpu.memory_space<vmem>>
      %dma_wait3A_676 = arith.constant 0 : i32
      %dma_wait3A_677 = tpu.memref_slice %arg13[%dma_wait3A_676] : memref<1000001xf32, #tpu.memory_space<vmem_shared>> -> memref<1000001xf32, #tpu.memory_space<vmem_shared>>
      tpu.wait_indirect_dma semaphore(%arg19 : memref<!tpu.dma_semaphore, #tpu.memory_space<semaphore_mem>>) src(%dma_wait3A_677 : memref<1000001xf32, #tpu.memory_space<vmem_shared>>) dst(%dma_wait3A_672 : memref<128xf32, #tpu.memory_space<vmem>>)
      %get3A_678 = arith.index_cast %scan3A_661 : i32 to index
      %get3A_679 = arith.constant 0 : index
      %get3A_680 = tpu.vector_load %arg10[%get3A_678, %get3A_679] {strides = array<i32>} : memref<100x128xf32, #tpu.memory_space<vmem>>, vector<16xf32>,
      %get3A_681 = arith.index_cast %scan3A_661 : i32 to index
      %get3A_682 = arith.constant 0 : index
      %get3A_683 = tpu.vector_load %arg9[%get3A_681, %get3A_682] {strides = array<i32>} : memref<100x128xf32, #tpu.memory_space<vmem>>, vector<16xf32>,
      %mul3A_684 = arith.mulf %get3A_680, %get3A_683 : vector<16xf32>
      %add3A_685 = arith.addf %scan3A_662, %mul3A_684 : vector<16xf32>
      %get3A_686 = arith.index_cast %scan3A_661 : i32 to index
      %get3A_687 = arith.constant 16 : index
      %get3A_688 = tpu.vector_load %arg10[%get3A_686, %get3A_687] {strides = array<i32>} : memref<100x128xf32, #tpu.memory_space<vmem>>, vector<16xf32>,
      %get3A_689 = arith.index_cast %scan3A_661 : i32 to index
      %get3A_690 = arith.constant 16 : index
      %get3A_691 = tpu.vector_load %arg9[%get3A_689, %get3A_690] {strides = array<i32>} : memref<100x128xf32, #tpu.memory_space<vmem>>, vector<16xf32>,
      %mul3A_692 = arith.mulf %get3A_688, %get3A_691 : vector<16xf32>
      %add3A_693 = arith.addf %scan3A_663, %mul3A_692 : vector<16xf32>
      %get3A_694 = arith.index_cast %scan3A_661 : i32 to index
      %get3A_695 = arith.constant 32 : index
      %get3A_696 = tpu.vector_load %arg10[%get3A_694, %get3A_695] {strides = array<i32>} : memref<100x128xf32, #tpu.memory_space<vmem>>, vector<16xf32>,
      %get3A_697 = arith.index_cast %scan3A_661 : i32 to index
      %get3A_698 = arith.constant 32 : index
      %get3A_699 = tpu.vector_load %arg9[%get3A_697, %get3A_698] {strides = array<i32>} : memref<100x128xf32, #tpu.memory_space<vmem>>, vector<16xf32>,
      %mul3A_700 = arith.mulf %get3A_696, %get3A_699 : vector<16xf32>
      %add3A_701 = arith.addf %scan3A_664, %mul3A_700 : vector<16xf32>
      %get3A_702 = arith.index_cast %scan3A_661 : i32 to index
      %get3A_703 = arith.constant 48 : index
      %get3A_704 = tpu.vector_load %arg10[%get3A_702, %get3A_703] {strides = array<i32>} : memref<100x128xf32, #tpu.memory_space<vmem>>, vector<16xf32>,
      %get3A_705 = arith.index_cast %scan3A_661 : i32 to index
      %get3A_706 = arith.constant 48 : index
      %get3A_707 = tpu.vector_load %arg9[%get3A_705, %get3A_706] {strides = array<i32>} : memref<100x128xf32, #tpu.memory_space<vmem>>, vector<16xf32>,
      %mul3A_708 = arith.mulf %get3A_704, %get3A_707 : vector<16xf32>
      %add3A_709 = arith.addf %scan3A_665, %mul3A_708 : vector<16xf32>
      %get3A_710 = arith.index_cast %scan3A_661 : i32 to index
      %get3A_711 = arith.constant 64 : index
      %get3A_712 = tpu.vector_load %arg10[%get3A_710, %get3A_711] {strides = array<i32>} : memref<100x128xf32, #tpu.memory_space<vmem>>, vector<16xf32>,
      %get3A_713 = arith.index_cast %scan3A_661 : i32 to index
      %get3A_714 = arith.constant 64 : index
      %get3A_715 = tpu.vector_load %arg9[%get3A_713, %get3A_714] {strides = array<i32>} : memref<100x128xf32, #tpu.memory_space<vmem>>, vector<16xf32>,
      %mul3A_716 = arith.mulf %get3A_712, %get3A_715 : vector<16xf32>
      %add3A_717 = arith.addf %scan3A_666, %mul3A_716 : vector<16xf32>
      %get3A_718 = arith.index_cast %scan3A_661 : i32 to index
      %get3A_719 = arith.constant 80 : index
      %get3A_720 = tpu.vector_load %arg10[%get3A_718, %get3A_719] {strides = array<i32>} : memref<100x128xf32, #tpu.memory_space<vmem>>, vector<16xf32>,
      %get3A_721 = arith.index_cast %scan3A_661 : i32 to index
      %get3A_722 = arith.constant 80 : index
      %get3A_723 = tpu.vector_load %arg9[%get3A_721, %get3A_722] {strides = array<i32>} : memref<100x128xf32, #tpu.memory_space<vmem>>, vector<16xf32>,
      %mul3A_724 = arith.mulf %get3A_720, %get3A_723 : vector<16xf32>
      %add3A_725 = arith.addf %scan3A_667, %mul3A_724 : vector<16xf32>
      %get3A_726 = arith.index_cast %scan3A_661 : i32 to index
      %get3A_727 = arith.constant 96 : index
      %get3A_728 = tpu.vector_load %arg10[%get3A_726, %get3A_727] {strides = array<i32>} : memref<100x128xf32, #tpu.memory_space<vmem>>, vector<16xf32>,
      %get3A_729 = arith.index_cast %scan3A_661 : i32 to index
      %get3A_730 = arith.constant 96 : index
      %get3A_731 = tpu.vector_load %arg9[%get3A_729, %get3A_730] {strides = array<i32>} : memref<100x128xf32, #tpu.memory_space<vmem>>, vector<16xf32>,
      %mul3A_732 = arith.mulf %get3A_728, %get3A_731 : vector<16xf32>
      %add3A_733 = arith.addf %scan3A_668, %mul3A_732 : vector<16xf32>
      %get3A_734 = arith.index_cast %scan3A_661 : i32 to index
      %get3A_735 = arith.constant 112 : index
      %get3A_736 = tpu.vector_load %arg10[%get3A_734, %get3A_735] {strides = array<i32>} : memref<100x128xf32, #tpu.memory_space<vmem>>, vector<16xf32>,
      %get3A_737 = arith.index_cast %scan3A_661 : i32 to index
      %get3A_738 = arith.constant 112 : index
      %get3A_739 = tpu.vector_load %arg9[%get3A_737, %get3A_738] {strides = array<i32>} : memref<100x128xf32, #tpu.memory_space<vmem>>, vector<16xf32>,
      %mul3A_740 = arith.mulf %get3A_736, %get3A_739 : vector<16xf32>
      %add3A_741 = arith.addf %scan3A_669, %mul3A_740 : vector<16xf32>
      %scan3A_742 = arith.constant 1 : i32
      %scan3A_743 = arith.addi %scan3A_661, %scan3A_742 : i32
      %dma_wait3A_744 = arith.constant 0 : i32
      %dma_wait3A_745 = tpu.memref_slice %arg10[%scan3A_743, %dma_wait3A_744] : memref<100x128xf32, #tpu.memory_space<vmem>> -> memref<1x128xf32, #tpu.memory_space<vmem>>
      %dma_wait3A_746 = tpu.memref_squeeze %dma_wait3A_745 : memref<1x128xf32, #tpu.memory_space<vmem>> -> memref<128xf32, #tpu.memory_space<vmem>>
      %dma_wait3A_747 = arith.constant 0 : i32
      %dma_wait3A_748 = tpu.memref_slice %arg8[%scan3A_743, %dma_wait3A_747] : memref<100x128xi32, #tpu.memory_space<vmem>> -> memref<1x128xi32, #tpu.memory_space<vmem>>
      %dma_wait3A_749 = tpu.memref_squeeze %dma_wait3A_748 : memref<1x128xi32, #tpu.memory_space<vmem>> -> memref<128xi32, #tpu.memory_space<vmem>>
      %dma_wait3A_750 = arith.constant 0 : i32
      %dma_wait3A_751 = tpu.memref_slice %arg13[%dma_wait3A_750] : memref<1000001xf32, #tpu.memory_space<vmem_shared>> -> memref<1000001xf32, #tpu.memory_space<vmem_shared>>
      tpu.wait_indirect_dma semaphore(%arg19 : memref<!tpu.dma_semaphore, #tpu.memory_space<semaphore_mem>>) src(%dma_wait3A_751 : memref<1000001xf32, #tpu.memory_space<vmem_shared>>) dst(%dma_wait3A_746 : memref<128xf32, #tpu.memory_space<vmem>>)
      %get3A_752 = arith.index_cast %scan3A_743 : i32 to index
      %get3A_753 = arith.constant 0 : index
      %get3A_754 = tpu.vector_load %arg10[%get3A_752, %get3A_753] {strides = array<i32>} : memref<100x128xf32, #tpu.memory_space<vmem>>, vector<16xf32>,
      %get3A_755 = arith.index_cast %scan3A_743 : i32 to index
      %get3A_756 = arith.constant 0 : index
      %get3A_757 = tpu.vector_load %arg9[%get3A_755, %get3A_756] {strides = array<i32>} : memref<100x128xf32, #tpu.memory_space<vmem>>, vector<16xf32>,
      %mul3A_758 = arith.mulf %get3A_754, %get3A_757 : vector<16xf32>
      %add3A_759 = arith.addf %add3A_685, %mul3A_758 : vector<16xf32>
      %get3A_760 = arith.index_cast %scan3A_743 : i32 to index
      %get3A_761 = arith.constant 16 : index
      %get3A_762 = tpu.vector_load %arg10[%get3A_760, %get3A_761] {strides = array<i32>} : memref<100x128xf32, #tpu.memory_space<vmem>>, vector<16xf32>,
      %get3A_763 = arith.index_cast %scan3A_743 : i32 to index
      %get3A_764 = arith.constant 16 : index
      %get3A_765 = tpu.vector_load %arg9[%get3A_763, %get3A_764] {strides = array<i32>} : memref<100x128xf32, #tpu.memory_space<vmem>>, vector<16xf32>,
      %mul3A_766 = arith.mulf %get3A_762, %get3A_765 : vector<16xf32>
      %add3A_767 = arith.addf %add3A_693, %mul3A_766 : vector<16xf32>
      %get3A_768 = arith.index_cast %scan3A_743 : i32 to index
      %get3A_769 = arith.constant 32 : index
      %get3A_770 = tpu.vector_load %arg10[%get3A_768, %get3A_769] {strides = array<i32>} : memref<100x128xf32, #tpu.memory_space<vmem>>, vector<16xf32>,
      %get3A_771 = arith.index_cast %scan3A_743 : i32 to index
      %get3A_772 = arith.constant 32 : index
      %get3A_773 = tpu.vector_load %arg9[%get3A_771, %get3A_772] {strides = array<i32>} : memref<100x128xf32, #tpu.memory_space<vmem>>, vector<16xf32>,
      %mul3A_774 = arith.mulf %get3A_770, %get3A_773 : vector<16xf32>
      %add3A_775 = arith.addf %add3A_701, %mul3A_774 : vector<16xf32>
      %get3A_776 = arith.index_cast %scan3A_743 : i32 to index
      %get3A_777 = arith.constant 48 : index
      %get3A_778 = tpu.vector_load %arg10[%get3A_776, %get3A_777] {strides = array<i32>} : memref<100x128xf32, #tpu.memory_space<vmem>>, vector<16xf32>,
      %get3A_779 = arith.index_cast %scan3A_743 : i32 to index
      %get3A_780 = arith.constant 48 : index
      %get3A_781 = tpu.vector_load %arg9[%get3A_779, %get3A_780] {strides = array<i32>} : memref<100x128xf32, #tpu.memory_space<vmem>>, vector<16xf32>,
      %mul3A_782 = arith.mulf %get3A_778, %get3A_781 : vector<16xf32>
      %add3A_783 = arith.addf %add3A_709, %mul3A_782 : vector<16xf32>
      %get3A_784 = arith.index_cast %scan3A_743 : i32 to index
      %get3A_785 = arith.constant 64 : index
      %get3A_786 = tpu.vector_load %arg10[%get3A_784, %get3A_785] {strides = array<i32>} : memref<100x128xf32, #tpu.memory_space<vmem>>, vector<16xf32>,
      %get3A_787 = arith.index_cast %scan3A_743 : i32 to index
      %get3A_788 = arith.constant 64 : index
      %get3A_789 = tpu.vector_load %arg9[%get3A_787, %get3A_788] {strides = array<i32>} : memref<100x128xf32, #tpu.memory_space<vmem>>, vector<16xf32>,
      %mul3A_790 = arith.mulf %get3A_786, %get3A_789 : vector<16xf32>
      %add3A_791 = arith.addf %add3A_717, %mul3A_790 : vector<16xf32>
      %get3A_792 = arith.index_cast %scan3A_743 : i32 to index
      %get3A_793 = arith.constant 80 : index
      %get3A_794 = tpu.vector_load %arg10[%get3A_792, %get3A_793] {strides = array<i32>} : memref<100x128xf32, #tpu.memory_space<vmem>>, vector<16xf32>,
      %get3A_795 = arith.index_cast %scan3A_743 : i32 to index
      %get3A_796 = arith.constant 80 : index
      %get3A_797 = tpu.vector_load %arg9[%get3A_795, %get3A_796] {strides = array<i32>} : memref<100x128xf32, #tpu.memory_space<vmem>>, vector<16xf32>,
      %mul3A_798 = arith.mulf %get3A_794, %get3A_797 : vector<16xf32>
      %add3A_799 = arith.addf %add3A_725, %mul3A_798 : vector<16xf32>
      %get3A_800 = arith.index_cast %scan3A_743 : i32 to index
      %get3A_801 = arith.constant 96 : index
      %get3A_802 = tpu.vector_load %arg10[%get3A_800, %get3A_801] {strides = array<i32>} : memref<100x128xf32, #tpu.memory_space<vmem>>, vector<16xf32>,
      %get3A_803 = arith.index_cast %scan3A_743 : i32 to index
      %get3A_804 = arith.constant 96 : index
      %get3A_805 = tpu.vector_load %arg9[%get3A_803, %get3A_804] {strides = array<i32>} : memref<100x128xf32, #tpu.memory_space<vmem>>, vector<16xf32>,
      %mul3A_806 = arith.mulf %get3A_802, %get3A_805 : vector<16xf32>
      %add3A_807 = arith.addf %add3A_733, %mul3A_806 : vector<16xf32>
      %get3A_808 = arith.index_cast %scan3A_743 : i32 to index
      %get3A_809 = arith.constant 112 : index
      %get3A_810 = tpu.vector_load %arg10[%get3A_808, %get3A_809] {strides = array<i32>} : memref<100x128xf32, #tpu.memory_space<vmem>>, vector<16xf32>,
      %get3A_811 = arith.index_cast %scan3A_743 : i32 to index
      %get3A_812 = arith.constant 112 : index
      %get3A_813 = tpu.vector_load %arg9[%get3A_811, %get3A_812] {strides = array<i32>} : memref<100x128xf32, #tpu.memory_space<vmem>>, vector<16xf32>,
      %mul3A_814 = arith.mulf %get3A_810, %get3A_813 : vector<16xf32>
      %add3A_815 = arith.addf %add3A_741, %mul3A_814 : vector<16xf32>
      scf.yield %add3A_759, %add3A_767, %add3A_775, %add3A_783, %add3A_791, %add3A_799, %add3A_807, %add3A_815 : vector<16xf32>, vector<16xf32>, vector<16xf32>, vector<16xf32>, vector<16xf32>, vector<16xf32>, vector<16xf32>, vector<16xf32>
    }
    %scan3A_384 = arith.constant 100 : i32
    %add3A_385 = vector.broadcast %squeeze3A : f32 to vector<16xf32>
    %add3A_386 = arith.addf %scan3A_383#0, %add3A_385 : vector<16xf32>
    %swap3A_387 = arith.constant 0 : index
    %swap3A_388 = tpu.vector_load %arg11[%swap3A_387] {strides = array<i32>} : memref<128xf32, #tpu.memory_space<vmem>>, vector<16xf32>,
    tpu.vector_store %arg11[%swap3A_387], %add3A_386 {strides = array<i32>} : memref<128xf32, #tpu.memory_space<vmem>>, vector<16xf32>,
    %add3A_389 = vector.broadcast %squeeze3A : f32 to vector<16xf32>
    %add3A_390 = arith.addf %scan3A_383#1, %add3A_389 : vector<16xf32>
    %swap3A_391 = arith.constant 16 : index
    %swap3A_392 = tpu.vector_load %arg11[%swap3A_391] {strides = array<i32>} : memref<128xf32, #tpu.memory_space<vmem>>, vector<16xf32>,
    tpu.vector_store %arg11[%swap3A_391], %add3A_390 {strides = array<i32>} : memref<128xf32, #tpu.memory_space<vmem>>, vector<16xf32>,
    %add3A_393 = vector.broadcast %squeeze3A : f32 to vector<16xf32>
    %add3A_394 = arith.addf %scan3A_383#2, %add3A_393 : vector<16xf32>
    %swap3A_395 = arith.constant 32 : index
    %swap3A_396 = tpu.vector_load %arg11[%swap3A_395] {strides = array<i32>} : memref<128xf32, #tpu.memory_space<vmem>>, vector<16xf32>,
    tpu.vector_store %arg11[%swap3A_395], %add3A_394 {strides = array<i32>} : memref<128xf32, #tpu.memory_space<vmem>>, vector<16xf32>,
    %add3A_397 = vector.broadcast %squeeze3A : f32 to vector<16xf32>
    %add3A_398 = arith.addf %scan3A_383#3, %add3A_397 : vector<16xf32>
    %swap3A_399 = arith.constant 48 : index
    %swap3A_400 = tpu.vector_load %arg11[%swap3A_399] {strides = array<i32>} : memref<128xf32, #tpu.memory_space<vmem>>, vector<16xf32>,
    tpu.vector_store %arg11[%swap3A_399], %add3A_398 {strides = array<i32>} : memref<128xf32, #tpu.memory_space<vmem>>, vector<16xf32>,
    %add3A_401 = vector.broadcast %squeeze3A : f32 to vector<16xf32>
    %add3A_402 = arith.addf %scan3A_383#4, %add3A_401 : vector<16xf32>
    %swap3A_403 = arith.constant 64 : index
    %swap3A_404 = tpu.vector_load %arg11[%swap3A_403] {strides = array<i32>} : memref<128xf32, #tpu.memory_space<vmem>>, vector<16xf32>,
    tpu.vector_store %arg11[%swap3A_403], %add3A_402 {strides = array<i32>} : memref<128xf32, #tpu.memory_space<vmem>>, vector<16xf32>,
    %add3A_405 = vector.broadcast %squeeze3A : f32 to vector<16xf32>
    %add3A_406 = arith.addf %scan3A_383#5, %add3A_405 : vector<16xf32>
    %swap3A_407 = arith.constant 80 : index
    %swap3A_408 = tpu.vector_load %arg11[%swap3A_407] {strides = array<i32>} : memref<128xf32, #tpu.memory_space<vmem>>, vector<16xf32>,
    tpu.vector_store %arg11[%swap3A_407], %add3A_406 {strides = array<i32>} : memref<128xf32, #tpu.memory_space<vmem>>, vector<16xf32>,
    %add3A_409 = vector.broadcast %squeeze3A : f32 to vector<16xf32>
    %add3A_410 = arith.addf %scan3A_383#6, %add3A_409 : vector<16xf32>
    %swap3A_411 = arith.constant 96 : index
    %swap3A_412 = tpu.vector_load %arg11[%swap3A_411] {strides = array<i32>} : memref<128xf32, #tpu.memory_space<vmem>>, vector<16xf32>,
    tpu.vector_store %arg11[%swap3A_411], %add3A_410 {strides = array<i32>} : memref<128xf32, #tpu.memory_space<vmem>>, vector<16xf32>,
    %add3A_413 = vector.broadcast %squeeze3A : f32 to vector<16xf32>
    %add3A_414 = arith.addf %scan3A_383#7, %add3A_413 : vector<16xf32>
    %swap3A_415 = arith.constant 112 : index
    %swap3A_416 = tpu.vector_load %arg11[%swap3A_415] {strides = array<i32>} : memref<128xf32, #tpu.memory_space<vmem>>, vector<16xf32>,
    tpu.vector_store %arg11[%swap3A_415], %add3A_414 {strides = array<i32>} : memref<128xf32, #tpu.memory_space<vmem>>, vector<16xf32>,
    "tpu.region"() ({
      %run_scoped3A = tpu.sem_alloc : memref<!tpu.dma_semaphore, #tpu.memory_space<semaphore_mem>>
      %dma_start3A_661 = tpu.memref_slice %arg6[%add3A_299] : memref<16384xf32, #tpu.memory_space<hbm>> -> memref<128xf32, #tpu.memory_space<hbm>>
      %dma_start3A_662 = tpu.memref_slice %arg6[%add3A_299] : memref<16384xf32, #tpu.memory_space<hbm>> -> memref<128xf32, #tpu.memory_space<hbm>>
      tpu.enqueue_dma source(%arg11 : memref<128xf32, #tpu.memory_space<vmem>>) target(%dma_start3A_662 : memref<128xf32, #tpu.memory_space<hbm>>) target_semaphore(%run_scoped3A : memref<!tpu.dma_semaphore, #tpu.memory_space<semaphore_mem>>)
      %dma_wait3A_663 = tpu.memref_slice %arg6[%add3A_299] : memref<16384xf32, #tpu.memory_space<hbm>> -> memref<128xf32, #tpu.memory_space<hbm>>
      %dma_wait3A_664 = tpu.memref_slice %arg6[%add3A_299] : memref<16384xf32, #tpu.memory_space<hbm>> -> memref<128xf32, #tpu.memory_space<hbm>>
      tpu.wait_dma2 semaphore(%run_scoped3A : memref<!tpu.dma_semaphore, #tpu.memory_space<semaphore_mem>>) src(%arg11 : memref<128xf32, #tpu.memory_space<vmem>>) dst(%dma_wait3A_664 : memref<128xf32, #tpu.memory_space<hbm>>)
      tpu.yield
    }) : () -> ()
    %add3A_417 = arith.constant 256 : i32
    %add3A_418 = arith.addi %mul3A_2, %add3A_417 : i32
    %dma_start3A_419 = arith.constant 0 : i32
    %dma_start3A_420 = tpu.memref_slice %arg3[%dma_start3A_419, %add3A_418] : memref<100x16384xf32, #tpu.memory_space<hbm>> -> memref<100x128xf32, #tpu.memory_space<hbm>>
    %dma_start3A_421 = arith.constant 0 : i32
    %dma_start3A_422 = tpu.memref_slice %arg3[%dma_start3A_421, %add3A_418] : memref<100x16384xf32, #tpu.memory_space<hbm>> -> memref<100x128xf32, #tpu.memory_space<hbm>>
    tpu.enqueue_dma source(%dma_start3A_422 : memref<100x128xf32, #tpu.memory_space<hbm>>) target(%arg9 : memref<100x128xf32, #tpu.memory_space<vmem>>) target_semaphore(%arg18 : memref<!tpu.dma_semaphore, #tpu.memory_space<semaphore_mem>>)
    "tpu.trace_stop"() : () -> ()
    %add3A_423 = arith.constant 256 : i32
    %add3A_424 = arith.addi %mul3A_2, %add3A_423 : i32
    "tpu.trace_start"() <{level = 10 : i32, message = "wait_in"}> : () -> ()
    %add3A_425 = arith.constant 256 : i32
    %add3A_426 = arith.addi %mul3A_2, %add3A_425 : i32
    %dma_wait3A_427 = arith.constant 0 : i32
    %dma_wait3A_428 = tpu.memref_slice %arg2[%dma_wait3A_427, %add3A_426] : memref<100x16384xi32, #tpu.memory_space<hbm>> -> memref<100x128xi32, #tpu.memory_space<hbm>>
    %dma_wait3A_429 = arith.constant 0 : i32
    %dma_wait3A_430 = tpu.memref_slice %arg2[%dma_wait3A_429, %add3A_426] : memref<100x16384xi32, #tpu.memory_space<hbm>> -> memref<100x128xi32, #tpu.memory_space<hbm>>
    tpu.wait_dma2 semaphore(%arg17 : memref<!tpu.dma_semaphore, #tpu.memory_space<semaphore_mem>>) src(%dma_wait3A_430 : memref<100x128xi32, #tpu.memory_space<hbm>>) dst(%arg7 : memref<100x128xi32, #tpu.memory_space<vmem>>)
    %add3A_431 = arith.constant 384 : i32
    %add3A_432 = arith.addi %mul3A_2, %add3A_431 : i32
    %dma_start3A_433 = arith.constant 0 : i32
    %dma_start3A_434 = tpu.memref_slice %arg2[%dma_start3A_433, %add3A_432] : memref<100x16384xi32, #tpu.memory_space<hbm>> -> memref<100x128xi32, #tpu.memory_space<hbm>>
    %dma_start3A_435 = arith.constant 0 : i32
    %dma_start3A_436 = tpu.memref_slice %arg2[%dma_start3A_435, %add3A_432] : memref<100x16384xi32, #tpu.memory_space<hbm>> -> memref<100x128xi32, #tpu.memory_space<hbm>>
    tpu.enqueue_dma source(%dma_start3A_436 : memref<100x128xi32, #tpu.memory_space<hbm>>) target(%arg8 : memref<100x128xi32, #tpu.memory_space<vmem>>) target_semaphore(%arg17 : memref<!tpu.dma_semaphore, #tpu.memory_space<semaphore_mem>>)
    "tpu.trace_stop"() : () -> ()
    "tpu.trace_start"() <{level = 10 : i32, message = "fire"}> : () -> ()
    %scan3A_437 = arith.constant 0 : i32
    %scan3A_438 = arith.constant 96 : i32
    %scan3A_439 = arith.addi %scan3A_437, %scan3A_438 : i32
    %scan3A_440 = arith.constant 8 : i32
    scf.for %scan3A_661 = %scan3A_437 to %scan3A_439 step %scan3A_440  : i32 {
      %dma_start3A_662 = arith.constant 0 : i32
      %dma_start3A_663 = tpu.memref_slice %arg10[%scan3A_661, %dma_start3A_662] : memref<100x128xf32, #tpu.memory_space<vmem>> -> memref<1x128xf32, #tpu.memory_space<vmem>>
      %dma_start3A_664 = tpu.memref_squeeze %dma_start3A_663 : memref<1x128xf32, #tpu.memory_space<vmem>> -> memref<128xf32, #tpu.memory_space<vmem>>
      %dma_start3A_665 = arith.constant 0 : i32
      %dma_start3A_666 = tpu.memref_slice %arg7[%scan3A_661, %dma_start3A_665] : memref<100x128xi32, #tpu.memory_space<vmem>> -> memref<1x128xi32, #tpu.memory_space<vmem>>
      %dma_start3A_667 = tpu.memref_squeeze %dma_start3A_666 : memref<1x128xi32, #tpu.memory_space<vmem>> -> memref<128xi32, #tpu.memory_space<vmem>>
      %dma_start3A_668 = arith.constant 0 : i32
      %dma_start3A_669 = tpu.memref_slice %arg13[%dma_start3A_668] : memref<1000001xf32, #tpu.memory_space<vmem_shared>> -> memref<1000001xf32, #tpu.memory_space<vmem_shared>>
      tpu.enqueue_indirect_dma source(%dma_start3A_669 : memref<1000001xf32, #tpu.memory_space<vmem_shared>>) target(%dma_start3A_664 : memref<128xf32, #tpu.memory_space<vmem>>) offsets(%dma_start3A_667 : memref<128xi32, #tpu.memory_space<vmem>>) semaphore(%arg19 : memref<!tpu.dma_semaphore, #tpu.memory_space<semaphore_mem>>)
      %scan3A_670 = arith.constant 1 : i32
      %scan3A_671 = arith.addi %scan3A_661, %scan3A_670 : i32
      %dma_start3A_672 = arith.constant 0 : i32
      %dma_start3A_673 = tpu.memref_slice %arg10[%scan3A_671, %dma_start3A_672] : memref<100x128xf32, #tpu.memory_space<vmem>> -> memref<1x128xf32, #tpu.memory_space<vmem>>
      %dma_start3A_674 = tpu.memref_squeeze %dma_start3A_673 : memref<1x128xf32, #tpu.memory_space<vmem>> -> memref<128xf32, #tpu.memory_space<vmem>>
      %dma_start3A_675 = arith.constant 0 : i32
      %dma_start3A_676 = tpu.memref_slice %arg7[%scan3A_671, %dma_start3A_675] : memref<100x128xi32, #tpu.memory_space<vmem>> -> memref<1x128xi32, #tpu.memory_space<vmem>>
      %dma_start3A_677 = tpu.memref_squeeze %dma_start3A_676 : memref<1x128xi32, #tpu.memory_space<vmem>> -> memref<128xi32, #tpu.memory_space<vmem>>
      %dma_start3A_678 = arith.constant 0 : i32
      %dma_start3A_679 = tpu.memref_slice %arg13[%dma_start3A_678] : memref<1000001xf32, #tpu.memory_space<vmem_shared>> -> memref<1000001xf32, #tpu.memory_space<vmem_shared>>
      tpu.enqueue_indirect_dma source(%dma_start3A_679 : memref<1000001xf32, #tpu.memory_space<vmem_shared>>) target(%dma_start3A_674 : memref<128xf32, #tpu.memory_space<vmem>>) offsets(%dma_start3A_677 : memref<128xi32, #tpu.memory_space<vmem>>) semaphore(%arg19 : memref<!tpu.dma_semaphore, #tpu.memory_space<semaphore_mem>>)
      %scan3A_680 = arith.constant 2 : i32
      %scan3A_681 = arith.addi %scan3A_661, %scan3A_680 : i32
      %dma_start3A_682 = arith.constant 0 : i32
      %dma_start3A_683 = tpu.memref_slice %arg10[%scan3A_681, %dma_start3A_682] : memref<100x128xf32, #tpu.memory_space<vmem>> -> memref<1x128xf32, #tpu.memory_space<vmem>>
      %dma_start3A_684 = tpu.memref_squeeze %dma_start3A_683 : memref<1x128xf32, #tpu.memory_space<vmem>> -> memref<128xf32, #tpu.memory_space<vmem>>
      %dma_start3A_685 = arith.constant 0 : i32
      %dma_start3A_686 = tpu.memref_slice %arg7[%scan3A_681, %dma_start3A_685] : memref<100x128xi32, #tpu.memory_space<vmem>> -> memref<1x128xi32, #tpu.memory_space<vmem>>
      %dma_start3A_687 = tpu.memref_squeeze %dma_start3A_686 : memref<1x128xi32, #tpu.memory_space<vmem>> -> memref<128xi32, #tpu.memory_space<vmem>>
      %dma_start3A_688 = arith.constant 0 : i32
      %dma_start3A_689 = tpu.memref_slice %arg13[%dma_start3A_688] : memref<1000001xf32, #tpu.memory_space<vmem_shared>> -> memref<1000001xf32, #tpu.memory_space<vmem_shared>>
      tpu.enqueue_indirect_dma source(%dma_start3A_689 : memref<1000001xf32, #tpu.memory_space<vmem_shared>>) target(%dma_start3A_684 : memref<128xf32, #tpu.memory_space<vmem>>) offsets(%dma_start3A_687 : memref<128xi32, #tpu.memory_space<vmem>>) semaphore(%arg19 : memref<!tpu.dma_semaphore, #tpu.memory_space<semaphore_mem>>)
      %scan3A_690 = arith.constant 3 : i32
      %scan3A_691 = arith.addi %scan3A_661, %scan3A_690 : i32
      %dma_start3A_692 = arith.constant 0 : i32
      %dma_start3A_693 = tpu.memref_slice %arg10[%scan3A_691, %dma_start3A_692] : memref<100x128xf32, #tpu.memory_space<vmem>> -> memref<1x128xf32, #tpu.memory_space<vmem>>
      %dma_start3A_694 = tpu.memref_squeeze %dma_start3A_693 : memref<1x128xf32, #tpu.memory_space<vmem>> -> memref<128xf32, #tpu.memory_space<vmem>>
      %dma_start3A_695 = arith.constant 0 : i32
      %dma_start3A_696 = tpu.memref_slice %arg7[%scan3A_691, %dma_start3A_695] : memref<100x128xi32, #tpu.memory_space<vmem>> -> memref<1x128xi32, #tpu.memory_space<vmem>>
      %dma_start3A_697 = tpu.memref_squeeze %dma_start3A_696 : memref<1x128xi32, #tpu.memory_space<vmem>> -> memref<128xi32, #tpu.memory_space<vmem>>
      %dma_start3A_698 = arith.constant 0 : i32
      %dma_start3A_699 = tpu.memref_slice %arg13[%dma_start3A_698] : memref<1000001xf32, #tpu.memory_space<vmem_shared>> -> memref<1000001xf32, #tpu.memory_space<vmem_shared>>
      tpu.enqueue_indirect_dma source(%dma_start3A_699 : memref<1000001xf32, #tpu.memory_space<vmem_shared>>) target(%dma_start3A_694 : memref<128xf32, #tpu.memory_space<vmem>>) offsets(%dma_start3A_697 : memref<128xi32, #tpu.memory_space<vmem>>) semaphore(%arg19 : memref<!tpu.dma_semaphore, #tpu.memory_space<semaphore_mem>>)
      %scan3A_700 = arith.constant 4 : i32
      %scan3A_701 = arith.addi %scan3A_661, %scan3A_700 : i32
      %dma_start3A_702 = arith.constant 0 : i32
      %dma_start3A_703 = tpu.memref_slice %arg10[%scan3A_701, %dma_start3A_702] : memref<100x128xf32, #tpu.memory_space<vmem>> -> memref<1x128xf32, #tpu.memory_space<vmem>>
      %dma_start3A_704 = tpu.memref_squeeze %dma_start3A_703 : memref<1x128xf32, #tpu.memory_space<vmem>> -> memref<128xf32, #tpu.memory_space<vmem>>
      %dma_start3A_705 = arith.constant 0 : i32
      %dma_start3A_706 = tpu.memref_slice %arg7[%scan3A_701, %dma_start3A_705] : memref<100x128xi32, #tpu.memory_space<vmem>> -> memref<1x128xi32, #tpu.memory_space<vmem>>
      %dma_start3A_707 = tpu.memref_squeeze %dma_start3A_706 : memref<1x128xi32, #tpu.memory_space<vmem>> -> memref<128xi32, #tpu.memory_space<vmem>>
      %dma_start3A_708 = arith.constant 0 : i32
      %dma_start3A_709 = tpu.memref_slice %arg13[%dma_start3A_708] : memref<1000001xf32, #tpu.memory_space<vmem_shared>> -> memref<1000001xf32, #tpu.memory_space<vmem_shared>>
      tpu.enqueue_indirect_dma source(%dma_start3A_709 : memref<1000001xf32, #tpu.memory_space<vmem_shared>>) target(%dma_start3A_704 : memref<128xf32, #tpu.memory_space<vmem>>) offsets(%dma_start3A_707 : memref<128xi32, #tpu.memory_space<vmem>>) semaphore(%arg19 : memref<!tpu.dma_semaphore, #tpu.memory_space<semaphore_mem>>)
      %scan3A_710 = arith.constant 5 : i32
      %scan3A_711 = arith.addi %scan3A_661, %scan3A_710 : i32
      %dma_start3A_712 = arith.constant 0 : i32
      %dma_start3A_713 = tpu.memref_slice %arg10[%scan3A_711, %dma_start3A_712] : memref<100x128xf32, #tpu.memory_space<vmem>> -> memref<1x128xf32, #tpu.memory_space<vmem>>
      %dma_start3A_714 = tpu.memref_squeeze %dma_start3A_713 : memref<1x128xf32, #tpu.memory_space<vmem>> -> memref<128xf32, #tpu.memory_space<vmem>>
      %dma_start3A_715 = arith.constant 0 : i32
      %dma_start3A_716 = tpu.memref_slice %arg7[%scan3A_711, %dma_start3A_715] : memref<100x128xi32, #tpu.memory_space<vmem>> -> memref<1x128xi32, #tpu.memory_space<vmem>>
      %dma_start3A_717 = tpu.memref_squeeze %dma_start3A_716 : memref<1x128xi32, #tpu.memory_space<vmem>> -> memref<128xi32, #tpu.memory_space<vmem>>
      %dma_start3A_718 = arith.constant 0 : i32
      %dma_start3A_719 = tpu.memref_slice %arg13[%dma_start3A_718] : memref<1000001xf32, #tpu.memory_space<vmem_shared>> -> memref<1000001xf32, #tpu.memory_space<vmem_shared>>
      tpu.enqueue_indirect_dma source(%dma_start3A_719 : memref<1000001xf32, #tpu.memory_space<vmem_shared>>) target(%dma_start3A_714 : memref<128xf32, #tpu.memory_space<vmem>>) offsets(%dma_start3A_717 : memref<128xi32, #tpu.memory_space<vmem>>) semaphore(%arg19 : memref<!tpu.dma_semaphore, #tpu.memory_space<semaphore_mem>>)
      %scan3A_720 = arith.constant 6 : i32
      %scan3A_721 = arith.addi %scan3A_661, %scan3A_720 : i32
      %dma_start3A_722 = arith.constant 0 : i32
      %dma_start3A_723 = tpu.memref_slice %arg10[%scan3A_721, %dma_start3A_722] : memref<100x128xf32, #tpu.memory_space<vmem>> -> memref<1x128xf32, #tpu.memory_space<vmem>>
      %dma_start3A_724 = tpu.memref_squeeze %dma_start3A_723 : memref<1x128xf32, #tpu.memory_space<vmem>> -> memref<128xf32, #tpu.memory_space<vmem>>
      %dma_start3A_725 = arith.constant 0 : i32
      %dma_start3A_726 = tpu.memref_slice %arg7[%scan3A_721, %dma_start3A_725] : memref<100x128xi32, #tpu.memory_space<vmem>> -> memref<1x128xi32, #tpu.memory_space<vmem>>
      %dma_start3A_727 = tpu.memref_squeeze %dma_start3A_726 : memref<1x128xi32, #tpu.memory_space<vmem>> -> memref<128xi32, #tpu.memory_space<vmem>>
      %dma_start3A_728 = arith.constant 0 : i32
      %dma_start3A_729 = tpu.memref_slice %arg13[%dma_start3A_728] : memref<1000001xf32, #tpu.memory_space<vmem_shared>> -> memref<1000001xf32, #tpu.memory_space<vmem_shared>>
      tpu.enqueue_indirect_dma source(%dma_start3A_729 : memref<1000001xf32, #tpu.memory_space<vmem_shared>>) target(%dma_start3A_724 : memref<128xf32, #tpu.memory_space<vmem>>) offsets(%dma_start3A_727 : memref<128xi32, #tpu.memory_space<vmem>>) semaphore(%arg19 : memref<!tpu.dma_semaphore, #tpu.memory_space<semaphore_mem>>)
      %scan3A_730 = arith.constant 7 : i32
      %scan3A_731 = arith.addi %scan3A_661, %scan3A_730 : i32
      %dma_start3A_732 = arith.constant 0 : i32
      %dma_start3A_733 = tpu.memref_slice %arg10[%scan3A_731, %dma_start3A_732] : memref<100x128xf32, #tpu.memory_space<vmem>> -> memref<1x128xf32, #tpu.memory_space<vmem>>
      %dma_start3A_734 = tpu.memref_squeeze %dma_start3A_733 : memref<1x128xf32, #tpu.memory_space<vmem>> -> memref<128xf32, #tpu.memory_space<vmem>>
      %dma_start3A_735 = arith.constant 0 : i32
      %dma_start3A_736 = tpu.memref_slice %arg7[%scan3A_731, %dma_start3A_735] : memref<100x128xi32, #tpu.memory_space<vmem>> -> memref<1x128xi32, #tpu.memory_space<vmem>>
      %dma_start3A_737 = tpu.memref_squeeze %dma_start3A_736 : memref<1x128xi32, #tpu.memory_space<vmem>> -> memref<128xi32, #tpu.memory_space<vmem>>
      %dma_start3A_738 = arith.constant 0 : i32
      %dma_start3A_739 = tpu.memref_slice %arg13[%dma_start3A_738] : memref<1000001xf32, #tpu.memory_space<vmem_shared>> -> memref<1000001xf32, #tpu.memory_space<vmem_shared>>
      tpu.enqueue_indirect_dma source(%dma_start3A_739 : memref<1000001xf32, #tpu.memory_space<vmem_shared>>) target(%dma_start3A_734 : memref<128xf32, #tpu.memory_space<vmem>>) offsets(%dma_start3A_737 : memref<128xi32, #tpu.memory_space<vmem>>) semaphore(%arg19 : memref<!tpu.dma_semaphore, #tpu.memory_space<semaphore_mem>>)
    }
    %scan3A_441 = arith.constant 96 : i32
    %scan3A_442 = arith.addi %scan3A_437, %scan3A_441 : i32
    %dma_start3A_443 = arith.constant 0 : i32
    %dma_start3A_444 = tpu.memref_slice %arg10[%scan3A_442, %dma_start3A_443] : memref<100x128xf32, #tpu.memory_space<vmem>> -> memref<1x128xf32, #tpu.memory_space<vmem>>
    %dma_start3A_445 = tpu.memref_squeeze %dma_start3A_444 : memref<1x128xf32, #tpu.memory_space<vmem>> -> memref<128xf32, #tpu.memory_space<vmem>>
    %dma_start3A_446 = arith.constant 0 : i32
    %dma_start3A_447 = tpu.memref_slice %arg7[%scan3A_442, %dma_start3A_446] : memref<100x128xi32, #tpu.memory_space<vmem>> -> memref<1x128xi32, #tpu.memory_space<vmem>>
    %dma_start3A_448 = tpu.memref_squeeze %dma_start3A_447 : memref<1x128xi32, #tpu.memory_space<vmem>> -> memref<128xi32, #tpu.memory_space<vmem>>
    %dma_start3A_449 = arith.constant 0 : i32
    %dma_start3A_450 = tpu.memref_slice %arg13[%dma_start3A_449] : memref<1000001xf32, #tpu.memory_space<vmem_shared>> -> memref<1000001xf32, #tpu.memory_space<vmem_shared>>
    tpu.enqueue_indirect_dma source(%dma_start3A_450 : memref<1000001xf32, #tpu.memory_space<vmem_shared>>) target(%dma_start3A_445 : memref<128xf32, #tpu.memory_space<vmem>>) offsets(%dma_start3A_448 : memref<128xi32, #tpu.memory_space<vmem>>) semaphore(%arg19 : memref<!tpu.dma_semaphore, #tpu.memory_space<semaphore_mem>>)
    %scan3A_451 = arith.constant 97 : i32
    %scan3A_452 = arith.addi %scan3A_437, %scan3A_451 : i32
    %dma_start3A_453 = arith.constant 0 : i32
    %dma_start3A_454 = tpu.memref_slice %arg10[%scan3A_452, %dma_start3A_453] : memref<100x128xf32, #tpu.memory_space<vmem>> -> memref<1x128xf32, #tpu.memory_space<vmem>>
    %dma_start3A_455 = tpu.memref_squeeze %dma_start3A_454 : memref<1x128xf32, #tpu.memory_space<vmem>> -> memref<128xf32, #tpu.memory_space<vmem>>
    %dma_start3A_456 = arith.constant 0 : i32
    %dma_start3A_457 = tpu.memref_slice %arg7[%scan3A_452, %dma_start3A_456] : memref<100x128xi32, #tpu.memory_space<vmem>> -> memref<1x128xi32, #tpu.memory_space<vmem>>
    %dma_start3A_458 = tpu.memref_squeeze %dma_start3A_457 : memref<1x128xi32, #tpu.memory_space<vmem>> -> memref<128xi32, #tpu.memory_space<vmem>>
    %dma_start3A_459 = arith.constant 0 : i32
    %dma_start3A_460 = tpu.memref_slice %arg13[%dma_start3A_459] : memref<1000001xf32, #tpu.memory_space<vmem_shared>> -> memref<1000001xf32, #tpu.memory_space<vmem_shared>>
    tpu.enqueue_indirect_dma source(%dma_start3A_460 : memref<1000001xf32, #tpu.memory_space<vmem_shared>>) target(%dma_start3A_455 : memref<128xf32, #tpu.memory_space<vmem>>) offsets(%dma_start3A_458 : memref<128xi32, #tpu.memory_space<vmem>>) semaphore(%arg19 : memref<!tpu.dma_semaphore, #tpu.memory_space<semaphore_mem>>)
    %scan3A_461 = arith.constant 98 : i32
    %scan3A_462 = arith.addi %scan3A_437, %scan3A_461 : i32
    %dma_start3A_463 = arith.constant 0 : i32
    %dma_start3A_464 = tpu.memref_slice %arg10[%scan3A_462, %dma_start3A_463] : memref<100x128xf32, #tpu.memory_space<vmem>> -> memref<1x128xf32, #tpu.memory_space<vmem>>
    %dma_start3A_465 = tpu.memref_squeeze %dma_start3A_464 : memref<1x128xf32, #tpu.memory_space<vmem>> -> memref<128xf32, #tpu.memory_space<vmem>>
    %dma_start3A_466 = arith.constant 0 : i32
    %dma_start3A_467 = tpu.memref_slice %arg7[%scan3A_462, %dma_start3A_466] : memref<100x128xi32, #tpu.memory_space<vmem>> -> memref<1x128xi32, #tpu.memory_space<vmem>>
    %dma_start3A_468 = tpu.memref_squeeze %dma_start3A_467 : memref<1x128xi32, #tpu.memory_space<vmem>> -> memref<128xi32, #tpu.memory_space<vmem>>
    %dma_start3A_469 = arith.constant 0 : i32
    %dma_start3A_470 = tpu.memref_slice %arg13[%dma_start3A_469] : memref<1000001xf32, #tpu.memory_space<vmem_shared>> -> memref<1000001xf32, #tpu.memory_space<vmem_shared>>
    tpu.enqueue_indirect_dma source(%dma_start3A_470 : memref<1000001xf32, #tpu.memory_space<vmem_shared>>) target(%dma_start3A_465 : memref<128xf32, #tpu.memory_space<vmem>>) offsets(%dma_start3A_468 : memref<128xi32, #tpu.memory_space<vmem>>) semaphore(%arg19 : memref<!tpu.dma_semaphore, #tpu.memory_space<semaphore_mem>>)
    %scan3A_471 = arith.constant 99 : i32
    %scan3A_472 = arith.addi %scan3A_437, %scan3A_471 : i32
    %dma_start3A_473 = arith.constant 0 : i32
    %dma_start3A_474 = tpu.memref_slice %arg10[%scan3A_472, %dma_start3A_473] : memref<100x128xf32, #tpu.memory_space<vmem>> -> memref<1x128xf32, #tpu.memory_space<vmem>>
    %dma_start3A_475 = tpu.memref_squeeze %dma_start3A_474 : memref<1x128xf32, #tpu.memory_space<vmem>> -> memref<128xf32, #tpu.memory_space<vmem>>
    %dma_start3A_476 = arith.constant 0 : i32
    %dma_start3A_477 = tpu.memref_slice %arg7[%scan3A_472, %dma_start3A_476] : memref<100x128xi32, #tpu.memory_space<vmem>> -> memref<1x128xi32, #tpu.memory_space<vmem>>
    %dma_start3A_478 = tpu.memref_squeeze %dma_start3A_477 : memref<1x128xi32, #tpu.memory_space<vmem>> -> memref<128xi32, #tpu.memory_space<vmem>>
    %dma_start3A_479 = arith.constant 0 : i32
    %dma_start3A_480 = tpu.memref_slice %arg13[%dma_start3A_479] : memref<1000001xf32, #tpu.memory_space<vmem_shared>> -> memref<1000001xf32, #tpu.memory_space<vmem_shared>>
    tpu.enqueue_indirect_dma source(%dma_start3A_480 : memref<1000001xf32, #tpu.memory_space<vmem_shared>>) target(%dma_start3A_475 : memref<128xf32, #tpu.memory_space<vmem>>) offsets(%dma_start3A_478 : memref<128xi32, #tpu.memory_space<vmem>>) semaphore(%arg19 : memref<!tpu.dma_semaphore, #tpu.memory_space<semaphore_mem>>)
    %scan3A_481 = arith.constant 100 : i32
    %add3A_482 = arith.constant 256 : i32
    %add3A_483 = arith.addi %mul3A_2, %add3A_482 : i32
    %dma_wait3A_484 = arith.constant 0 : i32
    %dma_wait3A_485 = tpu.memref_slice %arg3[%dma_wait3A_484, %add3A_483] : memref<100x16384xf32, #tpu.memory_space<hbm>> -> memref<100x128xf32, #tpu.memory_space<hbm>>
    %dma_wait3A_486 = arith.constant 0 : i32
    %dma_wait3A_487 = tpu.memref_slice %arg3[%dma_wait3A_486, %add3A_483] : memref<100x16384xf32, #tpu.memory_space<hbm>> -> memref<100x128xf32, #tpu.memory_space<hbm>>
    tpu.wait_dma2 semaphore(%arg18 : memref<!tpu.dma_semaphore, #tpu.memory_space<semaphore_mem>>) src(%dma_wait3A_487 : memref<100x128xf32, #tpu.memory_space<hbm>>) dst(%arg9 : memref<100x128xf32, #tpu.memory_space<vmem>>)
    %broadcast_in_dim3A_488 = arith.constant 0.000000e+00 : f32
    "tpu.trace_stop"() : () -> ()
    "tpu.trace_start"() <{level = 10 : i32, message = "drain_compute"}> : () -> ()
    %broadcast_in_dim3A_489 = vector.broadcast %broadcast_in_dim3A_488 : f32 to vector<16xf32>
    %broadcast_in_dim3A_490 = arith.constant 0.000000e+00 : f32
    %broadcast_in_dim3A_491 = vector.broadcast %broadcast_in_dim3A_490 : f32 to vector<16xf32>
    %broadcast_in_dim3A_492 = arith.constant 0.000000e+00 : f32
    %broadcast_in_dim3A_493 = vector.broadcast %broadcast_in_dim3A_492 : f32 to vector<16xf32>
    %broadcast_in_dim3A_494 = arith.constant 0.000000e+00 : f32
    %broadcast_in_dim3A_495 = vector.broadcast %broadcast_in_dim3A_494 : f32 to vector<16xf32>
    %broadcast_in_dim3A_496 = arith.constant 0.000000e+00 : f32
    %broadcast_in_dim3A_497 = vector.broadcast %broadcast_in_dim3A_496 : f32 to vector<16xf32>
    %broadcast_in_dim3A_498 = arith.constant 0.000000e+00 : f32
    %broadcast_in_dim3A_499 = vector.broadcast %broadcast_in_dim3A_498 : f32 to vector<16xf32>
    %broadcast_in_dim3A_500 = arith.constant 0.000000e+00 : f32
    %broadcast_in_dim3A_501 = vector.broadcast %broadcast_in_dim3A_500 : f32 to vector<16xf32>
    %broadcast_in_dim3A_502 = arith.constant 0.000000e+00 : f32
    %broadcast_in_dim3A_503 = vector.broadcast %broadcast_in_dim3A_502 : f32 to vector<16xf32>
    %scan3A_504 = arith.constant 0 : i32
    %scan3A_505 = arith.constant 100 : i32
    %scan3A_506 = arith.addi %scan3A_504, %scan3A_505 : i32
    %scan3A_507 = arith.constant 2 : i32
    %scan3A_508:8 = scf.for %scan3A_661 = %scan3A_504 to %scan3A_506 step %scan3A_507 iter_args(%scan3A_662 = %broadcast_in_dim3A_489, %scan3A_663 = %broadcast_in_dim3A_491, %scan3A_664 = %broadcast_in_dim3A_493, %scan3A_665 = %broadcast_in_dim3A_495, %scan3A_666 = %broadcast_in_dim3A_497, %scan3A_667 = %broadcast_in_dim3A_499, %scan3A_668 = %broadcast_in_dim3A_501, %scan3A_669 = %broadcast_in_dim3A_503) -> (vector<16xf32>, vector<16xf32>, vector<16xf32>, vector<16xf32>, vector<16xf32>, vector<16xf32>, vector<16xf32>, vector<16xf32>)  : i32 {
      %dma_wait3A_670 = arith.constant 0 : i32
      %dma_wait3A_671 = tpu.memref_slice %arg10[%scan3A_661, %dma_wait3A_670] : memref<100x128xf32, #tpu.memory_space<vmem>> -> memref<1x128xf32, #tpu.memory_space<vmem>>
      %dma_wait3A_672 = tpu.memref_squeeze %dma_wait3A_671 : memref<1x128xf32, #tpu.memory_space<vmem>> -> memref<128xf32, #tpu.memory_space<vmem>>
      %dma_wait3A_673 = arith.constant 0 : i32
      %dma_wait3A_674 = tpu.memref_slice %arg7[%scan3A_661, %dma_wait3A_673] : memref<100x128xi32, #tpu.memory_space<vmem>> -> memref<1x128xi32, #tpu.memory_space<vmem>>
      %dma_wait3A_675 = tpu.memref_squeeze %dma_wait3A_674 : memref<1x128xi32, #tpu.memory_space<vmem>> -> memref<128xi32, #tpu.memory_space<vmem>>
      %dma_wait3A_676 = arith.constant 0 : i32
      %dma_wait3A_677 = tpu.memref_slice %arg13[%dma_wait3A_676] : memref<1000001xf32, #tpu.memory_space<vmem_shared>> -> memref<1000001xf32, #tpu.memory_space<vmem_shared>>
      tpu.wait_indirect_dma semaphore(%arg19 : memref<!tpu.dma_semaphore, #tpu.memory_space<semaphore_mem>>) src(%dma_wait3A_677 : memref<1000001xf32, #tpu.memory_space<vmem_shared>>) dst(%dma_wait3A_672 : memref<128xf32, #tpu.memory_space<vmem>>)
      %get3A_678 = arith.index_cast %scan3A_661 : i32 to index
      %get3A_679 = arith.constant 0 : index
      %get3A_680 = tpu.vector_load %arg10[%get3A_678, %get3A_679] {strides = array<i32>} : memref<100x128xf32, #tpu.memory_space<vmem>>, vector<16xf32>,
      %get3A_681 = arith.index_cast %scan3A_661 : i32 to index
      %get3A_682 = arith.constant 0 : index
      %get3A_683 = tpu.vector_load %arg9[%get3A_681, %get3A_682] {strides = array<i32>} : memref<100x128xf32, #tpu.memory_space<vmem>>, vector<16xf32>,
      %mul3A_684 = arith.mulf %get3A_680, %get3A_683 : vector<16xf32>
      %add3A_685 = arith.addf %scan3A_662, %mul3A_684 : vector<16xf32>
      %get3A_686 = arith.index_cast %scan3A_661 : i32 to index
      %get3A_687 = arith.constant 16 : index
      %get3A_688 = tpu.vector_load %arg10[%get3A_686, %get3A_687] {strides = array<i32>} : memref<100x128xf32, #tpu.memory_space<vmem>>, vector<16xf32>,
      %get3A_689 = arith.index_cast %scan3A_661 : i32 to index
      %get3A_690 = arith.constant 16 : index
      %get3A_691 = tpu.vector_load %arg9[%get3A_689, %get3A_690] {strides = array<i32>} : memref<100x128xf32, #tpu.memory_space<vmem>>, vector<16xf32>,
      %mul3A_692 = arith.mulf %get3A_688, %get3A_691 : vector<16xf32>
      %add3A_693 = arith.addf %scan3A_663, %mul3A_692 : vector<16xf32>
      %get3A_694 = arith.index_cast %scan3A_661 : i32 to index
      %get3A_695 = arith.constant 32 : index
      %get3A_696 = tpu.vector_load %arg10[%get3A_694, %get3A_695] {strides = array<i32>} : memref<100x128xf32, #tpu.memory_space<vmem>>, vector<16xf32>,
      %get3A_697 = arith.index_cast %scan3A_661 : i32 to index
      %get3A_698 = arith.constant 32 : index
      %get3A_699 = tpu.vector_load %arg9[%get3A_697, %get3A_698] {strides = array<i32>} : memref<100x128xf32, #tpu.memory_space<vmem>>, vector<16xf32>,
      %mul3A_700 = arith.mulf %get3A_696, %get3A_699 : vector<16xf32>
      %add3A_701 = arith.addf %scan3A_664, %mul3A_700 : vector<16xf32>
      %get3A_702 = arith.index_cast %scan3A_661 : i32 to index
      %get3A_703 = arith.constant 48 : index
      %get3A_704 = tpu.vector_load %arg10[%get3A_702, %get3A_703] {strides = array<i32>} : memref<100x128xf32, #tpu.memory_space<vmem>>, vector<16xf32>,
      %get3A_705 = arith.index_cast %scan3A_661 : i32 to index
      %get3A_706 = arith.constant 48 : index
      %get3A_707 = tpu.vector_load %arg9[%get3A_705, %get3A_706] {strides = array<i32>} : memref<100x128xf32, #tpu.memory_space<vmem>>, vector<16xf32>,
      %mul3A_708 = arith.mulf %get3A_704, %get3A_707 : vector<16xf32>
      %add3A_709 = arith.addf %scan3A_665, %mul3A_708 : vector<16xf32>
      %get3A_710 = arith.index_cast %scan3A_661 : i32 to index
      %get3A_711 = arith.constant 64 : index
      %get3A_712 = tpu.vector_load %arg10[%get3A_710, %get3A_711] {strides = array<i32>} : memref<100x128xf32, #tpu.memory_space<vmem>>, vector<16xf32>,
      %get3A_713 = arith.index_cast %scan3A_661 : i32 to index
      %get3A_714 = arith.constant 64 : index
      %get3A_715 = tpu.vector_load %arg9[%get3A_713, %get3A_714] {strides = array<i32>} : memref<100x128xf32, #tpu.memory_space<vmem>>, vector<16xf32>,
      %mul3A_716 = arith.mulf %get3A_712, %get3A_715 : vector<16xf32>
      %add3A_717 = arith.addf %scan3A_666, %mul3A_716 : vector<16xf32>
      %get3A_718 = arith.index_cast %scan3A_661 : i32 to index
      %get3A_719 = arith.constant 80 : index
      %get3A_720 = tpu.vector_load %arg10[%get3A_718, %get3A_719] {strides = array<i32>} : memref<100x128xf32, #tpu.memory_space<vmem>>, vector<16xf32>,
      %get3A_721 = arith.index_cast %scan3A_661 : i32 to index
      %get3A_722 = arith.constant 80 : index
      %get3A_723 = tpu.vector_load %arg9[%get3A_721, %get3A_722] {strides = array<i32>} : memref<100x128xf32, #tpu.memory_space<vmem>>, vector<16xf32>,
      %mul3A_724 = arith.mulf %get3A_720, %get3A_723 : vector<16xf32>
      %add3A_725 = arith.addf %scan3A_667, %mul3A_724 : vector<16xf32>
      %get3A_726 = arith.index_cast %scan3A_661 : i32 to index
      %get3A_727 = arith.constant 96 : index
      %get3A_728 = tpu.vector_load %arg10[%get3A_726, %get3A_727] {strides = array<i32>} : memref<100x128xf32, #tpu.memory_space<vmem>>, vector<16xf32>,
      %get3A_729 = arith.index_cast %scan3A_661 : i32 to index
      %get3A_730 = arith.constant 96 : index
      %get3A_731 = tpu.vector_load %arg9[%get3A_729, %get3A_730] {strides = array<i32>} : memref<100x128xf32, #tpu.memory_space<vmem>>, vector<16xf32>,
      %mul3A_732 = arith.mulf %get3A_728, %get3A_731 : vector<16xf32>
      %add3A_733 = arith.addf %scan3A_668, %mul3A_732 : vector<16xf32>
      %get3A_734 = arith.index_cast %scan3A_661 : i32 to index
      %get3A_735 = arith.constant 112 : index
      %get3A_736 = tpu.vector_load %arg10[%get3A_734, %get3A_735] {strides = array<i32>} : memref<100x128xf32, #tpu.memory_space<vmem>>, vector<16xf32>,
      %get3A_737 = arith.index_cast %scan3A_661 : i32 to index
      %get3A_738 = arith.constant 112 : index
      %get3A_739 = tpu.vector_load %arg9[%get3A_737, %get3A_738] {strides = array<i32>} : memref<100x128xf32, #tpu.memory_space<vmem>>, vector<16xf32>,
      %mul3A_740 = arith.mulf %get3A_736, %get3A_739 : vector<16xf32>
      %add3A_741 = arith.addf %scan3A_669, %mul3A_740 : vector<16xf32>
      %scan3A_742 = arith.constant 1 : i32
      %scan3A_743 = arith.addi %scan3A_661, %scan3A_742 : i32
      %dma_wait3A_744 = arith.constant 0 : i32
      %dma_wait3A_745 = tpu.memref_slice %arg10[%scan3A_743, %dma_wait3A_744] : memref<100x128xf32, #tpu.memory_space<vmem>> -> memref<1x128xf32, #tpu.memory_space<vmem>>
      %dma_wait3A_746 = tpu.memref_squeeze %dma_wait3A_745 : memref<1x128xf32, #tpu.memory_space<vmem>> -> memref<128xf32, #tpu.memory_space<vmem>>
      %dma_wait3A_747 = arith.constant 0 : i32
      %dma_wait3A_748 = tpu.memref_slice %arg7[%scan3A_743, %dma_wait3A_747] : memref<100x128xi32, #tpu.memory_space<vmem>> -> memref<1x128xi32, #tpu.memory_space<vmem>>
      %dma_wait3A_749 = tpu.memref_squeeze %dma_wait3A_748 : memref<1x128xi32, #tpu.memory_space<vmem>> -> memref<128xi32, #tpu.memory_space<vmem>>
      %dma_wait3A_750 = arith.constant 0 : i32
      %dma_wait3A_751 = tpu.memref_slice %arg13[%dma_wait3A_750] : memref<1000001xf32, #tpu.memory_space<vmem_shared>> -> memref<1000001xf32, #tpu.memory_space<vmem_shared>>
      tpu.wait_indirect_dma semaphore(%arg19 : memref<!tpu.dma_semaphore, #tpu.memory_space<semaphore_mem>>) src(%dma_wait3A_751 : memref<1000001xf32, #tpu.memory_space<vmem_shared>>) dst(%dma_wait3A_746 : memref<128xf32, #tpu.memory_space<vmem>>)
      %get3A_752 = arith.index_cast %scan3A_743 : i32 to index
      %get3A_753 = arith.constant 0 : index
      %get3A_754 = tpu.vector_load %arg10[%get3A_752, %get3A_753] {strides = array<i32>} : memref<100x128xf32, #tpu.memory_space<vmem>>, vector<16xf32>,
      %get3A_755 = arith.index_cast %scan3A_743 : i32 to index
      %get3A_756 = arith.constant 0 : index
      %get3A_757 = tpu.vector_load %arg9[%get3A_755, %get3A_756] {strides = array<i32>} : memref<100x128xf32, #tpu.memory_space<vmem>>, vector<16xf32>,
      %mul3A_758 = arith.mulf %get3A_754, %get3A_757 : vector<16xf32>
      %add3A_759 = arith.addf %add3A_685, %mul3A_758 : vector<16xf32>
      %get3A_760 = arith.index_cast %scan3A_743 : i32 to index
      %get3A_761 = arith.constant 16 : index
      %get3A_762 = tpu.vector_load %arg10[%get3A_760, %get3A_761] {strides = array<i32>} : memref<100x128xf32, #tpu.memory_space<vmem>>, vector<16xf32>,
      %get3A_763 = arith.index_cast %scan3A_743 : i32 to index
      %get3A_764 = arith.constant 16 : index
      %get3A_765 = tpu.vector_load %arg9[%get3A_763, %get3A_764] {strides = array<i32>} : memref<100x128xf32, #tpu.memory_space<vmem>>, vector<16xf32>,
      %mul3A_766 = arith.mulf %get3A_762, %get3A_765 : vector<16xf32>
      %add3A_767 = arith.addf %add3A_693, %mul3A_766 : vector<16xf32>
      %get3A_768 = arith.index_cast %scan3A_743 : i32 to index
      %get3A_769 = arith.constant 32 : index
      %get3A_770 = tpu.vector_load %arg10[%get3A_768, %get3A_769] {strides = array<i32>} : memref<100x128xf32, #tpu.memory_space<vmem>>, vector<16xf32>,
      %get3A_771 = arith.index_cast %scan3A_743 : i32 to index
      %get3A_772 = arith.constant 32 : index
      %get3A_773 = tpu.vector_load %arg9[%get3A_771, %get3A_772] {strides = array<i32>} : memref<100x128xf32, #tpu.memory_space<vmem>>, vector<16xf32>,
      %mul3A_774 = arith.mulf %get3A_770, %get3A_773 : vector<16xf32>
      %add3A_775 = arith.addf %add3A_701, %mul3A_774 : vector<16xf32>
      %get3A_776 = arith.index_cast %scan3A_743 : i32 to index
      %get3A_777 = arith.constant 48 : index
      %get3A_778 = tpu.vector_load %arg10[%get3A_776, %get3A_777] {strides = array<i32>} : memref<100x128xf32, #tpu.memory_space<vmem>>, vector<16xf32>,
      %get3A_779 = arith.index_cast %scan3A_743 : i32 to index
      %get3A_780 = arith.constant 48 : index
      %get3A_781 = tpu.vector_load %arg9[%get3A_779, %get3A_780] {strides = array<i32>} : memref<100x128xf32, #tpu.memory_space<vmem>>, vector<16xf32>,
      %mul3A_782 = arith.mulf %get3A_778, %get3A_781 : vector<16xf32>
      %add3A_783 = arith.addf %add3A_709, %mul3A_782 : vector<16xf32>
      %get3A_784 = arith.index_cast %scan3A_743 : i32 to index
      %get3A_785 = arith.constant 64 : index
      %get3A_786 = tpu.vector_load %arg10[%get3A_784, %get3A_785] {strides = array<i32>} : memref<100x128xf32, #tpu.memory_space<vmem>>, vector<16xf32>,
      %get3A_787 = arith.index_cast %scan3A_743 : i32 to index
      %get3A_788 = arith.constant 64 : index
      %get3A_789 = tpu.vector_load %arg9[%get3A_787, %get3A_788] {strides = array<i32>} : memref<100x128xf32, #tpu.memory_space<vmem>>, vector<16xf32>,
      %mul3A_790 = arith.mulf %get3A_786, %get3A_789 : vector<16xf32>
      %add3A_791 = arith.addf %add3A_717, %mul3A_790 : vector<16xf32>
      %get3A_792 = arith.index_cast %scan3A_743 : i32 to index
      %get3A_793 = arith.constant 80 : index
      %get3A_794 = tpu.vector_load %arg10[%get3A_792, %get3A_793] {strides = array<i32>} : memref<100x128xf32, #tpu.memory_space<vmem>>, vector<16xf32>,
      %get3A_795 = arith.index_cast %scan3A_743 : i32 to index
      %get3A_796 = arith.constant 80 : index
      %get3A_797 = tpu.vector_load %arg9[%get3A_795, %get3A_796] {strides = array<i32>} : memref<100x128xf32, #tpu.memory_space<vmem>>, vector<16xf32>,
      %mul3A_798 = arith.mulf %get3A_794, %get3A_797 : vector<16xf32>
      %add3A_799 = arith.addf %add3A_725, %mul3A_798 : vector<16xf32>
      %get3A_800 = arith.index_cast %scan3A_743 : i32 to index
      %get3A_801 = arith.constant 96 : index
      %get3A_802 = tpu.vector_load %arg10[%get3A_800, %get3A_801] {strides = array<i32>} : memref<100x128xf32, #tpu.memory_space<vmem>>, vector<16xf32>,
      %get3A_803 = arith.index_cast %scan3A_743 : i32 to index
      %get3A_804 = arith.constant 96 : index
      %get3A_805 = tpu.vector_load %arg9[%get3A_803, %get3A_804] {strides = array<i32>} : memref<100x128xf32, #tpu.memory_space<vmem>>, vector<16xf32>,
      %mul3A_806 = arith.mulf %get3A_802, %get3A_805 : vector<16xf32>
      %add3A_807 = arith.addf %add3A_733, %mul3A_806 : vector<16xf32>
      %get3A_808 = arith.index_cast %scan3A_743 : i32 to index
      %get3A_809 = arith.constant 112 : index
      %get3A_810 = tpu.vector_load %arg10[%get3A_808, %get3A_809] {strides = array<i32>} : memref<100x128xf32, #tpu.memory_space<vmem>>, vector<16xf32>,
      %get3A_811 = arith.index_cast %scan3A_743 : i32 to index
      %get3A_812 = arith.constant 112 : index
      %get3A_813 = tpu.vector_load %arg9[%get3A_811, %get3A_812] {strides = array<i32>} : memref<100x128xf32, #tpu.memory_space<vmem>>, vector<16xf32>,
      %mul3A_814 = arith.mulf %get3A_810, %get3A_813 : vector<16xf32>
      %add3A_815 = arith.addf %add3A_741, %mul3A_814 : vector<16xf32>
      scf.yield %add3A_759, %add3A_767, %add3A_775, %add3A_783, %add3A_791, %add3A_799, %add3A_807, %add3A_815 : vector<16xf32>, vector<16xf32>, vector<16xf32>, vector<16xf32>, vector<16xf32>, vector<16xf32>, vector<16xf32>, vector<16xf32>
    }
    %scan3A_509 = arith.constant 100 : i32
    %add3A_510 = vector.broadcast %squeeze3A : f32 to vector<16xf32>
    %add3A_511 = arith.addf %scan3A_508#0, %add3A_510 : vector<16xf32>
    %swap3A_512 = arith.constant 0 : index
    %swap3A_513 = tpu.vector_load %arg11[%swap3A_512] {strides = array<i32>} : memref<128xf32, #tpu.memory_space<vmem>>, vector<16xf32>,
    tpu.vector_store %arg11[%swap3A_512], %add3A_511 {strides = array<i32>} : memref<128xf32, #tpu.memory_space<vmem>>, vector<16xf32>,
    %add3A_514 = vector.broadcast %squeeze3A : f32 to vector<16xf32>
    %add3A_515 = arith.addf %scan3A_508#1, %add3A_514 : vector<16xf32>
    %swap3A_516 = arith.constant 16 : index
    %swap3A_517 = tpu.vector_load %arg11[%swap3A_516] {strides = array<i32>} : memref<128xf32, #tpu.memory_space<vmem>>, vector<16xf32>,
    tpu.vector_store %arg11[%swap3A_516], %add3A_515 {strides = array<i32>} : memref<128xf32, #tpu.memory_space<vmem>>, vector<16xf32>,
    %add3A_518 = vector.broadcast %squeeze3A : f32 to vector<16xf32>
    %add3A_519 = arith.addf %scan3A_508#2, %add3A_518 : vector<16xf32>
    %swap3A_520 = arith.constant 32 : index
    %swap3A_521 = tpu.vector_load %arg11[%swap3A_520] {strides = array<i32>} : memref<128xf32, #tpu.memory_space<vmem>>, vector<16xf32>,
    tpu.vector_store %arg11[%swap3A_520], %add3A_519 {strides = array<i32>} : memref<128xf32, #tpu.memory_space<vmem>>, vector<16xf32>,
    %add3A_522 = vector.broadcast %squeeze3A : f32 to vector<16xf32>
    %add3A_523 = arith.addf %scan3A_508#3, %add3A_522 : vector<16xf32>
    %swap3A_524 = arith.constant 48 : index
    %swap3A_525 = tpu.vector_load %arg11[%swap3A_524] {strides = array<i32>} : memref<128xf32, #tpu.memory_space<vmem>>, vector<16xf32>,
    tpu.vector_store %arg11[%swap3A_524], %add3A_523 {strides = array<i32>} : memref<128xf32, #tpu.memory_space<vmem>>, vector<16xf32>,
    %add3A_526 = vector.broadcast %squeeze3A : f32 to vector<16xf32>
    %add3A_527 = arith.addf %scan3A_508#4, %add3A_526 : vector<16xf32>
    %swap3A_528 = arith.constant 64 : index
    %swap3A_529 = tpu.vector_load %arg11[%swap3A_528] {strides = array<i32>} : memref<128xf32, #tpu.memory_space<vmem>>, vector<16xf32>,
    tpu.vector_store %arg11[%swap3A_528], %add3A_527 {strides = array<i32>} : memref<128xf32, #tpu.memory_space<vmem>>, vector<16xf32>,
    %add3A_530 = vector.broadcast %squeeze3A : f32 to vector<16xf32>
    %add3A_531 = arith.addf %scan3A_508#5, %add3A_530 : vector<16xf32>
    %swap3A_532 = arith.constant 80 : index
    %swap3A_533 = tpu.vector_load %arg11[%swap3A_532] {strides = array<i32>} : memref<128xf32, #tpu.memory_space<vmem>>, vector<16xf32>,
    tpu.vector_store %arg11[%swap3A_532], %add3A_531 {strides = array<i32>} : memref<128xf32, #tpu.memory_space<vmem>>, vector<16xf32>,
    %add3A_534 = vector.broadcast %squeeze3A : f32 to vector<16xf32>
    %add3A_535 = arith.addf %scan3A_508#6, %add3A_534 : vector<16xf32>
    %swap3A_536 = arith.constant 96 : index
    %swap3A_537 = tpu.vector_load %arg11[%swap3A_536] {strides = array<i32>} : memref<128xf32, #tpu.memory_space<vmem>>, vector<16xf32>,
    tpu.vector_store %arg11[%swap3A_536], %add3A_535 {strides = array<i32>} : memref<128xf32, #tpu.memory_space<vmem>>, vector<16xf32>,
    %add3A_538 = vector.broadcast %squeeze3A : f32 to vector<16xf32>
    %add3A_539 = arith.addf %scan3A_508#7, %add3A_538 : vector<16xf32>
    %swap3A_540 = arith.constant 112 : index
    %swap3A_541 = tpu.vector_load %arg11[%swap3A_540] {strides = array<i32>} : memref<128xf32, #tpu.memory_space<vmem>>, vector<16xf32>,
    tpu.vector_store %arg11[%swap3A_540], %add3A_539 {strides = array<i32>} : memref<128xf32, #tpu.memory_space<vmem>>, vector<16xf32>,
    "tpu.region"() ({
      %run_scoped3A = tpu.sem_alloc : memref<!tpu.dma_semaphore, #tpu.memory_space<semaphore_mem>>
      %dma_start3A_661 = tpu.memref_slice %arg6[%add3A_424] : memref<16384xf32, #tpu.memory_space<hbm>> -> memref<128xf32, #tpu.memory_space<hbm>>
      %dma_start3A_662 = tpu.memref_slice %arg6[%add3A_424] : memref<16384xf32, #tpu.memory_space<hbm>> -> memref<128xf32, #tpu.memory_space<hbm>>
      tpu.enqueue_dma source(%arg11 : memref<128xf32, #tpu.memory_space<vmem>>) target(%dma_start3A_662 : memref<128xf32, #tpu.memory_space<hbm>>) target_semaphore(%run_scoped3A : memref<!tpu.dma_semaphore, #tpu.memory_space<semaphore_mem>>)
      %dma_wait3A_663 = tpu.memref_slice %arg6[%add3A_424] : memref<16384xf32, #tpu.memory_space<hbm>> -> memref<128xf32, #tpu.memory_space<hbm>>
      %dma_wait3A_664 = tpu.memref_slice %arg6[%add3A_424] : memref<16384xf32, #tpu.memory_space<hbm>> -> memref<128xf32, #tpu.memory_space<hbm>>
      tpu.wait_dma2 semaphore(%run_scoped3A : memref<!tpu.dma_semaphore, #tpu.memory_space<semaphore_mem>>) src(%arg11 : memref<128xf32, #tpu.memory_space<vmem>>) dst(%dma_wait3A_664 : memref<128xf32, #tpu.memory_space<hbm>>)
      tpu.yield
    }) : () -> ()
    %add3A_542 = arith.constant 384 : i32
    %add3A_543 = arith.addi %mul3A_2, %add3A_542 : i32
    %dma_start3A_544 = arith.constant 0 : i32
    %dma_start3A_545 = tpu.memref_slice %arg3[%dma_start3A_544, %add3A_543] : memref<100x16384xf32, #tpu.memory_space<hbm>> -> memref<100x128xf32, #tpu.memory_space<hbm>>
    %dma_start3A_546 = arith.constant 0 : i32
    %dma_start3A_547 = tpu.memref_slice %arg3[%dma_start3A_546, %add3A_543] : memref<100x16384xf32, #tpu.memory_space<hbm>> -> memref<100x128xf32, #tpu.memory_space<hbm>>
    tpu.enqueue_dma source(%dma_start3A_547 : memref<100x128xf32, #tpu.memory_space<hbm>>) target(%arg9 : memref<100x128xf32, #tpu.memory_space<vmem>>) target_semaphore(%arg18 : memref<!tpu.dma_semaphore, #tpu.memory_space<semaphore_mem>>)
    "tpu.trace_stop"() : () -> ()
    %add3A_548 = arith.constant 384 : i32
    %add3A_549 = arith.addi %mul3A_2, %add3A_548 : i32
    "tpu.trace_start"() <{level = 10 : i32, message = "wait_in"}> : () -> ()
    %add3A_550 = arith.constant 384 : i32
    %add3A_551 = arith.addi %mul3A_2, %add3A_550 : i32
    %dma_wait3A_552 = arith.constant 0 : i32
    %dma_wait3A_553 = tpu.memref_slice %arg2[%dma_wait3A_552, %add3A_551] : memref<100x16384xi32, #tpu.memory_space<hbm>> -> memref<100x128xi32, #tpu.memory_space<hbm>>
    %dma_wait3A_554 = arith.constant 0 : i32
    %dma_wait3A_555 = tpu.memref_slice %arg2[%dma_wait3A_554, %add3A_551] : memref<100x16384xi32, #tpu.memory_space<hbm>> -> memref<100x128xi32, #tpu.memory_space<hbm>>
    tpu.wait_dma2 semaphore(%arg17 : memref<!tpu.dma_semaphore, #tpu.memory_space<semaphore_mem>>) src(%dma_wait3A_555 : memref<100x128xi32, #tpu.memory_space<hbm>>) dst(%arg8 : memref<100x128xi32, #tpu.memory_space<vmem>>)
    "tpu.trace_stop"() : () -> ()
    "tpu.trace_start"() <{level = 10 : i32, message = "fire"}> : () -> ()
    %scan3A_556 = arith.constant 0 : i32
    %scan3A_557 = arith.constant 96 : i32
    %scan3A_558 = arith.addi %scan3A_556, %scan3A_557 : i32
    %scan3A_559 = arith.constant 8 : i32
    scf.for %scan3A_661 = %scan3A_556 to %scan3A_558 step %scan3A_559  : i32 {
      %dma_start3A_662 = arith.constant 0 : i32
      %dma_start3A_663 = tpu.memref_slice %arg10[%scan3A_661, %dma_start3A_662] : memref<100x128xf32, #tpu.memory_space<vmem>> -> memref<1x128xf32, #tpu.memory_space<vmem>>
      %dma_start3A_664 = tpu.memref_squeeze %dma_start3A_663 : memref<1x128xf32, #tpu.memory_space<vmem>> -> memref<128xf32, #tpu.memory_space<vmem>>
      %dma_start3A_665 = arith.constant 0 : i32
      %dma_start3A_666 = tpu.memref_slice %arg8[%scan3A_661, %dma_start3A_665] : memref<100x128xi32, #tpu.memory_space<vmem>> -> memref<1x128xi32, #tpu.memory_space<vmem>>
      %dma_start3A_667 = tpu.memref_squeeze %dma_start3A_666 : memref<1x128xi32, #tpu.memory_space<vmem>> -> memref<128xi32, #tpu.memory_space<vmem>>
      %dma_start3A_668 = arith.constant 0 : i32
      %dma_start3A_669 = tpu.memref_slice %arg13[%dma_start3A_668] : memref<1000001xf32, #tpu.memory_space<vmem_shared>> -> memref<1000001xf32, #tpu.memory_space<vmem_shared>>
      tpu.enqueue_indirect_dma source(%dma_start3A_669 : memref<1000001xf32, #tpu.memory_space<vmem_shared>>) target(%dma_start3A_664 : memref<128xf32, #tpu.memory_space<vmem>>) offsets(%dma_start3A_667 : memref<128xi32, #tpu.memory_space<vmem>>) semaphore(%arg19 : memref<!tpu.dma_semaphore, #tpu.memory_space<semaphore_mem>>)
      %scan3A_670 = arith.constant 1 : i32
      %scan3A_671 = arith.addi %scan3A_661, %scan3A_670 : i32
      %dma_start3A_672 = arith.constant 0 : i32
      %dma_start3A_673 = tpu.memref_slice %arg10[%scan3A_671, %dma_start3A_672] : memref<100x128xf32, #tpu.memory_space<vmem>> -> memref<1x128xf32, #tpu.memory_space<vmem>>
      %dma_start3A_674 = tpu.memref_squeeze %dma_start3A_673 : memref<1x128xf32, #tpu.memory_space<vmem>> -> memref<128xf32, #tpu.memory_space<vmem>>
      %dma_start3A_675 = arith.constant 0 : i32
      %dma_start3A_676 = tpu.memref_slice %arg8[%scan3A_671, %dma_start3A_675] : memref<100x128xi32, #tpu.memory_space<vmem>> -> memref<1x128xi32, #tpu.memory_space<vmem>>
      %dma_start3A_677 = tpu.memref_squeeze %dma_start3A_676 : memref<1x128xi32, #tpu.memory_space<vmem>> -> memref<128xi32, #tpu.memory_space<vmem>>
      %dma_start3A_678 = arith.constant 0 : i32
      %dma_start3A_679 = tpu.memref_slice %arg13[%dma_start3A_678] : memref<1000001xf32, #tpu.memory_space<vmem_shared>> -> memref<1000001xf32, #tpu.memory_space<vmem_shared>>
      tpu.enqueue_indirect_dma source(%dma_start3A_679 : memref<1000001xf32, #tpu.memory_space<vmem_shared>>) target(%dma_start3A_674 : memref<128xf32, #tpu.memory_space<vmem>>) offsets(%dma_start3A_677 : memref<128xi32, #tpu.memory_space<vmem>>) semaphore(%arg19 : memref<!tpu.dma_semaphore, #tpu.memory_space<semaphore_mem>>)
      %scan3A_680 = arith.constant 2 : i32
      %scan3A_681 = arith.addi %scan3A_661, %scan3A_680 : i32
      %dma_start3A_682 = arith.constant 0 : i32
      %dma_start3A_683 = tpu.memref_slice %arg10[%scan3A_681, %dma_start3A_682] : memref<100x128xf32, #tpu.memory_space<vmem>> -> memref<1x128xf32, #tpu.memory_space<vmem>>
      %dma_start3A_684 = tpu.memref_squeeze %dma_start3A_683 : memref<1x128xf32, #tpu.memory_space<vmem>> -> memref<128xf32, #tpu.memory_space<vmem>>
      %dma_start3A_685 = arith.constant 0 : i32
      %dma_start3A_686 = tpu.memref_slice %arg8[%scan3A_681, %dma_start3A_685] : memref<100x128xi32, #tpu.memory_space<vmem>> -> memref<1x128xi32, #tpu.memory_space<vmem>>
      %dma_start3A_687 = tpu.memref_squeeze %dma_start3A_686 : memref<1x128xi32, #tpu.memory_space<vmem>> -> memref<128xi32, #tpu.memory_space<vmem>>
      %dma_start3A_688 = arith.constant 0 : i32
      %dma_start3A_689 = tpu.memref_slice %arg13[%dma_start3A_688] : memref<1000001xf32, #tpu.memory_space<vmem_shared>> -> memref<1000001xf32, #tpu.memory_space<vmem_shared>>
      tpu.enqueue_indirect_dma source(%dma_start3A_689 : memref<1000001xf32, #tpu.memory_space<vmem_shared>>) target(%dma_start3A_684 : memref<128xf32, #tpu.memory_space<vmem>>) offsets(%dma_start3A_687 : memref<128xi32, #tpu.memory_space<vmem>>) semaphore(%arg19 : memref<!tpu.dma_semaphore, #tpu.memory_space<semaphore_mem>>)
      %scan3A_690 = arith.constant 3 : i32
      %scan3A_691 = arith.addi %scan3A_661, %scan3A_690 : i32
      %dma_start3A_692 = arith.constant 0 : i32
      %dma_start3A_693 = tpu.memref_slice %arg10[%scan3A_691, %dma_start3A_692] : memref<100x128xf32, #tpu.memory_space<vmem>> -> memref<1x128xf32, #tpu.memory_space<vmem>>
      %dma_start3A_694 = tpu.memref_squeeze %dma_start3A_693 : memref<1x128xf32, #tpu.memory_space<vmem>> -> memref<128xf32, #tpu.memory_space<vmem>>
      %dma_start3A_695 = arith.constant 0 : i32
      %dma_start3A_696 = tpu.memref_slice %arg8[%scan3A_691, %dma_start3A_695] : memref<100x128xi32, #tpu.memory_space<vmem>> -> memref<1x128xi32, #tpu.memory_space<vmem>>
      %dma_start3A_697 = tpu.memref_squeeze %dma_start3A_696 : memref<1x128xi32, #tpu.memory_space<vmem>> -> memref<128xi32, #tpu.memory_space<vmem>>
      %dma_start3A_698 = arith.constant 0 : i32
      %dma_start3A_699 = tpu.memref_slice %arg13[%dma_start3A_698] : memref<1000001xf32, #tpu.memory_space<vmem_shared>> -> memref<1000001xf32, #tpu.memory_space<vmem_shared>>
      tpu.enqueue_indirect_dma source(%dma_start3A_699 : memref<1000001xf32, #tpu.memory_space<vmem_shared>>) target(%dma_start3A_694 : memref<128xf32, #tpu.memory_space<vmem>>) offsets(%dma_start3A_697 : memref<128xi32, #tpu.memory_space<vmem>>) semaphore(%arg19 : memref<!tpu.dma_semaphore, #tpu.memory_space<semaphore_mem>>)
      %scan3A_700 = arith.constant 4 : i32
      %scan3A_701 = arith.addi %scan3A_661, %scan3A_700 : i32
      %dma_start3A_702 = arith.constant 0 : i32
      %dma_start3A_703 = tpu.memref_slice %arg10[%scan3A_701, %dma_start3A_702] : memref<100x128xf32, #tpu.memory_space<vmem>> -> memref<1x128xf32, #tpu.memory_space<vmem>>
      %dma_start3A_704 = tpu.memref_squeeze %dma_start3A_703 : memref<1x128xf32, #tpu.memory_space<vmem>> -> memref<128xf32, #tpu.memory_space<vmem>>
      %dma_start3A_705 = arith.constant 0 : i32
      %dma_start3A_706 = tpu.memref_slice %arg8[%scan3A_701, %dma_start3A_705] : memref<100x128xi32, #tpu.memory_space<vmem>> -> memref<1x128xi32, #tpu.memory_space<vmem>>
      %dma_start3A_707 = tpu.memref_squeeze %dma_start3A_706 : memref<1x128xi32, #tpu.memory_space<vmem>> -> memref<128xi32, #tpu.memory_space<vmem>>
      %dma_start3A_708 = arith.constant 0 : i32
      %dma_start3A_709 = tpu.memref_slice %arg13[%dma_start3A_708] : memref<1000001xf32, #tpu.memory_space<vmem_shared>> -> memref<1000001xf32, #tpu.memory_space<vmem_shared>>
      tpu.enqueue_indirect_dma source(%dma_start3A_709 : memref<1000001xf32, #tpu.memory_space<vmem_shared>>) target(%dma_start3A_704 : memref<128xf32, #tpu.memory_space<vmem>>) offsets(%dma_start3A_707 : memref<128xi32, #tpu.memory_space<vmem>>) semaphore(%arg19 : memref<!tpu.dma_semaphore, #tpu.memory_space<semaphore_mem>>)
      %scan3A_710 = arith.constant 5 : i32
      %scan3A_711 = arith.addi %scan3A_661, %scan3A_710 : i32
      %dma_start3A_712 = arith.constant 0 : i32
      %dma_start3A_713 = tpu.memref_slice %arg10[%scan3A_711, %dma_start3A_712] : memref<100x128xf32, #tpu.memory_space<vmem>> -> memref<1x128xf32, #tpu.memory_space<vmem>>
      %dma_start3A_714 = tpu.memref_squeeze %dma_start3A_713 : memref<1x128xf32, #tpu.memory_space<vmem>> -> memref<128xf32, #tpu.memory_space<vmem>>
      %dma_start3A_715 = arith.constant 0 : i32
      %dma_start3A_716 = tpu.memref_slice %arg8[%scan3A_711, %dma_start3A_715] : memref<100x128xi32, #tpu.memory_space<vmem>> -> memref<1x128xi32, #tpu.memory_space<vmem>>
      %dma_start3A_717 = tpu.memref_squeeze %dma_start3A_716 : memref<1x128xi32, #tpu.memory_space<vmem>> -> memref<128xi32, #tpu.memory_space<vmem>>
      %dma_start3A_718 = arith.constant 0 : i32
      %dma_start3A_719 = tpu.memref_slice %arg13[%dma_start3A_718] : memref<1000001xf32, #tpu.memory_space<vmem_shared>> -> memref<1000001xf32, #tpu.memory_space<vmem_shared>>
      tpu.enqueue_indirect_dma source(%dma_start3A_719 : memref<1000001xf32, #tpu.memory_space<vmem_shared>>) target(%dma_start3A_714 : memref<128xf32, #tpu.memory_space<vmem>>) offsets(%dma_start3A_717 : memref<128xi32, #tpu.memory_space<vmem>>) semaphore(%arg19 : memref<!tpu.dma_semaphore, #tpu.memory_space<semaphore_mem>>)
      %scan3A_720 = arith.constant 6 : i32
      %scan3A_721 = arith.addi %scan3A_661, %scan3A_720 : i32
      %dma_start3A_722 = arith.constant 0 : i32
      %dma_start3A_723 = tpu.memref_slice %arg10[%scan3A_721, %dma_start3A_722] : memref<100x128xf32, #tpu.memory_space<vmem>> -> memref<1x128xf32, #tpu.memory_space<vmem>>
      %dma_start3A_724 = tpu.memref_squeeze %dma_start3A_723 : memref<1x128xf32, #tpu.memory_space<vmem>> -> memref<128xf32, #tpu.memory_space<vmem>>
      %dma_start3A_725 = arith.constant 0 : i32
      %dma_start3A_726 = tpu.memref_slice %arg8[%scan3A_721, %dma_start3A_725] : memref<100x128xi32, #tpu.memory_space<vmem>> -> memref<1x128xi32, #tpu.memory_space<vmem>>
      %dma_start3A_727 = tpu.memref_squeeze %dma_start3A_726 : memref<1x128xi32, #tpu.memory_space<vmem>> -> memref<128xi32, #tpu.memory_space<vmem>>
      %dma_start3A_728 = arith.constant 0 : i32
      %dma_start3A_729 = tpu.memref_slice %arg13[%dma_start3A_728] : memref<1000001xf32, #tpu.memory_space<vmem_shared>> -> memref<1000001xf32, #tpu.memory_space<vmem_shared>>
      tpu.enqueue_indirect_dma source(%dma_start3A_729 : memref<1000001xf32, #tpu.memory_space<vmem_shared>>) target(%dma_start3A_724 : memref<128xf32, #tpu.memory_space<vmem>>) offsets(%dma_start3A_727 : memref<128xi32, #tpu.memory_space<vmem>>) semaphore(%arg19 : memref<!tpu.dma_semaphore, #tpu.memory_space<semaphore_mem>>)
      %scan3A_730 = arith.constant 7 : i32
      %scan3A_731 = arith.addi %scan3A_661, %scan3A_730 : i32
      %dma_start3A_732 = arith.constant 0 : i32
      %dma_start3A_733 = tpu.memref_slice %arg10[%scan3A_731, %dma_start3A_732] : memref<100x128xf32, #tpu.memory_space<vmem>> -> memref<1x128xf32, #tpu.memory_space<vmem>>
      %dma_start3A_734 = tpu.memref_squeeze %dma_start3A_733 : memref<1x128xf32, #tpu.memory_space<vmem>> -> memref<128xf32, #tpu.memory_space<vmem>>
      %dma_start3A_735 = arith.constant 0 : i32
      %dma_start3A_736 = tpu.memref_slice %arg8[%scan3A_731, %dma_start3A_735] : memref<100x128xi32, #tpu.memory_space<vmem>> -> memref<1x128xi32, #tpu.memory_space<vmem>>
      %dma_start3A_737 = tpu.memref_squeeze %dma_start3A_736 : memref<1x128xi32, #tpu.memory_space<vmem>> -> memref<128xi32, #tpu.memory_space<vmem>>
      %dma_start3A_738 = arith.constant 0 : i32
      %dma_start3A_739 = tpu.memref_slice %arg13[%dma_start3A_738] : memref<1000001xf32, #tpu.memory_space<vmem_shared>> -> memref<1000001xf32, #tpu.memory_space<vmem_shared>>
      tpu.enqueue_indirect_dma source(%dma_start3A_739 : memref<1000001xf32, #tpu.memory_space<vmem_shared>>) target(%dma_start3A_734 : memref<128xf32, #tpu.memory_space<vmem>>) offsets(%dma_start3A_737 : memref<128xi32, #tpu.memory_space<vmem>>) semaphore(%arg19 : memref<!tpu.dma_semaphore, #tpu.memory_space<semaphore_mem>>)
    }
    %scan3A_560 = arith.constant 96 : i32
    %scan3A_561 = arith.addi %scan3A_556, %scan3A_560 : i32
    %dma_start3A_562 = arith.constant 0 : i32
    %dma_start3A_563 = tpu.memref_slice %arg10[%scan3A_561, %dma_start3A_562] : memref<100x128xf32, #tpu.memory_space<vmem>> -> memref<1x128xf32, #tpu.memory_space<vmem>>
    %dma_start3A_564 = tpu.memref_squeeze %dma_start3A_563 : memref<1x128xf32, #tpu.memory_space<vmem>> -> memref<128xf32, #tpu.memory_space<vmem>>
    %dma_start3A_565 = arith.constant 0 : i32
    %dma_start3A_566 = tpu.memref_slice %arg8[%scan3A_561, %dma_start3A_565] : memref<100x128xi32, #tpu.memory_space<vmem>> -> memref<1x128xi32, #tpu.memory_space<vmem>>
    %dma_start3A_567 = tpu.memref_squeeze %dma_start3A_566 : memref<1x128xi32, #tpu.memory_space<vmem>> -> memref<128xi32, #tpu.memory_space<vmem>>
    %dma_start3A_568 = arith.constant 0 : i32
    %dma_start3A_569 = tpu.memref_slice %arg13[%dma_start3A_568] : memref<1000001xf32, #tpu.memory_space<vmem_shared>> -> memref<1000001xf32, #tpu.memory_space<vmem_shared>>
    tpu.enqueue_indirect_dma source(%dma_start3A_569 : memref<1000001xf32, #tpu.memory_space<vmem_shared>>) target(%dma_start3A_564 : memref<128xf32, #tpu.memory_space<vmem>>) offsets(%dma_start3A_567 : memref<128xi32, #tpu.memory_space<vmem>>) semaphore(%arg19 : memref<!tpu.dma_semaphore, #tpu.memory_space<semaphore_mem>>)
    %scan3A_570 = arith.constant 97 : i32
    %scan3A_571 = arith.addi %scan3A_556, %scan3A_570 : i32
    %dma_start3A_572 = arith.constant 0 : i32
    %dma_start3A_573 = tpu.memref_slice %arg10[%scan3A_571, %dma_start3A_572] : memref<100x128xf32, #tpu.memory_space<vmem>> -> memref<1x128xf32, #tpu.memory_space<vmem>>
    %dma_start3A_574 = tpu.memref_squeeze %dma_start3A_573 : memref<1x128xf32, #tpu.memory_space<vmem>> -> memref<128xf32, #tpu.memory_space<vmem>>
    %dma_start3A_575 = arith.constant 0 : i32
    %dma_start3A_576 = tpu.memref_slice %arg8[%scan3A_571, %dma_start3A_575] : memref<100x128xi32, #tpu.memory_space<vmem>> -> memref<1x128xi32, #tpu.memory_space<vmem>>
    %dma_start3A_577 = tpu.memref_squeeze %dma_start3A_576 : memref<1x128xi32, #tpu.memory_space<vmem>> -> memref<128xi32, #tpu.memory_space<vmem>>
    %dma_start3A_578 = arith.constant 0 : i32
    %dma_start3A_579 = tpu.memref_slice %arg13[%dma_start3A_578] : memref<1000001xf32, #tpu.memory_space<vmem_shared>> -> memref<1000001xf32, #tpu.memory_space<vmem_shared>>
    tpu.enqueue_indirect_dma source(%dma_start3A_579 : memref<1000001xf32, #tpu.memory_space<vmem_shared>>) target(%dma_start3A_574 : memref<128xf32, #tpu.memory_space<vmem>>) offsets(%dma_start3A_577 : memref<128xi32, #tpu.memory_space<vmem>>) semaphore(%arg19 : memref<!tpu.dma_semaphore, #tpu.memory_space<semaphore_mem>>)
    %scan3A_580 = arith.constant 98 : i32
    %scan3A_581 = arith.addi %scan3A_556, %scan3A_580 : i32
    %dma_start3A_582 = arith.constant 0 : i32
    %dma_start3A_583 = tpu.memref_slice %arg10[%scan3A_581, %dma_start3A_582] : memref<100x128xf32, #tpu.memory_space<vmem>> -> memref<1x128xf32, #tpu.memory_space<vmem>>
    %dma_start3A_584 = tpu.memref_squeeze %dma_start3A_583 : memref<1x128xf32, #tpu.memory_space<vmem>> -> memref<128xf32, #tpu.memory_space<vmem>>
    %dma_start3A_585 = arith.constant 0 : i32
    %dma_start3A_586 = tpu.memref_slice %arg8[%scan3A_581, %dma_start3A_585] : memref<100x128xi32, #tpu.memory_space<vmem>> -> memref<1x128xi32, #tpu.memory_space<vmem>>
    %dma_start3A_587 = tpu.memref_squeeze %dma_start3A_586 : memref<1x128xi32, #tpu.memory_space<vmem>> -> memref<128xi32, #tpu.memory_space<vmem>>
    %dma_start3A_588 = arith.constant 0 : i32
    %dma_start3A_589 = tpu.memref_slice %arg13[%dma_start3A_588] : memref<1000001xf32, #tpu.memory_space<vmem_shared>> -> memref<1000001xf32, #tpu.memory_space<vmem_shared>>
    tpu.enqueue_indirect_dma source(%dma_start3A_589 : memref<1000001xf32, #tpu.memory_space<vmem_shared>>) target(%dma_start3A_584 : memref<128xf32, #tpu.memory_space<vmem>>) offsets(%dma_start3A_587 : memref<128xi32, #tpu.memory_space<vmem>>) semaphore(%arg19 : memref<!tpu.dma_semaphore, #tpu.memory_space<semaphore_mem>>)
    %scan3A_590 = arith.constant 99 : i32
    %scan3A_591 = arith.addi %scan3A_556, %scan3A_590 : i32
    %dma_start3A_592 = arith.constant 0 : i32
    %dma_start3A_593 = tpu.memref_slice %arg10[%scan3A_591, %dma_start3A_592] : memref<100x128xf32, #tpu.memory_space<vmem>> -> memref<1x128xf32, #tpu.memory_space<vmem>>
    %dma_start3A_594 = tpu.memref_squeeze %dma_start3A_593 : memref<1x128xf32, #tpu.memory_space<vmem>> -> memref<128xf32, #tpu.memory_space<vmem>>
    %dma_start3A_595 = arith.constant 0 : i32
    %dma_start3A_596 = tpu.memref_slice %arg8[%scan3A_591, %dma_start3A_595] : memref<100x128xi32, #tpu.memory_space<vmem>> -> memref<1x128xi32, #tpu.memory_space<vmem>>
    %dma_start3A_597 = tpu.memref_squeeze %dma_start3A_596 : memref<1x128xi32, #tpu.memory_space<vmem>> -> memref<128xi32, #tpu.memory_space<vmem>>
    %dma_start3A_598 = arith.constant 0 : i32
    %dma_start3A_599 = tpu.memref_slice %arg13[%dma_start3A_598] : memref<1000001xf32, #tpu.memory_space<vmem_shared>> -> memref<1000001xf32, #tpu.memory_space<vmem_shared>>
    tpu.enqueue_indirect_dma source(%dma_start3A_599 : memref<1000001xf32, #tpu.memory_space<vmem_shared>>) target(%dma_start3A_594 : memref<128xf32, #tpu.memory_space<vmem>>) offsets(%dma_start3A_597 : memref<128xi32, #tpu.memory_space<vmem>>) semaphore(%arg19 : memref<!tpu.dma_semaphore, #tpu.memory_space<semaphore_mem>>)
    %scan3A_600 = arith.constant 100 : i32
    %add3A_601 = arith.constant 384 : i32
    %add3A_602 = arith.addi %mul3A_2, %add3A_601 : i32
    %dma_wait3A_603 = arith.constant 0 : i32
    %dma_wait3A_604 = tpu.memref_slice %arg3[%dma_wait3A_603, %add3A_602] : memref<100x16384xf32, #tpu.memory_space<hbm>> -> memref<100x128xf32, #tpu.memory_space<hbm>>
    %dma_wait3A_605 = arith.constant 0 : i32
    %dma_wait3A_606 = tpu.memref_slice %arg3[%dma_wait3A_605, %add3A_602] : memref<100x16384xf32, #tpu.memory_space<hbm>> -> memref<100x128xf32, #tpu.memory_space<hbm>>
    tpu.wait_dma2 semaphore(%arg18 : memref<!tpu.dma_semaphore, #tpu.memory_space<semaphore_mem>>) src(%dma_wait3A_606 : memref<100x128xf32, #tpu.memory_space<hbm>>) dst(%arg9 : memref<100x128xf32, #tpu.memory_space<vmem>>)
    %broadcast_in_dim3A_607 = arith.constant 0.000000e+00 : f32
    "tpu.trace_stop"() : () -> ()
    "tpu.trace_start"() <{level = 10 : i32, message = "drain_compute"}> : () -> ()
    %broadcast_in_dim3A_608 = vector.broadcast %broadcast_in_dim3A_607 : f32 to vector<16xf32>
    %broadcast_in_dim3A_609 = arith.constant 0.000000e+00 : f32
    %broadcast_in_dim3A_610 = vector.broadcast %broadcast_in_dim3A_609 : f32 to vector<16xf32>
    %broadcast_in_dim3A_611 = arith.constant 0.000000e+00 : f32
    %broadcast_in_dim3A_612 = vector.broadcast %broadcast_in_dim3A_611 : f32 to vector<16xf32>
    %broadcast_in_dim3A_613 = arith.constant 0.000000e+00 : f32
    %broadcast_in_dim3A_614 = vector.broadcast %broadcast_in_dim3A_613 : f32 to vector<16xf32>
    %broadcast_in_dim3A_615 = arith.constant 0.000000e+00 : f32
    %broadcast_in_dim3A_616 = vector.broadcast %broadcast_in_dim3A_615 : f32 to vector<16xf32>
    %broadcast_in_dim3A_617 = arith.constant 0.000000e+00 : f32
    %broadcast_in_dim3A_618 = vector.broadcast %broadcast_in_dim3A_617 : f32 to vector<16xf32>
    %broadcast_in_dim3A_619 = arith.constant 0.000000e+00 : f32
    %broadcast_in_dim3A_620 = vector.broadcast %broadcast_in_dim3A_619 : f32 to vector<16xf32>
    %broadcast_in_dim3A_621 = arith.constant 0.000000e+00 : f32
    %broadcast_in_dim3A_622 = vector.broadcast %broadcast_in_dim3A_621 : f32 to vector<16xf32>
    %scan3A_623 = arith.constant 0 : i32
    %scan3A_624 = arith.constant 100 : i32
    %scan3A_625 = arith.addi %scan3A_623, %scan3A_624 : i32
    %scan3A_626 = arith.constant 2 : i32
    %scan3A_627:8 = scf.for %scan3A_661 = %scan3A_623 to %scan3A_625 step %scan3A_626 iter_args(%scan3A_662 = %broadcast_in_dim3A_608, %scan3A_663 = %broadcast_in_dim3A_610, %scan3A_664 = %broadcast_in_dim3A_612, %scan3A_665 = %broadcast_in_dim3A_614, %scan3A_666 = %broadcast_in_dim3A_616, %scan3A_667 = %broadcast_in_dim3A_618, %scan3A_668 = %broadcast_in_dim3A_620, %scan3A_669 = %broadcast_in_dim3A_622) -> (vector<16xf32>, vector<16xf32>, vector<16xf32>, vector<16xf32>, vector<16xf32>, vector<16xf32>, vector<16xf32>, vector<16xf32>)  : i32 {
      %dma_wait3A_670 = arith.constant 0 : i32
      %dma_wait3A_671 = tpu.memref_slice %arg10[%scan3A_661, %dma_wait3A_670] : memref<100x128xf32, #tpu.memory_space<vmem>> -> memref<1x128xf32, #tpu.memory_space<vmem>>
      %dma_wait3A_672 = tpu.memref_squeeze %dma_wait3A_671 : memref<1x128xf32, #tpu.memory_space<vmem>> -> memref<128xf32, #tpu.memory_space<vmem>>
      %dma_wait3A_673 = arith.constant 0 : i32
      %dma_wait3A_674 = tpu.memref_slice %arg8[%scan3A_661, %dma_wait3A_673] : memref<100x128xi32, #tpu.memory_space<vmem>> -> memref<1x128xi32, #tpu.memory_space<vmem>>
      %dma_wait3A_675 = tpu.memref_squeeze %dma_wait3A_674 : memref<1x128xi32, #tpu.memory_space<vmem>> -> memref<128xi32, #tpu.memory_space<vmem>>
      %dma_wait3A_676 = arith.constant 0 : i32
      %dma_wait3A_677 = tpu.memref_slice %arg13[%dma_wait3A_676] : memref<1000001xf32, #tpu.memory_space<vmem_shared>> -> memref<1000001xf32, #tpu.memory_space<vmem_shared>>
      tpu.wait_indirect_dma semaphore(%arg19 : memref<!tpu.dma_semaphore, #tpu.memory_space<semaphore_mem>>) src(%dma_wait3A_677 : memref<1000001xf32, #tpu.memory_space<vmem_shared>>) dst(%dma_wait3A_672 : memref<128xf32, #tpu.memory_space<vmem>>)
      %get3A_678 = arith.index_cast %scan3A_661 : i32 to index
      %get3A_679 = arith.constant 0 : index
      %get3A_680 = tpu.vector_load %arg10[%get3A_678, %get3A_679] {strides = array<i32>} : memref<100x128xf32, #tpu.memory_space<vmem>>, vector<16xf32>,
      %get3A_681 = arith.index_cast %scan3A_661 : i32 to index
      %get3A_682 = arith.constant 0 : index
      %get3A_683 = tpu.vector_load %arg9[%get3A_681, %get3A_682] {strides = array<i32>} : memref<100x128xf32, #tpu.memory_space<vmem>>, vector<16xf32>,
      %mul3A_684 = arith.mulf %get3A_680, %get3A_683 : vector<16xf32>
      %add3A_685 = arith.addf %scan3A_662, %mul3A_684 : vector<16xf32>
      %get3A_686 = arith.index_cast %scan3A_661 : i32 to index
      %get3A_687 = arith.constant 16 : index
      %get3A_688 = tpu.vector_load %arg10[%get3A_686, %get3A_687] {strides = array<i32>} : memref<100x128xf32, #tpu.memory_space<vmem>>, vector<16xf32>,
      %get3A_689 = arith.index_cast %scan3A_661 : i32 to index
      %get3A_690 = arith.constant 16 : index
      %get3A_691 = tpu.vector_load %arg9[%get3A_689, %get3A_690] {strides = array<i32>} : memref<100x128xf32, #tpu.memory_space<vmem>>, vector<16xf32>,
      %mul3A_692 = arith.mulf %get3A_688, %get3A_691 : vector<16xf32>
      %add3A_693 = arith.addf %scan3A_663, %mul3A_692 : vector<16xf32>
      %get3A_694 = arith.index_cast %scan3A_661 : i32 to index
      %get3A_695 = arith.constant 32 : index
      %get3A_696 = tpu.vector_load %arg10[%get3A_694, %get3A_695] {strides = array<i32>} : memref<100x128xf32, #tpu.memory_space<vmem>>, vector<16xf32>,
      %get3A_697 = arith.index_cast %scan3A_661 : i32 to index
      %get3A_698 = arith.constant 32 : index
      %get3A_699 = tpu.vector_load %arg9[%get3A_697, %get3A_698] {strides = array<i32>} : memref<100x128xf32, #tpu.memory_space<vmem>>, vector<16xf32>,
      %mul3A_700 = arith.mulf %get3A_696, %get3A_699 : vector<16xf32>
      %add3A_701 = arith.addf %scan3A_664, %mul3A_700 : vector<16xf32>
      %get3A_702 = arith.index_cast %scan3A_661 : i32 to index
      %get3A_703 = arith.constant 48 : index
      %get3A_704 = tpu.vector_load %arg10[%get3A_702, %get3A_703] {strides = array<i32>} : memref<100x128xf32, #tpu.memory_space<vmem>>, vector<16xf32>,
      %get3A_705 = arith.index_cast %scan3A_661 : i32 to index
      %get3A_706 = arith.constant 48 : index
      %get3A_707 = tpu.vector_load %arg9[%get3A_705, %get3A_706] {strides = array<i32>} : memref<100x128xf32, #tpu.memory_space<vmem>>, vector<16xf32>,
      %mul3A_708 = arith.mulf %get3A_704, %get3A_707 : vector<16xf32>
      %add3A_709 = arith.addf %scan3A_665, %mul3A_708 : vector<16xf32>
      %get3A_710 = arith.index_cast %scan3A_661 : i32 to index
      %get3A_711 = arith.constant 64 : index
      %get3A_712 = tpu.vector_load %arg10[%get3A_710, %get3A_711] {strides = array<i32>} : memref<100x128xf32, #tpu.memory_space<vmem>>, vector<16xf32>,
      %get3A_713 = arith.index_cast %scan3A_661 : i32 to index
      %get3A_714 = arith.constant 64 : index
      %get3A_715 = tpu.vector_load %arg9[%get3A_713, %get3A_714] {strides = array<i32>} : memref<100x128xf32, #tpu.memory_space<vmem>>, vector<16xf32>,
      %mul3A_716 = arith.mulf %get3A_712, %get3A_715 : vector<16xf32>
      %add3A_717 = arith.addf %scan3A_666, %mul3A_716 : vector<16xf32>
      %get3A_718 = arith.index_cast %scan3A_661 : i32 to index
      %get3A_719 = arith.constant 80 : index
      %get3A_720 = tpu.vector_load %arg10[%get3A_718, %get3A_719] {strides = array<i32>} : memref<100x128xf32, #tpu.memory_space<vmem>>, vector<16xf32>,
      %get3A_721 = arith.index_cast %scan3A_661 : i32 to index
      %get3A_722 = arith.constant 80 : index
      %get3A_723 = tpu.vector_load %arg9[%get3A_721, %get3A_722] {strides = array<i32>} : memref<100x128xf32, #tpu.memory_space<vmem>>, vector<16xf32>,
      %mul3A_724 = arith.mulf %get3A_720, %get3A_723 : vector<16xf32>
      %add3A_725 = arith.addf %scan3A_667, %mul3A_724 : vector<16xf32>
      %get3A_726 = arith.index_cast %scan3A_661 : i32 to index
      %get3A_727 = arith.constant 96 : index
      %get3A_728 = tpu.vector_load %arg10[%get3A_726, %get3A_727] {strides = array<i32>} : memref<100x128xf32, #tpu.memory_space<vmem>>, vector<16xf32>,
      %get3A_729 = arith.index_cast %scan3A_661 : i32 to index
      %get3A_730 = arith.constant 96 : index
      %get3A_731 = tpu.vector_load %arg9[%get3A_729, %get3A_730] {strides = array<i32>} : memref<100x128xf32, #tpu.memory_space<vmem>>, vector<16xf32>,
      %mul3A_732 = arith.mulf %get3A_728, %get3A_731 : vector<16xf32>
      %add3A_733 = arith.addf %scan3A_668, %mul3A_732 : vector<16xf32>
      %get3A_734 = arith.index_cast %scan3A_661 : i32 to index
      %get3A_735 = arith.constant 112 : index
      %get3A_736 = tpu.vector_load %arg10[%get3A_734, %get3A_735] {strides = array<i32>} : memref<100x128xf32, #tpu.memory_space<vmem>>, vector<16xf32>,
      %get3A_737 = arith.index_cast %scan3A_661 : i32 to index
      %get3A_738 = arith.constant 112 : index
      %get3A_739 = tpu.vector_load %arg9[%get3A_737, %get3A_738] {strides = array<i32>} : memref<100x128xf32, #tpu.memory_space<vmem>>, vector<16xf32>,
      %mul3A_740 = arith.mulf %get3A_736, %get3A_739 : vector<16xf32>
      %add3A_741 = arith.addf %scan3A_669, %mul3A_740 : vector<16xf32>
      %scan3A_742 = arith.constant 1 : i32
      %scan3A_743 = arith.addi %scan3A_661, %scan3A_742 : i32
      %dma_wait3A_744 = arith.constant 0 : i32
      %dma_wait3A_745 = tpu.memref_slice %arg10[%scan3A_743, %dma_wait3A_744] : memref<100x128xf32, #tpu.memory_space<vmem>> -> memref<1x128xf32, #tpu.memory_space<vmem>>
      %dma_wait3A_746 = tpu.memref_squeeze %dma_wait3A_745 : memref<1x128xf32, #tpu.memory_space<vmem>> -> memref<128xf32, #tpu.memory_space<vmem>>
      %dma_wait3A_747 = arith.constant 0 : i32
      %dma_wait3A_748 = tpu.memref_slice %arg8[%scan3A_743, %dma_wait3A_747] : memref<100x128xi32, #tpu.memory_space<vmem>> -> memref<1x128xi32, #tpu.memory_space<vmem>>
      %dma_wait3A_749 = tpu.memref_squeeze %dma_wait3A_748 : memref<1x128xi32, #tpu.memory_space<vmem>> -> memref<128xi32, #tpu.memory_space<vmem>>
      %dma_wait3A_750 = arith.constant 0 : i32
      %dma_wait3A_751 = tpu.memref_slice %arg13[%dma_wait3A_750] : memref<1000001xf32, #tpu.memory_space<vmem_shared>> -> memref<1000001xf32, #tpu.memory_space<vmem_shared>>
      tpu.wait_indirect_dma semaphore(%arg19 : memref<!tpu.dma_semaphore, #tpu.memory_space<semaphore_mem>>) src(%dma_wait3A_751 : memref<1000001xf32, #tpu.memory_space<vmem_shared>>) dst(%dma_wait3A_746 : memref<128xf32, #tpu.memory_space<vmem>>)
      %get3A_752 = arith.index_cast %scan3A_743 : i32 to index
      %get3A_753 = arith.constant 0 : index
      %get3A_754 = tpu.vector_load %arg10[%get3A_752, %get3A_753] {strides = array<i32>} : memref<100x128xf32, #tpu.memory_space<vmem>>, vector<16xf32>,
      %get3A_755 = arith.index_cast %scan3A_743 : i32 to index
      %get3A_756 = arith.constant 0 : index
      %get3A_757 = tpu.vector_load %arg9[%get3A_755, %get3A_756] {strides = array<i32>} : memref<100x128xf32, #tpu.memory_space<vmem>>, vector<16xf32>,
      %mul3A_758 = arith.mulf %get3A_754, %get3A_757 : vector<16xf32>
      %add3A_759 = arith.addf %add3A_685, %mul3A_758 : vector<16xf32>
      %get3A_760 = arith.index_cast %scan3A_743 : i32 to index
      %get3A_761 = arith.constant 16 : index
      %get3A_762 = tpu.vector_load %arg10[%get3A_760, %get3A_761] {strides = array<i32>} : memref<100x128xf32, #tpu.memory_space<vmem>>, vector<16xf32>,
      %get3A_763 = arith.index_cast %scan3A_743 : i32 to index
      %get3A_764 = arith.constant 16 : index
      %get3A_765 = tpu.vector_load %arg9[%get3A_763, %get3A_764] {strides = array<i32>} : memref<100x128xf32, #tpu.memory_space<vmem>>, vector<16xf32>,
      %mul3A_766 = arith.mulf %get3A_762, %get3A_765 : vector<16xf32>
      %add3A_767 = arith.addf %add3A_693, %mul3A_766 : vector<16xf32>
      %get3A_768 = arith.index_cast %scan3A_743 : i32 to index
      %get3A_769 = arith.constant 32 : index
      %get3A_770 = tpu.vector_load %arg10[%get3A_768, %get3A_769] {strides = array<i32>} : memref<100x128xf32, #tpu.memory_space<vmem>>, vector<16xf32>,
      %get3A_771 = arith.index_cast %scan3A_743 : i32 to index
      %get3A_772 = arith.constant 32 : index
      %get3A_773 = tpu.vector_load %arg9[%get3A_771, %get3A_772] {strides = array<i32>} : memref<100x128xf32, #tpu.memory_space<vmem>>, vector<16xf32>,
      %mul3A_774 = arith.mulf %get3A_770, %get3A_773 : vector<16xf32>
      %add3A_775 = arith.addf %add3A_701, %mul3A_774 : vector<16xf32>
      %get3A_776 = arith.index_cast %scan3A_743 : i32 to index
      %get3A_777 = arith.constant 48 : index
      %get3A_778 = tpu.vector_load %arg10[%get3A_776, %get3A_777] {strides = array<i32>} : memref<100x128xf32, #tpu.memory_space<vmem>>, vector<16xf32>,
      %get3A_779 = arith.index_cast %scan3A_743 : i32 to index
      %get3A_780 = arith.constant 48 : index
      %get3A_781 = tpu.vector_load %arg9[%get3A_779, %get3A_780] {strides = array<i32>} : memref<100x128xf32, #tpu.memory_space<vmem>>, vector<16xf32>,
      %mul3A_782 = arith.mulf %get3A_778, %get3A_781 : vector<16xf32>
      %add3A_783 = arith.addf %add3A_709, %mul3A_782 : vector<16xf32>
      %get3A_784 = arith.index_cast %scan3A_743 : i32 to index
      %get3A_785 = arith.constant 64 : index
      %get3A_786 = tpu.vector_load %arg10[%get3A_784, %get3A_785] {strides = array<i32>} : memref<100x128xf32, #tpu.memory_space<vmem>>, vector<16xf32>,
      %get3A_787 = arith.index_cast %scan3A_743 : i32 to index
      %get3A_788 = arith.constant 64 : index
      %get3A_789 = tpu.vector_load %arg9[%get3A_787, %get3A_788] {strides = array<i32>} : memref<100x128xf32, #tpu.memory_space<vmem>>, vector<16xf32>,
      %mul3A_790 = arith.mulf %get3A_786, %get3A_789 : vector<16xf32>
      %add3A_791 = arith.addf %add3A_717, %mul3A_790 : vector<16xf32>
      %get3A_792 = arith.index_cast %scan3A_743 : i32 to index
      %get3A_793 = arith.constant 80 : index
      %get3A_794 = tpu.vector_load %arg10[%get3A_792, %get3A_793] {strides = array<i32>} : memref<100x128xf32, #tpu.memory_space<vmem>>, vector<16xf32>,
      %get3A_795 = arith.index_cast %scan3A_743 : i32 to index
      %get3A_796 = arith.constant 80 : index
      %get3A_797 = tpu.vector_load %arg9[%get3A_795, %get3A_796] {strides = array<i32>} : memref<100x128xf32, #tpu.memory_space<vmem>>, vector<16xf32>,
      %mul3A_798 = arith.mulf %get3A_794, %get3A_797 : vector<16xf32>
      %add3A_799 = arith.addf %add3A_725, %mul3A_798 : vector<16xf32>
      %get3A_800 = arith.index_cast %scan3A_743 : i32 to index
      %get3A_801 = arith.constant 96 : index
      %get3A_802 = tpu.vector_load %arg10[%get3A_800, %get3A_801] {strides = array<i32>} : memref<100x128xf32, #tpu.memory_space<vmem>>, vector<16xf32>,
      %get3A_803 = arith.index_cast %scan3A_743 : i32 to index
      %get3A_804 = arith.constant 96 : index
      %get3A_805 = tpu.vector_load %arg9[%get3A_803, %get3A_804] {strides = array<i32>} : memref<100x128xf32, #tpu.memory_space<vmem>>, vector<16xf32>,
      %mul3A_806 = arith.mulf %get3A_802, %get3A_805 : vector<16xf32>
      %add3A_807 = arith.addf %add3A_733, %mul3A_806 : vector<16xf32>
      %get3A_808 = arith.index_cast %scan3A_743 : i32 to index
      %get3A_809 = arith.constant 112 : index
      %get3A_810 = tpu.vector_load %arg10[%get3A_808, %get3A_809] {strides = array<i32>} : memref<100x128xf32, #tpu.memory_space<vmem>>, vector<16xf32>,
      %get3A_811 = arith.index_cast %scan3A_743 : i32 to index
      %get3A_812 = arith.constant 112 : index
      %get3A_813 = tpu.vector_load %arg9[%get3A_811, %get3A_812] {strides = array<i32>} : memref<100x128xf32, #tpu.memory_space<vmem>>, vector<16xf32>,
      %mul3A_814 = arith.mulf %get3A_810, %get3A_813 : vector<16xf32>
      %add3A_815 = arith.addf %add3A_741, %mul3A_814 : vector<16xf32>
      scf.yield %add3A_759, %add3A_767, %add3A_775, %add3A_783, %add3A_791, %add3A_799, %add3A_807, %add3A_815 : vector<16xf32>, vector<16xf32>, vector<16xf32>, vector<16xf32>, vector<16xf32>, vector<16xf32>, vector<16xf32>, vector<16xf32>
    }
    %scan3A_628 = arith.constant 100 : i32
    %add3A_629 = vector.broadcast %squeeze3A : f32 to vector<16xf32>
    %add3A_630 = arith.addf %scan3A_627#0, %add3A_629 : vector<16xf32>
    %swap3A_631 = arith.constant 0 : index
    %swap3A_632 = tpu.vector_load %arg11[%swap3A_631] {strides = array<i32>} : memref<128xf32, #tpu.memory_space<vmem>>, vector<16xf32>,
    tpu.vector_store %arg11[%swap3A_631], %add3A_630 {strides = array<i32>} : memref<128xf32, #tpu.memory_space<vmem>>, vector<16xf32>,
    %add3A_633 = vector.broadcast %squeeze3A : f32 to vector<16xf32>
    %add3A_634 = arith.addf %scan3A_627#1, %add3A_633 : vector<16xf32>
    %swap3A_635 = arith.constant 16 : index
    %swap3A_636 = tpu.vector_load %arg11[%swap3A_635] {strides = array<i32>} : memref<128xf32, #tpu.memory_space<vmem>>, vector<16xf32>,
    tpu.vector_store %arg11[%swap3A_635], %add3A_634 {strides = array<i32>} : memref<128xf32, #tpu.memory_space<vmem>>, vector<16xf32>,
    %add3A_637 = vector.broadcast %squeeze3A : f32 to vector<16xf32>
    %add3A_638 = arith.addf %scan3A_627#2, %add3A_637 : vector<16xf32>
    %swap3A_639 = arith.constant 32 : index
    %swap3A_640 = tpu.vector_load %arg11[%swap3A_639] {strides = array<i32>} : memref<128xf32, #tpu.memory_space<vmem>>, vector<16xf32>,
    tpu.vector_store %arg11[%swap3A_639], %add3A_638 {strides = array<i32>} : memref<128xf32, #tpu.memory_space<vmem>>, vector<16xf32>,
    %add3A_641 = vector.broadcast %squeeze3A : f32 to vector<16xf32>
    %add3A_642 = arith.addf %scan3A_627#3, %add3A_641 : vector<16xf32>
    %swap3A_643 = arith.constant 48 : index
    %swap3A_644 = tpu.vector_load %arg11[%swap3A_643] {strides = array<i32>} : memref<128xf32, #tpu.memory_space<vmem>>, vector<16xf32>,
    tpu.vector_store %arg11[%swap3A_643], %add3A_642 {strides = array<i32>} : memref<128xf32, #tpu.memory_space<vmem>>, vector<16xf32>,
    %add3A_645 = vector.broadcast %squeeze3A : f32 to vector<16xf32>
    %add3A_646 = arith.addf %scan3A_627#4, %add3A_645 : vector<16xf32>
    %swap3A_647 = arith.constant 64 : index
    %swap3A_648 = tpu.vector_load %arg11[%swap3A_647] {strides = array<i32>} : memref<128xf32, #tpu.memory_space<vmem>>, vector<16xf32>,
    tpu.vector_store %arg11[%swap3A_647], %add3A_646 {strides = array<i32>} : memref<128xf32, #tpu.memory_space<vmem>>, vector<16xf32>,
    %add3A_649 = vector.broadcast %squeeze3A : f32 to vector<16xf32>
    %add3A_650 = arith.addf %scan3A_627#5, %add3A_649 : vector<16xf32>
    %swap3A_651 = arith.constant 80 : index
    %swap3A_652 = tpu.vector_load %arg11[%swap3A_651] {strides = array<i32>} : memref<128xf32, #tpu.memory_space<vmem>>, vector<16xf32>,
    tpu.vector_store %arg11[%swap3A_651], %add3A_650 {strides = array<i32>} : memref<128xf32, #tpu.memory_space<vmem>>, vector<16xf32>,
    %add3A_653 = vector.broadcast %squeeze3A : f32 to vector<16xf32>
    %add3A_654 = arith.addf %scan3A_627#6, %add3A_653 : vector<16xf32>
    %swap3A_655 = arith.constant 96 : index
    %swap3A_656 = tpu.vector_load %arg11[%swap3A_655] {strides = array<i32>} : memref<128xf32, #tpu.memory_space<vmem>>, vector<16xf32>,
    tpu.vector_store %arg11[%swap3A_655], %add3A_654 {strides = array<i32>} : memref<128xf32, #tpu.memory_space<vmem>>, vector<16xf32>,
    %add3A_657 = vector.broadcast %squeeze3A : f32 to vector<16xf32>
    %add3A_658 = arith.addf %scan3A_627#7, %add3A_657 : vector<16xf32>
    %swap3A_659 = arith.constant 112 : index
    %swap3A_660 = tpu.vector_load %arg11[%swap3A_659] {strides = array<i32>} : memref<128xf32, #tpu.memory_space<vmem>>, vector<16xf32>,
    tpu.vector_store %arg11[%swap3A_659], %add3A_658 {strides = array<i32>} : memref<128xf32, #tpu.memory_space<vmem>>, vector<16xf32>,
    "tpu.region"() ({
      %run_scoped3A = tpu.sem_alloc : memref<!tpu.dma_semaphore, #tpu.memory_space<semaphore_mem>>
      %dma_start3A_661 = tpu.memref_slice %arg6[%add3A_549] : memref<16384xf32, #tpu.memory_space<hbm>> -> memref<128xf32, #tpu.memory_space<hbm>>
      %dma_start3A_662 = tpu.memref_slice %arg6[%add3A_549] : memref<16384xf32, #tpu.memory_space<hbm>> -> memref<128xf32, #tpu.memory_space<hbm>>
      tpu.enqueue_dma source(%arg11 : memref<128xf32, #tpu.memory_space<vmem>>) target(%dma_start3A_662 : memref<128xf32, #tpu.memory_space<hbm>>) target_semaphore(%run_scoped3A : memref<!tpu.dma_semaphore, #tpu.memory_space<semaphore_mem>>)
      %dma_wait3A_663 = tpu.memref_slice %arg6[%add3A_549] : memref<16384xf32, #tpu.memory_space<hbm>> -> memref<128xf32, #tpu.memory_space<hbm>>
      %dma_wait3A_664 = tpu.memref_slice %arg6[%add3A_549] : memref<16384xf32, #tpu.memory_space<hbm>> -> memref<128xf32, #tpu.memory_space<hbm>>
      tpu.wait_dma2 semaphore(%run_scoped3A : memref<!tpu.dma_semaphore, #tpu.memory_space<semaphore_mem>>) src(%arg11 : memref<128xf32, #tpu.memory_space<vmem>>) dst(%dma_wait3A_664 : memref<128xf32, #tpu.memory_space<hbm>>)
      tpu.yield
    }) : () -> ()
    "tpu.trace_stop"() : () -> ()
    return
  }
}

</mosaic_0001>

<sc_bundles>
// kernel: kernel.3.cloned.1.call-start
scs
__scs_entry_jumppad:
0x0: {  	(pc) =	sbr.rel $0x88, $3  }
0x1: {  	(tag) =	ssettag $0x0;
	lr =	simm.s32 $0x1  }
0x2: {  	[smem:$0x3F9D] =	sst lr;
	_ =	strace $0xD0000000  }
0x3: {  	_ = 	snop  }
0x4: {  	_ = 	snop  }
0x5: {  	_ = 	snop  }
0x6: {  	_ = 	snop  }
0x7: {  	_ = 	snop  }
__scs_overlays_trampoline_lowered:
0x8: {  	[smem:$0x3FAC] =	sst s0  }
0x9: {  	[smem:$0x3FAD] =	sst s1  }
0xa: {  	[smem:$0x3FAE] =	sst s2  }
0xb: {  	[smem:$0x3FAF] =	sst s3  }
0xc: {  	[smem:$0x3FB0] =	sst s4  }
0xd: {  	[smem:$0x3FB1] =	sst s5  }
0xe: {  	[smem:$0x3FB2] =	sst s6  }
0xf: {  	[smem:$0x3FB3] =	sst s7  }
0x10: {  	[smem:$0x3FB4] =	sst s8  }
0x11: {  	[smem:$0x3FB5] =	sst s9;
	s0 =	simm.s32 @!p0 $0x0  }
0x12: {  	s1 =	sld [smem:$0x3F9B];
	s0 =	simm.s32 @p0 $0x1  }
0x13: {  	[smem:$0x3FB6] =	sst s0;
	s0 =	simm.s32 @!p1 $0x0  }
0x14: {  	s2 =	sld [smem:$0x3F9A];
	s0 =	simm.s32 @p1 $0x1  }
0x15: {  	[smem:$0x3FB7] =	sst s0;
	s0 =	simm.s32 @!p2 $0x0  }
0x16: {  	s3 =	sld [smem:$0x3FDB];
	s0 =	simm.s32 @p2 $0x1  }
0x17: {  	s4 =	simm.s32 $0x1BF5;
	[smem:$0x3FB9] =	sst s0  }
0x18: {  	s0 =	sld [smem:$0x3F9C];
	_ =	swait.ge [sflag:s4], $0x0  }
0x19: {  	s7 =	sld [smem:$0x3F9D]  }
0x1a: {  	s8 =	sadd.s32 $0xFFFFE003, lr  }
0x1b: {  	s9 =	sadd.s32 $0xFFFFFEF7, lr;
	s5 =	simm.s32 $0xFFFFFFFF;
	p2 =	slt.u32 s8, $0xFFFFF086  }
0x1c: {  	p1 =	slt.u32 s9, $0xF7A;
	s5 =	simm.s32 @!p2 $0x0  }
0x1d: {  	s5 =	simm.s32 @p1 $0x1;
	p0 =	seq.s32 s7, s2  }
0x1e: {  	s7 =	smul.u32 @!p0 $0xF7A, s2;
	p2 =	seq.s32 @!p0 s5, $0x0  }
0x1f: {  	s9 =	smul.u32 $0xF7A, s1;
	s8 =	simm.s32 @!p0 $0x1BF5;
	p2 =	por !p2, p0  }
0x20: {  	[sflag:s8] =	ssyncset.s32 @!p0 $0xFFFFF086;
	s6 =	sadd.s32 @!p0 s3, s7;
	s7 =	simm.s32 @!p0 $0x108  }
0x21: {  	s3 =	sadd.s32 s3, s9;
	s6 =	sadd.s32 @!p0 $0x88, s6;
	s7 =	simm.s32 @p2 $0x1082  }
0x22: {  	[simem:s7], [sflag:s8] =	dma.local @!p0 [hbm:s6], $0xF7A  }
0x23: {  	s9 =	sor.u32 $0xD0000000, s2;
	s6 =	simm.s32 $0x108;
	_ =	swait.ge @!p0 [sflag:s8], $0x0  }
0x24: {  	s3 =	sadd.s32 $0x88, s3;
	s6 =	simm.s32 @!p1 $0x1082;
	[sflag:s4] =	ssyncset.s32 $0xFFFFF086  }
0x25: {  	[simem:s6], [sflag:s4] =	dma.local [hbm:s3], $0xF7A  }
0x26: {  	[smem:$0x3F9D] =	sst s1;
	(tag) =	ssettag s2;
	_ =	strace s9  }
0x27: {  	s1 =	sld [smem:$0x3FAD]  }
0x28: {  	s2 =	sld [smem:$0x3FAE]  }
0x29: {  	s4 =	sld [smem:$0x3FB0]  }
0x2a: {  	p0 =	seq.s32 s5, $0x0;
	s5 =	sld [smem:$0x3FB1]  }
0x2b: {  	s6 =	sld [smem:$0x3FB2]  }
0x2c: {  	s7 =	sld [smem:$0x3FB3]  }
0x2d: {  	s3 =	simm.s32 $0x108;
	s8 =	sld [smem:$0x3FB4]  }
0x2e: {  	s3 =	simm.s32 @!p0 $0x1082;
	s9 =	sld [smem:$0x3FB5]  }
0x2f: {  	lr =	sadd.s32 s0, s3;
	s0 =	sld [smem:$0x3FAC]  }
0x30: {  	s3 =	sld [smem:$0x3FAF]  }
0x31: {  	[smem:$0x3FB8] =	sst s10  }
0x32: {  	s10 =	sld [smem:$0x3FB6];
	_ =	sdelay $0x3  }
0x33: {  	p0 =	seq.s32 s10, $0x1;
	s10 =	sld [smem:$0x3FB8];
	_ =	sdelay $0x3  }
0x34: {  	[smem:$0x3FB8] =	sst s10  }
0x35: {  	s10 =	sld [smem:$0x3FB7];
	_ =	sdelay $0x3  }
0x36: {  	p1 =	seq.s32 s10, $0x1;
	s10 =	sld [smem:$0x3FB8];
	_ =	sdelay $0x3  }
0x37: {  	[smem:$0x3FB8] =	sst s10  }
0x38: {  	s10 =	sld [smem:$0x3FB9]  }
0x39: {  	_ = 	snop;
	(pc) =	sbr.ind lr, $3  }
0x3a: {  	_ = 	snop  }
0x3b: {  	_ = 	snop  }
0x3c: {  	p2 =	seq.s32 s10, $0x1;
	s10 =	sld [smem:$0x3FB8]  }
0x3d: {  	_ =	shalt  }
0x3e: {  	_ =	shalt  }
0x3f: {  	_ =	shalt  }
0x40: {  	_ =	shalt  }
0x41: {  	_ =	shalt  }
0x42: {  	_ =	shalt  }
0x43: {  	_ =	shalt  }
0x44: {  	_ =	shalt  }
0x45: {  	_ =	shalt  }
0x46: {  	_ =	shalt  }
0x47: {  	_ =	shalt  }
0x48: {  	_ =	shalt  }
0x49: {  	_ =	shalt  }
0x4a: {  	_ =	shalt  }
0x4b: {  	_ =	shalt  }
0x4c: {  	_ =	shalt  }
0x4d: {  	_ =	shalt  }
0x4e: {  	_ =	shalt  }
0x4f: {  	_ =	shalt  }
0x50: {  	_ =	shalt  }
0x51: {  	_ =	shalt  }
0x52: {  	_ =	shalt  }
0x53: {  	_ =	shalt  }
0x54: {  	_ =	shalt  }
0x55: {  	_ =	shalt  }
0x56: {  	_ =	shalt  }
0x57: {  	_ =	shalt  }
0x58: {  	_ =	shalt  }
0x59: {  	_ =	shalt  }
0x5a: {  	_ =	shalt  }
0x5b: {  	_ =	shalt  }
0x5c: {  	_ =	shalt  }
0x5d: {  	_ =	shalt  }
0x5e: {  	_ =	shalt  }
0x5f: {  	_ =	shalt  }
0x60: {  	_ =	shalt  }
0x61: {  	_ =	shalt  }
0x62: {  	_ =	shalt  }
0x63: {  	_ =	shalt  }
0x64: {  	_ =	shalt  }
0x65: {  	_ =	shalt  }
0x66: {  	_ =	shalt  }
0x67: {  	_ =	shalt  }
0x68: {  	_ =	shalt  }
0x69: {  	_ =	shalt  }
0x6a: {  	_ =	shalt  }
0x6b: {  	_ =	shalt  }
0x6c: {  	_ =	shalt  }
0x6d: {  	_ =	shalt  }
0x6e: {  	_ =	shalt  }
0x6f: {  	_ =	shalt  }
0x70: {  	_ =	shalt  }
0x71: {  	_ =	shalt  }
0x72: {  	_ =	shalt  }
0x73: {  	_ =	shalt  }
0x74: {  	_ =	shalt  }
0x75: {  	_ =	shalt  }
0x76: {  	_ =	shalt  }
0x77: {  	_ =	shalt  }
0x78: {  	_ =	shalt  }
0x79: {  	_ =	shalt  }
0x7a: {  	_ =	shalt  }
0x7b: {  	_ =	shalt  }
0x7c: {  	_ =	shalt  }
0x7d: {  	_ =	shalt  }
0x7e: {  	_ =	shalt  }
0x7f: {  	_ =	shalt  }
0x80: {  	_ =	shalt  }
0x81: {  	_ =	shalt  }
0x82: {  	_ =	shalt  }
0x83: {  	_ =	shalt  }
0x84: {  	_ =	shalt  }
0x85: {  	_ =	shalt  }
0x86: {  	_ =	shalt  }
0x87: {  	_ =	shalt  }
.Lfunc_end0:
.L_simem_size_0:
called_computation_lowered:
.L_overlay_start_0:
0x88: {  	s2 =	sld [smem:$0x3FD9]  }
0x89: {  	s3 =	sld [smem:$0x3FFE];
	_ =	sdelay $0x1  }
0x8a: {  	s1 =	srdreg.scid  }
0x8b: {  	s0 =	sand.u32 $0x1, s1  }
0x8c: {  	s18 =	sshll.u32 s0, $0xA;
	s2 =	sadd.s32 s3, s2  }
0x8d: {  	s2 =	sadd.s32 s2, s18  }
0x8e: {  	[smem:$0x3FC4] =	sst s2  }
0x8f: {  	_ = 	snop  }
0x90: {  	s2 =	sld [smem:$0x3FC9]  }
0x91: {  	s19 =	sld [smem:$0x3FC8]  }
0x92: {  	s4 =	sld [smem:$0x3FC7]  }
0x93: {  	s5 =	sld [smem:$0x3FC6]  }
0x94: {  	s6 =	sld [smem:$0x3FD0];
	(tm) =	ssettm $0x1  }
0x95: {  	s7 =	sld [smem:$0x3FFB];
	_ =	sdelay $0x3  }
0x96: {  	_ =	strace s7  }
0x97: {  	s7 =	sld [smem:$0x3FFC];
	_ =	sdelay $0x3  }
0x98: {  	_ =	strace s7  }
0x99: {  	s7 =	sld [smem:$0x3FFD];
	_ =	sdelay $0x3  }
0x9a: {  	_ =	strace s7  }
0x9b: {  	_ =	strace $0x8FFFFFFF  }
0x9c: {  	s20 =	sld [smem:$0x3FDB];
	_ =	sdelay $0x1  }
0x9d: {  	s8 =	simm.s32 $_scs_section_size  }
0x9e: {  	s9 =	simm.s32 $_size__tile_overlayer_lowered;
	s10 =	simm.s32 $_tile_overlayer_lowered  }
0x9f: {  	s23 =	simm.s32 $0x1BFF;
	s22 =	sshll.u32 s10, $0x1;
	s7 =	sadd.s32 s8, s20  }
0xa0: {  	s11 =	simm.s32 $0x0;
	s21 =	sshll.u32 s9, $0x1;
	s9 =	sadd.s32 s22, s7  }
0xa1: {  	[timem:s11], [sflag:s23] =	dma.local [hbm:s9], s21  }
0xa2: {  	_ =	swait.ge [sflag:s23], s21  }
0xa3: {  	s8 =	ssub.s32 $0x0, s21;
	[sflag:s23] =	ssyncset.done $0x0  }
0xa4: {  	[sflag:s23] =	ssyncadd.s32 s8;
	_ =	sdelay $0x1  }
0xa5: {  	s24 =	simm.s32 $0x1B8B  }
0xa6: {  	_ =	swait.ge [sflag:s24], $0x1  }
0xa7: {  	[sflag:s24] =	ssyncset.done $0x0  }
0xa8: {  	s25 =	simm.s32 $0x1B8E;
	[sflag:s24] =	ssyncadd.s32 $0xFFFFFFFF  }
0xa9: {  	s26 =	simm.s32 $execute0_lowered;
	[smem:$0x3FD2] =	sst s25  }
0xaa: {  	s8 =	sshll.u32 s26, $0x1;
	_ =	strace $0x80000046;
	[dreg:$0x1] =	wrdreg $0xFFFFFFFF  }
0xab: {  	s28 =	simm.s32 $_size_execute0_lowered;
	s7 =	sadd.s32 s7, s8;
	[dreg:$0x0] =	wrdreg $0x0  }
0xac: {  	s8 =	sshll.u32 s28, $0x1;
	[dreg:$0x2] =	wrdreg s7  }
0xad: {  	[dreg:$0x3] =	wrdreg s8  }
0xae: {  	[dreg:$0x4] =	wrdreg $0xC0  }
0xaf: {  	_ =	task [dreg:s11], $0x5FFFF  }
0xb0: {  	[dreg:$0x1] =	wrdreg $0xFFFFFFFF  }
0xb1: {  	[dreg:$0x0] =	wrdreg $0x60  }
0xb2: {  	[dreg:$0x2] =	wrdreg s2  }
0xb3: {  	[dreg:$0x3] =	wrdreg s19  }
0xb4: {  	[dreg:$0x4] =	wrdreg s4  }
0xb5: {  	[dreg:$0x5] =	wrdreg s5  }
0xb6: {  	[dreg:$0x6] =	wrdreg s6  }
0xb7: {  	[dreg:$0x7] =	wrdreg $0xD1000  }
0xb8: {  	[dreg:$0x8] =	wrdreg $0x9  }
0xb9: {  	_ =	task.clear_ibuf [dreg:s11], $0x9FFFF;
	_ =	strace $0x90000046  }
0xba: {  	s29 =	simm.s32 $0x9;
	_ =	strace $0x80000055  }
0xbb: {  	_ =	swait.ge [sflag:s29], $0x1  }
0xbc: {  	[sflag:s29] =	ssyncadd.s32 $0xFFFFFFFF  }
0xbd: {  	_ =	strace $0x90000055  }
0xbe: {  	_ =	sfence  }
0xbf: {  	s30 =	sld [smem:$0x0];
	_ =	sdelay $0x2  }
0xc0: {  	s31 =	sshll.u32 s1, $0xD;
	s1 =	sshrl.u32 s1, $0x2  }
0xc1: {  	s3 =	sand.u32 $0x4000, s31;
	s1 =	sadd.s32 s1, s30  }
0xc2: {  	s0 =	sor.u32 s3, s0;
	s1 =	sshll.u32 s1, $0x11  }
0xc3: {  	s0 =	sor.u32 s1, s0  }
0xc4: {  	s0 =	sadd.s32 $0x8F2B, s0  }
0xc5: {  	[sflag:s0] =	ssyncadd.remote.s32 $0x1  }
0xc6: {  	_ =	sfence.sel $0xFFFF  }
0xc7: {  	[dreg:$0x0] =	wrdreg $0xFFFFFFFF;
	(pc) =	sbr.abs _section_cstart, $3  }
0xc8: {  	[dreg:$0x1] =	wrdreg $0xFFFFFFFF  }
0xc9: {  	_ =	task.clear_ibuf [dreg:s11], $0x2FFFF;
	_ =	strace $0x9FFFFFFF  }
0xca: {  	(tm) =	ssettm $0x7FFFFFFF  }
0xcb: {  	_ =	shalt  }
tec
execute0_lowered:
.L_overlay_start_1:
0x0: {  	(tag) =	ssettag $0x1  }
0x1: {  	s4 =	rddreg [dreg:$0x0]  }
0x2: {  	s5 =	rddreg [dreg:$0x1]  }
0x3: {  	s0 =	rddreg [dreg:$0x2]  }
0x4: {  	s6 =	rddreg [dreg:$0x4]  }
0x5: {  	s2 =	rddreg [dreg:$0x5]  }
0x6: {  	s1 =	srdreg.scid;
	s3 =	simm.s32 $0x0;
	s13 =	stileid.u32  }
0x7: {  	s28 =	simm.s32 $0x5;
	s29 =	simm.s32 $0x2;
	s31 =	simm.s32 $0x6400  }
0x8: {  	s30 =	simm.s32 $0xCD80;
	s7 =	sand.u32 $0x1, s1;
	[smem:$0x7FF] =	sst s3  }
0x9: {  	s14 =	sshll.u32 s13, $0xA;
	s15 =	smul.u32 $0x320, s13;
	s9 =	sor.u32 $0x10, s13  }
0xa: {  	s18 =	smul.u32 $0x6400, s13;
	p0 =	slt.u32 s13, $0xC;
	s1 =	ssub.s32 $0x2, s7  }
0xb: {  	_ =	strace $0x80000047;
	s7 =	sshll.u32 s7, $0x9;
	s16 =	smul.u32 $0x320, s9  }
0xc: {  	s9 =	smul.u32 $0x6400, s9;
	p1 =	sne.s32 @p0 s13, $0x0;
	s8 =	sshrl.u32 s1, $0x1  }
0xd: {  	s7 =	sor.u32 s7, s14;
	s24 =	sshrl.u32 s18, $0x2;
	p1 =	por p1, !p0  }
0xe: {  	s1 =	ssub.s32 s1, s8;
	s10 =	sadd.s32 s4, s7;
	s11 =	sshrl.u32 s7, $0x7  }
0xf: {  	s12 =	sadd.s32 s5, s7;
	s8 =	sadd.s32 s0, s15;
	[dreg:$0x7] =	wrdreg s10  }
0x10: {  	s15 =	sor.u32 $0x20, s13;
	s7 =	sshrl.u32 s7, $0x3;
	[dreg:$0x8] =	wrdreg s12  }
0x11: {  	[dreg:$0x9] =	wrdreg s8;
	s17 =	sor.u32 $0x1, s11;
	s10 =	sadd.s32 s0, s16  }
0x12: {  	s16 =	sor.u32 $0x2, s11;
	s11 =	sor.u32 $0x3, s11;
	s23 =	smul.u32 $0x320, s15  }
0x13: {  	s7 =	sadd.s32 s6, s7;
	[dreg:$0xa] =	wrdreg s10;
	s19 =	sshll.u32 s17, $0x7  }
0x14: {  	s20 =	sshll.u32 s16, $0x7;
	s22 =	sshll.u32 s11, $0x7;
	[dreg:$0x10] =	wrdreg s7  }
0x15: {  	s25 =	sshll.u32 s17, $0x4;
	s26 =	sshll.u32 s16, $0x4;
	s10 =	sshll.u32 s11, $0x4  }
0x16: {  	s11 =	sor.u32 $0x30, s13;
	s16 =	sshrl.u32 s9, $0x2;
	s17 =	sor.u32 $0x40, s13  }
0x17: {  	s14 =	sadd.s32 s4, s19;
	s12 =	sadd.s32 s5, s19;
	s21 =	sadd.s32 s4, s20  }
0x18: {  	s4 =	sadd.s32 s4, s22;
	s7 =	sadd.s32 s6, s25;
	[dreg:$0xb] =	wrdreg s14  }
0x19: {  	s8 =	sadd.s32 s6, s26;
	s6 =	sadd.s32 s6, s10;
	[dreg:$0xc] =	wrdreg s12  }
0x1a: {  	s18 =	smul.u32 $0x320, s17;
	s25 =	sor.u32 $0x60, s13;
	[dreg:$0xd] =	wrdreg s21  }
0x1b: {  	s10 =	sor.u32 $0x70, s13;
	[dreg:$0x13] =	wrdreg s6;
	s6 =	smul.u32 $0x6400, s11  }
0x1c: {  	s12 =	sadd.s32 s5, s20;
	[dreg:$0xf] =	wrdreg s4;
	s20 =	smul.u32 $0x6400, s17  }
0x1d: {  	s14 =	sadd.s32 s5, s22;
	[dreg:$0x11] =	wrdreg s7;
	s26 =	smul.u32 $0x320, s25  }
0x1e: {  	[dreg:$0x12] =	wrdreg s8;
	s5 =	sadd.s32 s24, s2;
	s9 =	smul.u32 $0x6400, s25  }
0x1f: {  	s4 =	sadd.s32 s0, s23;
	[dreg:$0xe] =	wrdreg s12;
	s12 =	smul.u32 $0x6400, s15  }
0x20: {  	s21 =	sor.u32 $0x50, s13;
	s25 =	smax.u32 s1, $0x1;
	s15 =	smul.u32 $0x320, s11  }
0x21: {  	s1 =	simm.s32 $0xCC80;
	[dreg:$0x14] =	wrdreg s5;
	s22 =	smul.u32 $0x320, s21  }
0x22: {  	[dreg:$0x15] =	wrdreg s4;
	s5 =	sadd.s32 s16, s2;
	s24 =	smul.u32 $0x6400, s21  }
0x23: {  	s11 =	smul.u32 $0x320, s10;
	s16 =	sor.u32 $0x80, s13;
	[smem:$0x7FC] =	sst s25  }
0x24: {  	s25 =	simm.s32 $0x1DE28;
	s7 =	sshrl.u32 s20, $0x2;
	s17 =	smul.u32 $0x320, s16  }
0x25: {  	s20 =	sor.u32 $0x90, s13;
	s4 =	sadd.s32 s0, s15;
	s15 =	smul.u32 $0x6400, s10  }
0x26: {  	[dreg:$0x16] =	wrdreg s5;
	s23 =	sshrl.u32 s6, $0x2;
	s21 =	smul.u32 $0x6400, s20  }
0x27: {  	s19 =	sshrl.u32 s12, $0x2;
	s12 =	sshrl.u32 s24, $0x2;
	s8 =	smul.u32 $0x320, s20  }
0x28: {  	s20 =	simm.s32 $0x20000;
	[dreg:$0x17] =	wrdreg s4;
	s5 =	sadd.s32 s19, s2  }
0x29: {  	s4 =	sadd.s32 s0, s18;
	s18 =	sshrl.u32 s9, $0x2;
	[dreg:$0x18] =	wrdreg s5  }
0x2a: {  	s19 =	smul.u32 $0x6400, s16;
	s16 =	simm.s32 $0x3;
	[dreg:$0x19] =	wrdreg s4  }
0x2b: {  	s5 =	sadd.s32 s23, s2;
	s4 =	sadd.s32 s0, s22;
	s22 =	sshrl.u32 s15, $0x2  }
0x2c: {  	s24 =	sadd.s32 s0, s8;
	s8 =	simm.s32 $0xCD00;
	[dreg:$0x1a] =	wrdreg s5  }
0x2d: {  	s15 =	simm.s32 $0x4;
	[dreg:$0x1b] =	wrdreg s4;
	s5 =	sadd.s32 s7, s2  }
0x2e: {  	s4 =	sadd.s32 s0, s26;
	s23 =	sshrl.u32 s19, $0x2;
	[smem:$0x7F9] =	sst s24  }
0x2f: {  	s26 =	sadd.s32 $0xF3C00, s2;
	s19 =	simm.s32 $0x400;
	[dreg:$0x1c] =	wrdreg s5  }
0x30: {  	s24 =	simm.s32 $0x1C528;
	[dreg:$0x1d] =	wrdreg s4;
	s5 =	sadd.s32 s12, s2  }
0x31: {  	s4 =	sadd.s32 s0, s11;
	s7 =	sadd.s32 s23, s2;
	[smem:$0x7FD] =	sst s26  }
0x32: {  	s23 =	simm.s32 $0x9800;
	s26 =	simm.s32 $0x1;
	[dreg:$0x1e] =	wrdreg s5  }
0x33: {  	[dreg:$0x1f] =	wrdreg s4;
	s5 =	sadd.s32 s18, s2;
	s4 =	sadd.s32 s0, s17  }
0x34: {  	s0 =	sadd.s32 $0x1E780, s0;
	s17 =	simm.s32 $0xD000;
	[smem:$0x7F6] =	sst s5  }
0x35: {  	s18 =	simm.s32 $0x0;
	[smem:$0x7F7] =	sst s4;
	s5 =	sadd.s32 s22, s2  }
0x36: {  	s4 =	sshrl.u32 s21, $0x2;
	[smem:$0x7FB] =	sst s0;
	s21 =	simm.s32 $0x3000  }
0x37: {  	s22 =	simm.s32 $0x6800;
	[smem:$0x7F8] =	sst s5;
	s4 =	sadd.s32 s4, s2  }
0x38: {  	s0 =	simm.s32 $0x80;
	[smem:$0x7FA] =	sst s4;
	s4 =	simm.s32 $0xCC00  }
.LBB2_1:
0x39: {  	_ =	strace $0x80000048  }
0x3a: {  	s5 =	rddreg [dreg:$0x7]  }
0x3b: {  	[tilespmem:s3], [sflag:$0x2] =	stream.strided.gather [hbm4b:s5+s19], $0x3000, s20, s19, $0x200038;
	[tilespmem:$0x1F728] =	vst v63  }
0x3c: {  	s5 =	sadd.s32 $0x30000, s5  }
0x3d: {  	[tilespmem:s21], [sflag:$0x2] =	stream.linear.gather [hbm4b:s5+s3], $0x200, $0x200038;
	[tilespmem:$0x1F728] =	vst v63  }
0x3e: {  	s9 =	rddreg [dreg:$0x8]  }
0x3f: {  	[tilespmem:s22], [sflag:$0x3] =	stream.strided.gather [hbm4b:s9+s19], $0x3000, s20, s19, $0x200038;
	[tilespmem:$0x1F728] =	vst v63  }
0x40: {  	s5 =	sadd.s32 $0x30000, s9  }
0x41: {  	[tilespmem:s23], [sflag:$0x3] =	stream.linear.gather [hbm4b:s5+s3], $0x200, $0x200038;
	[tilespmem:$0x1F728] =	vst v63  }
0x42: {  	s10 =	rddreg [dreg:$0x9]  }
0x43: {  	[tilespmem:s24], [sflag:$0x1] =	stream.linear.gather [hbm4b:s10+s3], $0x1900, $0x200038;
	[tilespmem:$0x1F728] =	vst v63  }
0x44: {  	s11 =	rddreg [dreg:$0xa]  }
0x45: {  	[tilespmem:s25], [sflag:$0x1] =	stream.linear.gather [hbm4b:s11+s3], $0x1900, $0x200038;
	[tilespmem:$0x1F728] =	vst v63  }
0x46: {  	_ =	swait.ge [sflag:s26], $0x1900  }
0x47: {  	[sflag:s26] =	ssyncset.done $0x0  }
0x48: {  	s12 =	rddreg [dreg:$0x14];
	[sflag:s26] =	ssyncadd.s32 $0xFFFFE700  }
0x49: {  	[spmem:s12] =	stream.linear.scatter [tilespmem:s24], [sflag:$0x5], $0x1900, $0x200038;
	[tilespmem:$0x1F728] =	vst v63  }
0x4a: {  	_ =	swait.ge [sflag:s28], $0x1900  }
0x4b: {  	[sflag:s28] =	ssyncset.done $0x0  }
0x4c: {  	s13 =	rddreg [dreg:$0x15];
	[sflag:s28] =	ssyncadd.s32 $0xFFFFE700  }
0x4d: {  	[tilespmem:s24], [sflag:$0x1] =	stream.linear.gather [hbm4b:s13+s3], $0x1900, $0x200038;
	[tilespmem:$0x1F728] =	vst v63  }
0x4e: {  	_ =	swait.ge [sflag:s26], $0x1900  }
0x4f: {  	[sflag:s26] =	ssyncset.done $0x0  }
0x50: {  	s6 =	rddreg [dreg:$0x16];
	[sflag:s26] =	ssyncadd.s32 $0xFFFFE700  }
0x51: {  	[spmem:s6] =	stream.linear.scatter [tilespmem:s25], [sflag:$0x5], $0x1900, $0x200038;
	[tilespmem:$0x1F728] =	vst v63  }
0x52: {  	_ =	swait.ge [sflag:s28], $0x1900  }
0x53: {  	[sflag:s28] =	ssyncset.done $0x0  }
0x54: {  	s9 =	rddreg [dreg:$0x17];
	[sflag:s28] =	ssyncadd.s32 $0xFFFFE700  }
0x55: {  	[tilespmem:s25], [sflag:$0x1] =	stream.linear.gather [hbm4b:s9+s3], $0x1900, $0x200038;
	[tilespmem:$0x1F728] =	vst v63  }
0x56: {  	_ =	swait.ge [sflag:s26], $0x1900  }
0x57: {  	[sflag:s26] =	ssyncset.done $0x0  }
0x58: {  	s10 =	rddreg [dreg:$0x18];
	[sflag:s26] =	ssyncadd.s32 $0xFFFFE700  }
0x59: {  	[spmem:s10] =	stream.linear.scatter [tilespmem:s24], [sflag:$0x5], $0x1900, $0x200038;
	[tilespmem:$0x1F728] =	vst v63  }
0x5a: {  	_ =	swait.ge [sflag:s28], $0x1900  }
0x5b: {  	[sflag:s28] =	ssyncset.done $0x0  }
0x5c: {  	s11 =	rddreg [dreg:$0x19];
	[sflag:s28] =	ssyncadd.s32 $0xFFFFE700  }
0x5d: {  	[tilespmem:s24], [sflag:$0x1] =	stream.linear.gather [hbm4b:s11+s3], $0x1900, $0x200038;
	[tilespmem:$0x1F728] =	vst v63  }
0x5e: {  	_ =	swait.ge [sflag:s26], $0x1900  }
0x5f: {  	[sflag:s26] =	ssyncset.done $0x0  }
0x60: {  	s12 =	rddreg [dreg:$0x1a];
	[sflag:s26] =	ssyncadd.s32 $0xFFFFE700  }
0x61: {  	[spmem:s12] =	stream.linear.scatter [tilespmem:s25], [sflag:$0x5], $0x1900, $0x200038;
	[tilespmem:$0x1F728] =	vst v63  }
0x62: {  	_ =	swait.ge [sflag:s28], $0x1900  }
0x63: {  	[sflag:s28] =	ssyncset.done $0x0  }
0x64: {  	s13 =	rddreg [dreg:$0x1b];
	[sflag:s28] =	ssyncadd.s32 $0xFFFFE700  }
0x65: {  	[tilespmem:s25], [sflag:$0x1] =	stream.linear.gather [hbm4b:s13+s3], $0x1900, $0x200038;
	[tilespmem:$0x1F728] =	vst v63  }
0x66: {  	_ =	swait.ge [sflag:s26], $0x1900  }
0x67: {  	[sflag:s26] =	ssyncset.done $0x0  }
0x68: {  	s6 =	rddreg [dreg:$0x1c];
	[sflag:s26] =	ssyncadd.s32 $0xFFFFE700  }
0x69: {  	[spmem:s6] =	stream.linear.scatter [tilespmem:s24], [sflag:$0x5], $0x1900, $0x200038;
	[tilespmem:$0x1F728] =	vst v63  }
0x6a: {  	_ =	swait.ge [sflag:s28], $0x1900  }
0x6b: {  	[sflag:s28] =	ssyncset.done $0x0  }
0x6c: {  	s9 =	rddreg [dreg:$0x1d];
	[sflag:s28] =	ssyncadd.s32 $0xFFFFE700  }
0x6d: {  	[tilespmem:s24], [sflag:$0x1] =	stream.linear.gather [hbm4b:s9+s3], $0x1900, $0x200038;
	[tilespmem:$0x1F728] =	vst v63  }
0x6e: {  	_ =	swait.ge [sflag:s26], $0x1900  }
0x6f: {  	[sflag:s26] =	ssyncset.done $0x0  }
0x70: {  	s10 =	rddreg [dreg:$0x1e];
	[sflag:s26] =	ssyncadd.s32 $0xFFFFE700  }
0x71: {  	[spmem:s10] =	stream.linear.scatter [tilespmem:s25], [sflag:$0x5], $0x1900, $0x200038;
	[tilespmem:$0x1F728] =	vst v63  }
0x72: {  	_ =	swait.ge [sflag:s28], $0x1900  }
0x73: {  	[sflag:s28] =	ssyncset.done $0x0  }
0x74: {  	s11 =	rddreg [dreg:$0x1f];
	[sflag:s28] =	ssyncadd.s32 $0xFFFFE700  }
0x75: {  	[tilespmem:s25], [sflag:$0x1] =	stream.linear.gather [hbm4b:s11+s3], $0x1900, $0x200038;
	[tilespmem:$0x1F728] =	vst v63  }
0x76: {  	_ =	swait.ge [sflag:s26], $0x1900  }
0x77: {  	s12 =	sld [smem:$0x7F6]  }
0x78: {  	[sflag:s26] =	ssyncset.done $0x0  }
0x79: {  	[sflag:s26] =	ssyncadd.s32 $0xFFFFE700  }
0x7a: {  	[spmem:s12] =	stream.linear.scatter [tilespmem:s24], [sflag:$0x5], $0x1900, $0x200038;
	[tilespmem:$0x1F728] =	vst v63  }
0x7b: {  	_ =	swait.ge [sflag:s28], $0x1900  }
0x7c: {  	s13 =	sld [smem:$0x7F7]  }
0x7d: {  	[sflag:s28] =	ssyncset.done $0x0  }
0x7e: {  	[sflag:s28] =	ssyncadd.s32 $0xFFFFE700  }
0x7f: {  	[tilespmem:s24], [sflag:$0x1] =	stream.linear.gather [hbm4b:s13+s3], $0x1900, $0x200038;
	[tilespmem:$0x1F728] =	vst v63  }
0x80: {  	_ =	swait.ge [sflag:s26], $0x1900  }
0x81: {  	s6 =	sld [smem:$0x7F8]  }
0x82: {  	[sflag:s26] =	ssyncset.done $0x0  }
0x83: {  	[sflag:s26] =	ssyncadd.s32 $0xFFFFE700  }
0x84: {  	[spmem:s6] =	stream.linear.scatter [tilespmem:s25], [sflag:$0x5], $0x1900, $0x200038;
	[tilespmem:$0x1F728] =	vst v63  }
0x85: {  	_ =	swait.ge [sflag:s28], $0x1900  }
0x86: {  	s9 =	sld [smem:$0x7F9]  }
0x87: {  	[sflag:s28] =	ssyncset.done $0x0  }
0x88: {  	s5 =	simm.s32 @p0 $0x0;
	s6 =	simm.s32 @p0 $0x1DE28;
	[sflag:s28] =	ssyncadd.s32 $0xFFFFE700  }
0x89: {  	[tilespmem:s6], [sflag:$0x1] =	stream.linear.gather @p0 [hbm4b:s9+s5], $0x1900, $0x200038;
	[tilespmem:$0x1F728] =	vst v63  }
0x8a: {  	s5 =	simm.s32 @p0 $0x1  }
0x8b: {  	_ =	swait.ge @p0 [sflag:s5], $0x1900  }
0x8c: {  	[sflag:s5] =	ssyncset.done @p0 $0x0  }
0x8d: {  	s9 =	simm.s32 @p0 $0x1C528;
	[sflag:s5] =	ssyncadd.s32 @p0 $0xFFFFE700  }
0x8e: {  	[spmem:s7] =	stream.linear.scatter @p0 [tilespmem:s9], [sflag:$0x5], $0x1900, $0x200038;
	[tilespmem:$0x1F728] =	vst v63  }
0x8f: {  	s9 =	simm.s32 @p0 $0x5  }
0x90: {  	_ =	swait.ge @p0 [sflag:s9], $0x1900  }
0x91: {  	[sflag:s9] =	ssyncset.done @p0 $0x0  }
0x92: {  	[sflag:s9] =	ssyncadd.s32 @p0 $0xFFFFE700  }
0x93: {  	_ =	swait.ge @p0 [sflag:s5], $0x1900  }
0x94: {  	[sflag:s5] =	ssyncset.done @p0 $0x0  }
0x95: {  	[sflag:s5] =	ssyncadd.s32 @p0 $0xFFFFE700;
	s5 =	sld [smem:$0x7FA];
	_ =	sdelay $0x2  }
0x96: {  	[spmem:s5] =	stream.linear.scatter @p0 [tilespmem:s6], [sflag:$0x5], $0x1900, $0x200038;
	[tilespmem:$0x1F728] =	vst v63  }
0x97: {  	_ =	swait.ge @p0 [sflag:s9], $0x1900  }
0x98: {  	[sflag:s9] =	ssyncset.done @p0 $0x0  }
0x99: {  	[sflag:s9] =	ssyncadd.s32 @p0 $0xFFFFE700;
	s9 =	sld [smem:$0x7FB];
	_ =	sdelay $0x1  }
0x9a: {  	s5 =	simm.s32 @!p1 $0x0;
	s6 =	simm.s32 @!p1 $0x1C528  }
0x9b: {  	[tilespmem:s6], [sflag:$0x5] =	stream.linear.gather @!p1 [hbm4b:s9+s5], $0x641, $0x200038;
	[tilespmem:$0x1F728] =	vst v63  }
0x9c: {  	s5 =	simm.s32 @!p1 $0x5  }
0x9d: {  	_ =	swait.ge @!p1 [sflag:s5], $0x641  }
0x9e: {  	s9 =	sld [smem:$0x7FD]  }
0x9f: {  	[sflag:s5] =	ssyncset.done @!p1 $0x0  }
0xa0: {  	[sflag:s5] =	ssyncadd.s32 @!p1 $0xFFFFF9BF  }
0xa1: {  	[spmem:s9] =	stream.linear.scatter @!p1 [tilespmem:s6], [sflag:$0x5], $0x641, $0x200038;
	[tilespmem:$0x1F728] =	vst v63  }
0xa2: {  	_ =	swait.ge @!p1 [sflag:s5], $0x641  }
0xa3: {  	[sflag:s5] =	ssyncset.done @!p1 $0x0  }
0xa4: {  	[sflag:s5] =	ssyncadd.s32 @!p1 $0xFFFFF9BF;
	s5 =	simm.s32 @!p0 $0x1  }
0xa5: {  	_ =	swait.ge @!p0 [sflag:s5], $0x1900  }
0xa6: {  	[sflag:s5] =	ssyncset.done @!p0 $0x0  }
0xa7: {  	[sflag:s5] =	ssyncadd.s32 @!p0 $0xFFFFE700;
	s5 =	simm.s32 @!p0 $0x1C528  }
0xa8: {  	[spmem:s7] =	stream.linear.scatter @!p0 [tilespmem:s5], [sflag:$0x5], $0x1900, $0x200038;
	[tilespmem:$0x1F728] =	vst v63  }
0xa9: {  	s5 =	simm.s32 @!p0 $0x5  }
0xaa: {  	_ =	swait.ge @!p0 [sflag:s5], $0x1900  }
0xab: {  	[sflag:s5] =	ssyncset.done @!p0 $0x0  }
0xac: {  	[sflag:s5] =	ssyncadd.s32 @!p0 $0xFFFFE700  }
0xad: {  	s9 =	simm.s32 $0xD080;
	s5 =	rddreg [dreg:$0x3]  }
0xae: {  	[tilespmem:s9], [sflag:$0x5] =	stream.linear.gather [hbm4b:s5+s3], $0x1, $0x200038;
	[tilespmem:$0x1F728] =	vst v63  }
0xaf: {  	_ =	swait.ge [sflag:s28], $0x1  }
0xb0: {  	[sflag:s28] =	ssyncset.done $0x0  }
0xb1: {  	[sflag:s28] =	ssyncadd.s32 $0xFFFFFFFF  }
0xb2: {  	[bflag:$0x0] =	sbarrier.arrive $0xFFFF  }
0xb3: {  	_ =	strace $0x90000048  }
0xb4: {  	v0 =	vld [tilespmem:$0xD080];
	_ =	strace $0x80000049  }
0xb5: {  	_ =	swait.ge [sflag:s29], $0x3200  }
0xb6: {  	[sflag:s29] =	ssyncset.done $0x0  }
0xb7: {  	s11 =	simm.s32 $0x3400;
	s10 =	rddreg [dreg:$0xb];
	[sflag:s29] =	ssyncadd.s32 $0xFFFFCE00  }
0xb8: {  	[tilespmem:s11], [sflag:$0x2] =	stream.strided.gather [hbm4b:s10+s19], $0x3000, s20, s19, $0x200038;
	[tilespmem:$0x1F728] =	vst v63  }
0xb9: {  	s5 =	sadd.s32 $0x30000, s10  }
0xba: {  	[tilespmem:s31], [sflag:$0x2] =	stream.linear.gather [hbm4b:s5+s3], $0x200, $0x200038;
	[tilespmem:$0x1F728] =	vst v63  }
0xbb: {  	_ =	strace $0x90000049  }
0xbc: {  	s12 =	simm.s32 $0x0;
	s13 =	simm.s32 $0x9C00;
	_ =	strace $0x8000004A  }
0xbd: {  	[tilespmem:s13], [sflag:$0x4] =	stream.indirect.gather [spmem:s2], $0x1, s12, s0, $0x2000b8;
	[tilespmem:$0x1F728] =	vst v63  }
0xbe: {  	s6 =	simm.s32 $0x9C80;
	s9 =	simm.s32 $0x80  }
0xbf: {  	[tilespmem:s6], [sflag:$0x4] =	stream.indirect.gather [spmem:s2], $0x1, s9, s0, $0x2000b8;
	[tilespmem:$0x1F728] =	vst v63  }
0xc0: {  	s10 =	simm.s32 $0x9D00;
	s11 =	simm.s32 $0x100;
	s5 =	simm.s32 $0x400  }
0xc1: {  	[tilespmem:s10], [sflag:$0x4] =	stream.indirect.gather [spmem:s2], $0x1, s11, s0, $0x2000b8;
	[tilespmem:$0x1F728] =	vst v63  }
0xc2: {  	s12 =	simm.s32 $0x9D80;
	s13 =	simm.s32 $0x180;
	s6 =	simm.s32 $0x9E00  }
0xc3: {  	[tilespmem:s12], [sflag:$0x4] =	stream.indirect.gather [spmem:s2], $0x1, s13, s0, $0x2000b8;
	[tilespmem:$0x1F728] =	vst v63  }
0xc4: {  	s9 =	simm.s32 $0x200;
	s10 =	simm.s32 $0x9E80;
	s11 =	simm.s32 $0x280  }
0xc5: {  	[tilespmem:s6], [sflag:$0x4] =	stream.indirect.gather [spmem:s2], $0x1, s9, s0, $0x2000b8;
	[tilespmem:$0x1F728] =	vst v63  }
0xc6: {  	s12 =	simm.s32 $0x9F00;
	s13 =	simm.s32 $0x300;
	s6 =	simm.s32 $0x8  }
0xc7: {  	[tilespmem:s10], [sflag:$0x4] =	stream.indirect.gather [spmem:s2], $0x1, s11, s0, $0x2000b8;
	[tilespmem:$0x1F728] =	vst v63  }
0xc8: {  	s9 =	simm.s32 $0x2000;
	s10 =	simm.s32 $0x9F80;
	s11 =	simm.s32 $0x380  }
0xc9: {  	[tilespmem:s12], [sflag:$0x4] =	stream.indirect.gather [spmem:s2], $0x1, s13, s0, $0x2000b8;
	[tilespmem:$0x1F728] =	vst v63  }
.LBB2_2:
0xca: {  	[tilespmem:s10], [sflag:$0x4] =	stream.indirect.gather [spmem:s2], $0x1, s11, s0, $0x2000b8;
	[tilespmem:$0x1F728] =	vst v63  }
0xcb: {  	s10 =	sshra.s32 s9, $0x2;
	s6 =	sadd.s32 $0x8, s6;
	s11 =	sadd.s32 $0x9C00, s5  }
0xcc: {  	[tilespmem:s11], [sflag:$0x4] =	stream.indirect.gather [spmem:s2], $0x1, s5, s0, $0x2000b8;
	[tilespmem:$0x1F728] =	vst v63  }
0xcd: {  	s12 =	sadd.s32 $0x80, s5;
	p2 =	slt.u32 s6, $0x58;
	s11 =	sadd.s32 $0x9C80, s5  }
0xce: {  	[tilespmem:s11], [sflag:$0x4] =	stream.indirect.gather [spmem:s2], $0x1, s12, s0, $0x2000b8;
	[tilespmem:$0x1F728] =	vst v63  }
0xcf: {  	s13 =	smov.u32 s5;
	s11 =	sadd.s32 $0x9D00, s5;
	s12 =	sadd.s32 $0x100, s5  }
0xd0: {  	[tilespmem:s11], [sflag:$0x4] =	stream.indirect.gather [spmem:s2], $0x1, s12, s0, $0x2000b8;
	[tilespmem:$0x1F728] =	vst v63  }
0xd1: {  	s5 =	smov.u32 s10;
	s11 =	sadd.s32 $0x9D80, s13;
	s12 =	sadd.s32 $0x180, s13  }
0xd2: {  	[tilespmem:s11], [sflag:$0x4] =	stream.indirect.gather [spmem:s2], $0x1, s12, s0, $0x2000b8;
	[tilespmem:$0x1F728] =	vst v63  }
0xd3: {  	s10 =	sadd.s32 $0x9E00, s13;
	s11 =	sadd.s32 $0x200, s13  }
0xd4: {  	[tilespmem:s10], [sflag:$0x4] =	stream.indirect.gather [spmem:s2], $0x1, s11, s0, $0x2000b8;
	[tilespmem:$0x1F728] =	vst v63  }
.Ltmp0:
0xd5: {  	s10 =	sadd.s32 $0x9E80, s13;
	s11 =	sadd.s32 $0x280, s13;
	(pc) =	sbr.rel @p2 .LBB2_2-.Ltmp0, $4  }
0xd6: {  	[tilespmem:s10], [sflag:$0x4] =	stream.indirect.gather [spmem:s2], $0x1, s11, s0, $0x2000b8;
	[tilespmem:$0x1F728] =	vst v63  }
0xd7: {  	s10 =	sadd.s32 $0x9F00, s13;
	s11 =	sadd.s32 $0x300, s13  }
0xd8: {  	[tilespmem:s10], [sflag:$0x4] =	stream.indirect.gather [spmem:s2], $0x1, s11, s0, $0x2000b8;
	[tilespmem:$0x1F728] =	vst v63  }
0xd9: {  	s9 =	sadd.s32 $0x1000, s9;
	s10 =	sadd.s32 $0x9F80, s13;
	s11 =	sadd.s32 $0x380, s13  }
0xda: {  	[tilespmem:s10], [sflag:$0x4] =	stream.indirect.gather [spmem:s2], $0x1, s11, s0, $0x2000b8;
	[tilespmem:$0x1F728] =	vst v63  }
0xdb: {  	s6 =	sadd.s32 $0x9C00, s5  }
0xdc: {  	[tilespmem:s6], [sflag:$0x4] =	stream.indirect.gather [spmem:s2], $0x1, s5, s0, $0x2000b8;
	[tilespmem:$0x1F728] =	vst v63  }
0xdd: {  	s11 =	sadd.s32 $0x9C80, s5;
	s9 =	sadd.s32 $0x80, s5  }
0xde: {  	[tilespmem:s11], [sflag:$0x4] =	stream.indirect.gather [spmem:s2], $0x1, s9, s0, $0x2000b8;
	[tilespmem:$0x1F728] =	vst v63  }
0xdf: {  	s12 =	sadd.s32 $0x9D00, s5;
	s13 =	sadd.s32 $0x100, s5  }
0xe0: {  	[tilespmem:s12], [sflag:$0x4] =	stream.indirect.gather [spmem:s2], $0x1, s13, s0, $0x2000b8;
	[tilespmem:$0x1F728] =	vst v63  }
0xe1: {  	s10 =	sadd.s32 $0x9D80, s5;
	s11 =	sadd.s32 $0x180, s5  }
0xe2: {  	[tilespmem:s10], [sflag:$0x4] =	stream.indirect.gather [spmem:s2], $0x1, s11, s0, $0x2000b8;
	[tilespmem:$0x1F728] =	vst v63  }
0xe3: {  	s12 =	sadd.s32 $0x9E00, s5;
	s13 =	sadd.s32 $0x200, s5  }
0xe4: {  	[tilespmem:s12], [sflag:$0x4] =	stream.indirect.gather [spmem:s2], $0x1, s13, s0, $0x2000b8;
	[tilespmem:$0x1F728] =	vst v63  }
0xe5: {  	s10 =	sadd.s32 $0x9E80, s5;
	s11 =	sadd.s32 $0x280, s5  }
0xe6: {  	[tilespmem:s10], [sflag:$0x4] =	stream.indirect.gather [spmem:s2], $0x1, s11, s0, $0x2000b8;
	[tilespmem:$0x1F728] =	vst v63  }
0xe7: {  	s12 =	sadd.s32 $0x9F00, s5;
	s13 =	sadd.s32 $0x300, s5  }
0xe8: {  	[tilespmem:s12], [sflag:$0x4] =	stream.indirect.gather [spmem:s2], $0x1, s13, s0, $0x2000b8;
	[tilespmem:$0x1F728] =	vst v63  }
0xe9: {  	s9 =	sadd.s32 $0x9F80, s5;
	s10 =	sadd.s32 $0x380, s5  }
0xea: {  	[tilespmem:s9], [sflag:$0x4] =	stream.indirect.gather [spmem:s2], $0x1, s10, s0, $0x2000b8;
	[tilespmem:$0x1F728] =	vst v63  }
0xeb: {  	_ = 	snop  }
0xec: {  	[tilespmem:s4], [sflag:$0x4] =	stream.indirect.gather [spmem:s2], $0x1, s21, s0, $0x2000b8;
	[tilespmem:$0x1F728] =	vst v63  }
0xed: {  	s11 =	simm.s32 $0x3080  }
0xee: {  	[tilespmem:s1], [sflag:$0x4] =	stream.indirect.gather [spmem:s2], $0x1, s11, s0, $0x2000b8;
	[tilespmem:$0x1F728] =	vst v63  }
0xef: {  	s12 =	simm.s32 $0x3100  }
0xf0: {  	[tilespmem:s8], [sflag:$0x4] =	stream.indirect.gather [spmem:s2], $0x1, s12, s0, $0x2000b8;
	[tilespmem:$0x1F728] =	vst v63  }
0xf1: {  	s13 =	simm.s32 $0x3180  }
0xf2: {  	[tilespmem:s30], [sflag:$0x4] =	stream.indirect.gather [spmem:s2], $0x1, s13, s0, $0x2000b8;
	[tilespmem:$0x1F728] =	vst v63  }
0xf3: {  	_ =	swait.ge [sflag:s16], $0x3200  }
0xf4: {  	[sflag:s16] =	ssyncset.done $0x0  }
0xf5: {  	[sflag:s16] =	ssyncadd.s32 $0xFFFFCE00  }
0xf6: {  	_ =	strace $0x9000004A  }
0xf7: {  	_ =	strace $0x8000004B  }
0xf8: {  	_ =	swait.ge [sflag:s15], $0x80  }
0xf9: {  	[sflag:s15] =	ssyncset.done $0x0  }
0xfa: {  	s9 =	simm.s32 $0x6880;
	[sflag:s15] =	ssyncadd.s32 $0xFFFFFF80  }
0xfb: {  	s5 =	simm.s32 $0x9C80;
	v1 =	vld [tilespmem:s9+$0xFFFFFFF0]  }
0xfc: {  	v3 =	vld [tilespmem:s5+$0xFFFFFFF0]  }
0xfd: {  	v12 =	vld [tilespmem:s9+$0xFFFFFFD0]  }
0xfe: {  	v2 =	vld [tilespmem:s5+$0xFFFFFFE0]  }
0xff: {  	v5 =	vld [tilespmem:s9+$0xFFFFFFE0]  }
0x100: {  	v15 =	vld [tilespmem:s5+$0xFFFFFFD0]  }
0x101: {  	v9 =	vimm.f32 $0.0e+00;
	v10 =	vimm.f32 $0.0e+00;
	v8 =	vimm.f32 $0.0e+00;
	v13 =	vld [tilespmem:s9+$0xFFFFFFC0]  }
0x102: {  	v11 =	vimm.f32 $0.0e+00;
	v6 =	vimm.f32 $0.0e+00;
	v7 =	vimm.f32 $0.0e+00;
	v14 =	vld [tilespmem:s5+$0xFFFFFFC0]  }
0x103: {  	v4 =	vimm.f32 $0.0e+00;
	s6 =	simm.s32 $0x6880;
	s10 =	simm.s32 $0x0;
	s11 =	simm.s32 $0x9C80;
	v16 =	vld [tilespmem:s9+$0xFFFFFFB0];
	v3 =	vmul.f32 v1, v3;
	v1 =	vimm.f32 $0.0e+00  }
.LBB2_4:
0x104: {  	s10 =	sadd.s32 $0x2, s10;
	v17 =	vld [tilespmem:s5+$0xFFFFFFB0];
	s9 =	sadd.s32 $0x100, s9;
	s11 =	sadd.s32 $0x100, s11  }
0x105: {  	p2 =	slt.u32 s10, $0x62;
	v18 =	vld [tilespmem:s6+$0xFFFFFFA0];
	v12 =	vmul.f32 v12, v15  }
0x106: {  	v15 =	vld [tilespmem:s5+$0xFFFFFFA0]  }
0x107: {  	v19 =	vld [tilespmem:s6+$0xFFFFFF90];
	v13 =	vmul.f32 v13, v14  }
0x108: {  	v14 =	vld [tilespmem:s5+$0xFFFFFF90]  }
0x109: {  	v20 =	vld [tilespmem:s5+$0xFFFFFF80];
	v16 =	vmul.f32 v16, v17  }
0x10a: {  	v17 =	vld [tilespmem:s6+$0xFFFFFF80]  }
0x10b: {  	v15 =	vmul.f32 v18, v15;
	_ =	swait.ge [sflag:s15], $0x80  }
0x10c: {  	[sflag:s15] =	ssyncset.done $0x0  }
0x10d: {  	v14 =	vmul.f32 v19, v14;
	[sflag:s15] =	ssyncadd.s32 $0xFFFFFF80  }
0x10e: {  	v18 =	vld [tilespmem:s6+$0x30]  }
0x10f: {  	v17 =	vmul.f32 v17, v20;
	v19 =	vld [tilespmem:s5+$0x10]  }
0x110: {  	v20 =	vld [tilespmem:s6+$0x10]  }
0x111: {  	v21 =	vld [tilespmem:s5+$0x20]  }
0x112: {  	v22 =	vld [tilespmem:s6+$0x20]  }
0x113: {  	v23 =	vld [tilespmem:s5+$0x0]  }
0x114: {  	v24 =	vld [tilespmem:s5+$0x30]  }
0x115: {  	v9 =	vadd.f32 v14, v9;
	v14 =	vld [tilespmem:s6+$0x0];
	v19 =	vmul.f32 v20, v19  }
0x116: {  	v20 =	vld [tilespmem:s5+$0x40]  }
0x117: {  	v10 =	vadd.f32 v15, v10;
	v9 =	vadd.f32 v19, v9;
	v15 =	vmul.f32 v22, v21;
	v19 =	vld [tilespmem:s6+$0x70]  }
0x118: {  	v21 =	vld [tilespmem:s5+$0x50]  }
0x119: {  	v8 =	vadd.f32 v16, v8;
	v10 =	vadd.f32 v15, v10;
	v15 =	vmul.f32 v18, v24;
	v16 =	vld [tilespmem:s6+$0x50]  }
0x11a: {  	v11 =	vadd.f32 v17, v11;
	v14 =	vmul.f32 v14, v23;
	v17 =	vld [tilespmem:s6+$0x40]  }
0x11b: {  	v8 =	vadd.f32 v15, v8;
	v15 =	vld [tilespmem:s6+$0x60];
	s6 =	smov.u32 s9  }
0x11c: {  	v11 =	vadd.f32 v14, v11;
	v14 =	vld [tilespmem:s5+$0x70]  }
0x11d: {  	v18 =	vld [tilespmem:s5+$0x60];
	s5 =	smov.u32 s11  }
0x11e: {  	v6 =	vadd.f32 v12, v6;
	v12 =	vmul.f32 v16, v21  }
0x11f: {  	v7 =	vadd.f32 v13, v7;
	_ =	swait.ge [sflag:s15], $0x80;
	v13 =	vmul.f32 v17, v20  }
0x120: {  	v2 =	vmul.f32 v5, v2;
	[sflag:s15] =	ssyncset.done $0x0;
	v6 =	vadd.f32 v12, v6  }
0x121: {  	v1 =	vadd.f32 v3, v1;
	[sflag:s15] =	ssyncadd.s32 $0xFFFFFF80;
	v7 =	vadd.f32 v13, v7;
	v3 =	vmul.f32 v19, v14  }
0x122: {  	v2 =	vadd.f32 v2, v4;
	v12 =	vld [tilespmem:s9+$0xFFFFFFD0];
	v4 =	vmul.f32 v15, v18  }
0x123: {  	v16 =	vld [tilespmem:s9+$0xFFFFFFF0];
	v1 =	vadd.f32 v3, v1  }
0x124: {  	v3 =	vld [tilespmem:s11+$0xFFFFFFF0];
	v4 =	vadd.f32 v4, v2  }
0x125: {  	v2 =	vld [tilespmem:s11+$0xFFFFFFE0]  }
.Ltmp1:
0x126: {  	v5 =	vld [tilespmem:s9+$0xFFFFFFE0];
	(pc) =	sbr.rel @p2 .LBB2_4-.Ltmp1, $4  }
0x127: {  	v15 =	vld [tilespmem:s11+$0xFFFFFFD0]  }
0x128: {  	v13 =	vld [tilespmem:s9+$0xFFFFFFC0]  }
0x129: {  	v14 =	vld [tilespmem:s11+$0xFFFFFFC0];
	v3 =	vmul.f32 v16, v3  }
0x12a: {  	v16 =	vld [tilespmem:s9+$0xFFFFFFB0]  }
0x12b: {  	v17 =	vld [tilespmem:s5+$0xFFFFFFB0]  }
0x12c: {  	v18 =	vld [tilespmem:s6+$0xFFFFFFA0]  }
0x12d: {  	v19 =	vld [tilespmem:s5+$0xFFFFFFA0]  }
0x12e: {  	v20 =	vld [tilespmem:s6+$0xFFFFFF90]  }
0x12f: {  	v21 =	vld [tilespmem:s5+$0xFFFFFF90]  }
0x130: {  	v22 =	vld [tilespmem:s5+$0xFFFFFF80]  }
0x131: {  	v23 =	vld [tilespmem:s6+$0xFFFFFF80];
	_ =	swait.ge [sflag:s15], $0x80  }
0x132: {  	[sflag:s15] =	ssyncset.done $0x0  }
0x133: {  	[sflag:s15] =	ssyncadd.s32 $0xFFFFFF80  }
0x134: {  	v24 =	vld [tilespmem:s6+$0x30]  }
0x135: {  	v25 =	vld [tilespmem:s5+$0x10]  }
0x136: {  	v26 =	vld [tilespmem:s6+$0x10]  }
0x137: {  	v27 =	vld [tilespmem:s5+$0x20]  }
0x138: {  	v28 =	vld [tilespmem:s6+$0x20]  }
0x139: {  	v29 =	vld [tilespmem:s5+$0x0]  }
0x13a: {  	v30 =	vld [tilespmem:s5+$0x30]  }
0x13b: {  	v31 =	vld [tilespmem:s6+$0x0]  }
0x13c: {  	v43 =	vld [tilespmem:s5+$0x40]  }
0x13d: {  	v2 =	vmul.f32 v5, v2;
	v45 =	vld [tilespmem:s5+$0x50]  }
0x13e: {  	v0 =	vbroadcast v0, $0x0;
	v1 =	vadd.f32 v3, v1;
	v12 =	vmul.f32 v12, v15;
	v47 =	vld [tilespmem:s6+$0x50]  }
0x13f: {  	v2 =	vadd.f32 v2, v4;
	v49 =	vld [tilespmem:s6+$0x40];
	v13 =	vmul.f32 v13, v14;
	v46 =	vmul.f32 v23, v22  }
0x140: {  	v52 =	vld [tilespmem:s6+$0x70];
	v6 =	vadd.f32 v12, v6;
	v18 =	vmul.f32 v18, v19;
	v44 =	vmul.f32 v20, v21  }
0x141: {  	v53 =	vld [tilespmem:s6+$0x60];
	v16 =	vmul.f32 v16, v17;
	v11 =	vadd.f32 v46, v11;
	v51 =	vmul.f32 v31, v29  }
0x142: {  	v55 =	vld [tilespmem:s5+$0x60];
	v7 =	vadd.f32 v13, v7;
	v9 =	vadd.f32 v44, v9;
	v48 =	vmul.f32 v26, v25  }
0x143: {  	v56 =	vld [tilespmem:s5+$0x70];
	v10 =	vadd.f32 v18, v10;
	v50 =	vmul.f32 v28, v27;
	v11 =	vadd.f32 v51, v11  }
0x144: {  	v8 =	vadd.f32 v16, v8;
	v54 =	vmul.f32 v24, v30;
	v9 =	vadd.f32 v48, v9  }
0x145: {  	v58 =	vmul.f32 v49, v43;
	v10 =	vadd.f32 v50, v10;
	v60 =	vadd.f32 v11, v0  }
0x146: {  	v57 =	vmul.f32 v47, v45;
	v8 =	vadd.f32 v54, v8;
	v9 =	vadd.f32 v9, v0  }
0x147: {  	v61 =	vmul.f32 v53, v55;
	v7 =	vadd.f32 v58, v7;
	v62 =	vadd.f32 v10, v0;
	[tilespmem:$0xD000] =	vst v60  }
0x148: {  	v3 =	vmul.f32 v52, v56;
	v59 =	vadd.f32 v57, v6;
	v8 =	vadd.f32 v8, v0;
	[tilespmem:$0xD010] =	vst v9  }
0x149: {  	v2 =	vadd.f32 v61, v2;
	v63 =	vadd.f32 v7, v0;
	[tilespmem:$0xD020] =	vst v62  }
0x14a: {  	v1 =	vadd.f32 v3, v1;
	v3 =	vadd.f32 v59, v0;
	[tilespmem:$0xD030] =	vst v8  }
0x14b: {  	v2 =	vadd.f32 v2, v0;
	[tilespmem:$0xD040] =	vst v63  }
0x14c: {  	v1 =	vadd.f32 v1, v0;
	[tilespmem:$0xD050] =	vst v3  }
0x14d: {  	[tilespmem:$0xD060] =	vst v2  }
0x14e: {  	s13 =	simm.s32 $0x0;
	s9 =	rddreg [dreg:$0x10];
	[tilespmem:$0xD070] =	vst v1  }
0x14f: {  	[hbm4b:s9+s13] =	stream.linear.scatter [tilespmem:s17], [sflag:$0x5], $0x80, $0x200038;
	[tilespmem:$0x1F728] =	vst v63  }
0x150: {  	_ =	swait.ge [sflag:s28], $0x80  }
0x151: {  	[sflag:s28] =	ssyncset.done $0x0  }
0x152: {  	s10 =	rddreg [dreg:$0xc];
	[sflag:s28] =	ssyncadd.s32 $0xFFFFFF80  }
0x153: {  	[tilespmem:s22], [sflag:$0x3] =	stream.strided.gather [hbm4b:s10+s19], $0x3000, s20, s19, $0x200038;
	[tilespmem:$0x1F728] =	vst v63  }
0x154: {  	s6 =	sadd.s32 $0x30000, s10  }
0x155: {  	[tilespmem:s23], [sflag:$0x3] =	stream.linear.gather [hbm4b:s6+s13], $0x200, $0x200038;
	[tilespmem:$0x1F728] =	vst v63  }
0x156: {  	_ =	strace $0x9000004B  }
0x157: {  	_ =	strace $0x8000004C  }
0x158: {  	_ =	swait.ge [sflag:s29], $0x3200  }
0x159: {  	[sflag:s29] =	ssyncset.done $0x0  }
0x15a: {  	s11 =	rddreg [dreg:$0xd];
	[sflag:s29] =	ssyncadd.s32 $0xFFFFCE00  }
0x15b: {  	[tilespmem:s13], [sflag:$0x2] =	stream.strided.gather [hbm4b:s11+s19], $0x3000, s20, s19, $0x200038;
	[tilespmem:$0x1F728] =	vst v63  }
0x15c: {  	s6 =	sadd.s32 $0x30000, s11  }
0x15d: {  	[tilespmem:s21], [sflag:$0x2] =	stream.linear.gather [hbm4b:s6+s13], $0x200, $0x200038;
	[tilespmem:$0x1F728] =	vst v63  }
0x15e: {  	_ =	strace $0x9000004C  }
0x15f: {  	s12 =	simm.s32 $0x9C00;
	s13 =	simm.s32 $0x3400;
	_ =	strace $0x8000004D  }
0x160: {  	[tilespmem:s12], [sflag:$0x4] =	stream.indirect.gather [spmem:s2], $0x1, s13, s0, $0x2000b8;
	[tilespmem:$0x1F728] =	vst v63  }
0x161: {  	s9 =	simm.s32 $0x3480;
	s6 =	simm.s32 $0x9C80  }
0x162: {  	[tilespmem:s6], [sflag:$0x4] =	stream.indirect.gather [spmem:s2], $0x1, s9, s0, $0x2000b8;
	[tilespmem:$0x1F728] =	vst v63  }
0x163: {  	s5 =	simm.s32 $0x400;
	s10 =	simm.s32 $0x9D00;
	s11 =	simm.s32 $0x3500  }
0x164: {  	[tilespmem:s10], [sflag:$0x4] =	stream.indirect.gather [spmem:s2], $0x1, s11, s0, $0x2000b8;
	[tilespmem:$0x1F728] =	vst v63  }
0x165: {  	s12 =	simm.s32 $0x9D80;
	s13 =	simm.s32 $0x3580;
	s6 =	simm.s32 $0x9E00  }
0x166: {  	[tilespmem:s12], [sflag:$0x4] =	stream.indirect.gather [spmem:s2], $0x1, s13, s0, $0x2000b8;
	[tilespmem:$0x1F728] =	vst v63  }
0x167: {  	s9 =	simm.s32 $0x3600;
	s10 =	simm.s32 $0x9E80;
	s11 =	simm.s32 $0x3680  }
0x168: {  	[tilespmem:s6], [sflag:$0x4] =	stream.indirect.gather [spmem:s2], $0x1, s9, s0, $0x2000b8;
	[tilespmem:$0x1F728] =	vst v63  }
0x169: {  	s12 =	simm.s32 $0x9F00;
	s13 =	simm.s32 $0x3700;
	s6 =	simm.s32 $0x8  }
0x16a: {  	[tilespmem:s10], [sflag:$0x4] =	stream.indirect.gather [spmem:s2], $0x1, s11, s0, $0x2000b8;
	[tilespmem:$0x1F728] =	vst v63  }
0x16b: {  	s9 =	simm.s32 $0x2000;
	s10 =	simm.s32 $0x9F80;
	s11 =	simm.s32 $0x3780  }
0x16c: {  	[tilespmem:s12], [sflag:$0x4] =	stream.indirect.gather [spmem:s2], $0x1, s13, s0, $0x2000b8;
	[tilespmem:$0x1F728] =	vst v63  }
.LBB2_6:
0x16d: {  	[tilespmem:s10], [sflag:$0x4] =	stream.indirect.gather [spmem:s2], $0x1, s11, s0, $0x2000b8;
	[tilespmem:$0x1F728] =	vst v63  }
0x16e: {  	s10 =	sshra.s32 s9, $0x2;
	s11 =	sadd.s32 $0x9C00, s5;
	s12 =	sadd.s32 $0x3400, s5  }
0x16f: {  	[tilespmem:s11], [sflag:$0x4] =	stream.indirect.gather [spmem:s2], $0x1, s12, s0, $0x2000b8;
	[tilespmem:$0x1F728] =	vst v63  }
0x170: {  	s6 =	sadd.s32 $0x8, s6;
	s11 =	sadd.s32 $0x9C80, s5;
	s12 =	sadd.s32 $0x3480, s5  }
0x171: {  	[tilespmem:s11], [sflag:$0x4] =	stream.indirect.gather [spmem:s2], $0x1, s12, s0, $0x2000b8;
	[tilespmem:$0x1F728] =	vst v63  }
0x172: {  	p2 =	slt.u32 s6, $0x58;
	s11 =	sadd.s32 $0x9D00, s5;
	s12 =	sadd.s32 $0x3500, s5  }
0x173: {  	[tilespmem:s11], [sflag:$0x4] =	stream.indirect.gather [spmem:s2], $0x1, s12, s0, $0x2000b8;
	[tilespmem:$0x1F728] =	vst v63  }
0x174: {  	s13 =	smov.u32 s5;
	s11 =	sadd.s32 $0x9D80, s5;
	s12 =	sadd.s32 $0x3580, s5  }
0x175: {  	[tilespmem:s11], [sflag:$0x4] =	stream.indirect.gather [spmem:s2], $0x1, s12, s0, $0x2000b8;
	[tilespmem:$0x1F728] =	vst v63  }
0x176: {  	s5 =	smov.u32 s10;
	s11 =	sadd.s32 $0x9E00, s13;
	s12 =	sadd.s32 $0x3600, s13  }
0x177: {  	[tilespmem:s11], [sflag:$0x4] =	stream.indirect.gather [spmem:s2], $0x1, s12, s0, $0x2000b8;
	[tilespmem:$0x1F728] =	vst v63  }
.Ltmp2:
0x178: {  	s10 =	sadd.s32 $0x9E80, s13;
	s11 =	sadd.s32 $0x3680, s13;
	(pc) =	sbr.rel @p2 .LBB2_6-.Ltmp2, $4  }
0x179: {  	[tilespmem:s10], [sflag:$0x4] =	stream.indirect.gather [spmem:s2], $0x1, s11, s0, $0x2000b8;
	[tilespmem:$0x1F728] =	vst v63  }
0x17a: {  	s10 =	sadd.s32 $0x9F00, s13;
	s11 =	sadd.s32 $0x3700, s13  }
0x17b: {  	[tilespmem:s10], [sflag:$0x4] =	stream.indirect.gather [spmem:s2], $0x1, s11, s0, $0x2000b8;
	[tilespmem:$0x1F728] =	vst v63  }
0x17c: {  	s9 =	sadd.s32 $0x1000, s9;
	s10 =	sadd.s32 $0x9F80, s13;
	s11 =	sadd.s32 $0x3780, s13  }
0x17d: {  	[tilespmem:s10], [sflag:$0x4] =	stream.indirect.gather [spmem:s2], $0x1, s11, s0, $0x2000b8;
	[tilespmem:$0x1F728] =	vst v63  }
0x17e: {  	s6 =	sadd.s32 $0x9C00, s5;
	s9 =	sadd.s32 $0x3400, s5  }
0x17f: {  	[tilespmem:s6], [sflag:$0x4] =	stream.indirect.gather [spmem:s2], $0x1, s9, s0, $0x2000b8;
	[tilespmem:$0x1F728] =	vst v63  }
0x180: {  	s10 =	sadd.s32 $0x9C80, s5;
	s11 =	sadd.s32 $0x3480, s5  }
0x181: {  	[tilespmem:s10], [sflag:$0x4] =	stream.indirect.gather [spmem:s2], $0x1, s11, s0, $0x2000b8;
	[tilespmem:$0x1F728] =	vst v63  }
0x182: {  	s12 =	sadd.s32 $0x9D00, s5;
	s13 =	sadd.s32 $0x3500, s5  }
0x183: {  	[tilespmem:s12], [sflag:$0x4] =	stream.indirect.gather [spmem:s2], $0x1, s13, s0, $0x2000b8;
	[tilespmem:$0x1F728] =	vst v63  }
0x184: {  	s10 =	sadd.s32 $0x9D80, s5;
	s11 =	sadd.s32 $0x3580, s5  }
0x185: {  	[tilespmem:s10], [sflag:$0x4] =	stream.indirect.gather [spmem:s2], $0x1, s11, s0, $0x2000b8;
	[tilespmem:$0x1F728] =	vst v63  }
0x186: {  	s12 =	sadd.s32 $0x9E00, s5;
	s13 =	sadd.s32 $0x3600, s5  }
0x187: {  	[tilespmem:s12], [sflag:$0x4] =	stream.indirect.gather [spmem:s2], $0x1, s13, s0, $0x2000b8;
	[tilespmem:$0x1F728] =	vst v63  }
0x188: {  	s10 =	sadd.s32 $0x9E80, s5;
	s11 =	sadd.s32 $0x3680, s5  }
0x189: {  	[tilespmem:s10], [sflag:$0x4] =	stream.indirect.gather [spmem:s2], $0x1, s11, s0, $0x2000b8;
	[tilespmem:$0x1F728] =	vst v63  }
0x18a: {  	s12 =	sadd.s32 $0x9F00, s5;
	s13 =	sadd.s32 $0x3700, s5  }
0x18b: {  	[tilespmem:s12], [sflag:$0x4] =	stream.indirect.gather [spmem:s2], $0x1, s13, s0, $0x2000b8;
	[tilespmem:$0x1F728] =	vst v63  }
0x18c: {  	s9 =	sadd.s32 $0x9F80, s5;
	s10 =	sadd.s32 $0x3780, s5  }
0x18d: {  	[tilespmem:s9], [sflag:$0x4] =	stream.indirect.gather [spmem:s2], $0x1, s10, s0, $0x2000b8;
	[tilespmem:$0x1F728] =	vst v63  }
0x18e: {  	_ = 	snop  }
0x18f: {  	[tilespmem:s4], [sflag:$0x4] =	stream.indirect.gather [spmem:s2], $0x1, s31, s0, $0x2000b8;
	[tilespmem:$0x1F728] =	vst v63  }
0x190: {  	s11 =	simm.s32 $0x6480  }
0x191: {  	[tilespmem:s1], [sflag:$0x4] =	stream.indirect.gather [spmem:s2], $0x1, s11, s0, $0x2000b8;
	[tilespmem:$0x1F728] =	vst v63  }
0x192: {  	s12 =	simm.s32 $0x6500  }
0x193: {  	[tilespmem:s8], [sflag:$0x4] =	stream.indirect.gather [spmem:s2], $0x1, s12, s0, $0x2000b8;
	[tilespmem:$0x1F728] =	vst v63  }
0x194: {  	s13 =	simm.s32 $0x6580  }
0x195: {  	[tilespmem:s30], [sflag:$0x4] =	stream.indirect.gather [spmem:s2], $0x1, s13, s0, $0x2000b8;
	[tilespmem:$0x1F728] =	vst v63  }
0x196: {  	_ =	swait.ge [sflag:s16], $0x3200  }
0x197: {  	[sflag:s16] =	ssyncset.done $0x0  }
0x198: {  	[sflag:s16] =	ssyncadd.s32 $0xFFFFCE00  }
0x199: {  	_ =	strace $0x9000004D  }
0x19a: {  	_ =	strace $0x8000004E  }
0x19b: {  	_ =	swait.ge [sflag:s15], $0x80  }
0x19c: {  	[sflag:s15] =	ssyncset.done $0x0  }
0x19d: {  	s9 =	simm.s32 $0x6880;
	[sflag:s15] =	ssyncadd.s32 $0xFFFFFF80  }
0x19e: {  	s5 =	simm.s32 $0x9C80;
	v1 =	vld [tilespmem:s9+$0xFFFFFFF0]  }
0x19f: {  	v3 =	vld [tilespmem:s5+$0xFFFFFFF0]  }
0x1a0: {  	v12 =	vld [tilespmem:s9+$0xFFFFFFD0]  }
0x1a1: {  	v2 =	vld [tilespmem:s5+$0xFFFFFFE0]  }
0x1a2: {  	v5 =	vld [tilespmem:s9+$0xFFFFFFE0]  }
0x1a3: {  	v15 =	vld [tilespmem:s5+$0xFFFFFFD0]  }
0x1a4: {  	v10 =	vimm.f32 $0.0e+00;
	v11 =	vimm.f32 $0.0e+00;
	v8 =	vimm.f32 $0.0e+00;
	v13 =	vld [tilespmem:s9+$0xFFFFFFC0]  }
0x1a5: {  	v9 =	vimm.f32 $0.0e+00;
	v6 =	vimm.f32 $0.0e+00;
	v7 =	vimm.f32 $0.0e+00;
	v16 =	vld [tilespmem:s5+$0xFFFFFFC0]  }
0x1a6: {  	v4 =	vimm.f32 $0.0e+00;
	s6 =	simm.s32 $0x6880;
	s10 =	simm.s32 $0x0;
	s11 =	simm.s32 $0x9C80;
	v14 =	vld [tilespmem:s9+$0xFFFFFFB0];
	v3 =	vmul.f32 v1, v3;
	v1 =	vimm.f32 $0.0e+00  }
.LBB2_8:
0x1a7: {  	s10 =	sadd.s32 $0x2, s10;
	v17 =	vld [tilespmem:s5+$0xFFFFFFB0];
	s9 =	sadd.s32 $0x100, s9;
	s11 =	sadd.s32 $0x100, s11  }
0x1a8: {  	p2 =	slt.u32 s10, $0x62;
	v18 =	vld [tilespmem:s6+$0xFFFFFFA0];
	v12 =	vmul.f32 v12, v15  }
0x1a9: {  	v15 =	vld [tilespmem:s5+$0xFFFFFFA0]  }
0x1aa: {  	v19 =	vld [tilespmem:s6+$0xFFFFFF90];
	v13 =	vmul.f32 v13, v16  }
0x1ab: {  	v16 =	vld [tilespmem:s5+$0xFFFFFF90]  }
0x1ac: {  	v20 =	vld [tilespmem:s5+$0xFFFFFF80];
	v14 =	vmul.f32 v14, v17  }
0x1ad: {  	v17 =	vld [tilespmem:s6+$0xFFFFFF80]  }
0x1ae: {  	v15 =	vmul.f32 v18, v15;
	_ =	swait.ge [sflag:s15], $0x80  }
0x1af: {  	[sflag:s15] =	ssyncset.done $0x0  }
0x1b0: {  	v16 =	vmul.f32 v19, v16;
	[sflag:s15] =	ssyncadd.s32 $0xFFFFFF80  }
0x1b1: {  	v18 =	vld [tilespmem:s6+$0x30]  }
0x1b2: {  	v17 =	vmul.f32 v17, v20;
	v19 =	vld [tilespmem:s5+$0x10]  }
0x1b3: {  	v20 =	vld [tilespmem:s6+$0x10]  }
0x1b4: {  	v21 =	vld [tilespmem:s5+$0x20]  }
0x1b5: {  	v22 =	vld [tilespmem:s6+$0x20]  }
0x1b6: {  	v23 =	vld [tilespmem:s5+$0x0]  }
0x1b7: {  	v24 =	vld [tilespmem:s5+$0x30]  }
0x1b8: {  	v10 =	vadd.f32 v16, v10;
	v16 =	vld [tilespmem:s6+$0x0];
	v19 =	vmul.f32 v20, v19  }
0x1b9: {  	v20 =	vld [tilespmem:s5+$0x40]  }
0x1ba: {  	v11 =	vadd.f32 v15, v11;
	v10 =	vadd.f32 v19, v10;
	v15 =	vmul.f32 v22, v21;
	v19 =	vld [tilespmem:s6+$0x70]  }
0x1bb: {  	v21 =	vld [tilespmem:s5+$0x50]  }
0x1bc: {  	v8 =	vadd.f32 v14, v8;
	v11 =	vadd.f32 v15, v11;
	v14 =	vmul.f32 v18, v24;
	v15 =	vld [tilespmem:s6+$0x50]  }
0x1bd: {  	v9 =	vadd.f32 v17, v9;
	v16 =	vmul.f32 v16, v23;
	v17 =	vld [tilespmem:s6+$0x40]  }
0x1be: {  	v8 =	vadd.f32 v14, v8;
	v14 =	vld [tilespmem:s6+$0x60];
	s6 =	smov.u32 s9  }
0x1bf: {  	v9 =	vadd.f32 v16, v9;
	v16 =	vld [tilespmem:s5+$0x70]  }
0x1c0: {  	v18 =	vld [tilespmem:s5+$0x60];
	s5 =	smov.u32 s11  }
0x1c1: {  	v6 =	vadd.f32 v12, v6;
	v12 =	vmul.f32 v15, v21  }
0x1c2: {  	v7 =	vadd.f32 v13, v7;
	_ =	swait.ge [sflag:s15], $0x80;
	v13 =	vmul.f32 v17, v20  }
0x1c3: {  	v2 =	vmul.f32 v5, v2;
	[sflag:s15] =	ssyncset.done $0x0;
	v6 =	vadd.f32 v12, v6  }
0x1c4: {  	v1 =	vadd.f32 v3, v1;
	[sflag:s15] =	ssyncadd.s32 $0xFFFFFF80;
	v7 =	vadd.f32 v13, v7;
	v3 =	vmul.f32 v19, v16  }
0x1c5: {  	v2 =	vadd.f32 v2, v4;
	v12 =	vld [tilespmem:s9+$0xFFFFFFD0];
	v4 =	vmul.f32 v14, v18  }
0x1c6: {  	v14 =	vld [tilespmem:s9+$0xFFFFFFF0];
	v1 =	vadd.f32 v3, v1  }
0x1c7: {  	v3 =	vld [tilespmem:s11+$0xFFFFFFF0];
	v4 =	vadd.f32 v4, v2  }
0x1c8: {  	v2 =	vld [tilespmem:s11+$0xFFFFFFE0]  }
.Ltmp3:
0x1c9: {  	v5 =	vld [tilespmem:s9+$0xFFFFFFE0];
	(pc) =	sbr.rel @p2 .LBB2_8-.Ltmp3, $4  }
0x1ca: {  	v15 =	vld [tilespmem:s11+$0xFFFFFFD0]  }
0x1cb: {  	v13 =	vld [tilespmem:s9+$0xFFFFFFC0]  }
0x1cc: {  	v16 =	vld [tilespmem:s11+$0xFFFFFFC0];
	v3 =	vmul.f32 v14, v3  }
0x1cd: {  	v14 =	vld [tilespmem:s9+$0xFFFFFFB0]  }
0x1ce: {  	v17 =	vld [tilespmem:s5+$0xFFFFFFB0]  }
0x1cf: {  	v18 =	vld [tilespmem:s6+$0xFFFFFFA0]  }
0x1d0: {  	v19 =	vld [tilespmem:s5+$0xFFFFFFA0]  }
0x1d1: {  	v20 =	vld [tilespmem:s6+$0xFFFFFF90]  }
0x1d2: {  	v21 =	vld [tilespmem:s5+$0xFFFFFF90]  }
0x1d3: {  	v22 =	vld [tilespmem:s5+$0xFFFFFF80]  }
0x1d4: {  	v23 =	vld [tilespmem:s6+$0xFFFFFF80];
	_ =	swait.ge [sflag:s15], $0x80  }
0x1d5: {  	[sflag:s15] =	ssyncset.done $0x0  }
0x1d6: {  	[sflag:s15] =	ssyncadd.s32 $0xFFFFFF80  }
0x1d7: {  	v24 =	vld [tilespmem:s6+$0x30]  }
0x1d8: {  	v25 =	vld [tilespmem:s5+$0x10]  }
0x1d9: {  	v26 =	vld [tilespmem:s6+$0x10]  }
0x1da: {  	v27 =	vld [tilespmem:s5+$0x20]  }
0x1db: {  	v28 =	vld [tilespmem:s6+$0x20]  }
0x1dc: {  	v29 =	vld [tilespmem:s5+$0x0]  }
0x1dd: {  	v30 =	vld [tilespmem:s5+$0x30]  }
0x1de: {  	v31 =	vld [tilespmem:s6+$0x0]  }
0x1df: {  	v32 =	vld [tilespmem:s5+$0x40]  }
0x1e0: {  	v2 =	vmul.f32 v5, v2;
	v43 =	vld [tilespmem:s5+$0x50]  }
0x1e1: {  	v1 =	vadd.f32 v3, v1;
	v12 =	vmul.f32 v12, v15;
	v45 =	vld [tilespmem:s6+$0x50]  }
0x1e2: {  	v2 =	vadd.f32 v2, v4;
	v13 =	vmul.f32 v13, v16;
	v48 =	vld [tilespmem:s6+$0x40];
	v46 =	vmul.f32 v23, v22  }
0x1e3: {  	v50 =	vld [tilespmem:s6+$0x70];
	v6 =	vadd.f32 v12, v6;
	v42 =	vmul.f32 v20, v21;
	v44 =	vmul.f32 v18, v19  }
0x1e4: {  	v52 =	vld [tilespmem:s6+$0x60];
	v14 =	vmul.f32 v14, v17;
	v9 =	vadd.f32 v46, v9;
	v51 =	vmul.f32 v31, v29  }
0x1e5: {  	v54 =	vld [tilespmem:s5+$0x60];
	v7 =	vadd.f32 v13, v7;
	v10 =	vadd.f32 v42, v10;
	v47 =	vmul.f32 v26, v25  }
0x1e6: {  	v55 =	vld [tilespmem:s5+$0x70];
	v11 =	vadd.f32 v44, v11;
	v49 =	vmul.f32 v28, v27;
	v9 =	vadd.f32 v51, v9  }
0x1e7: {  	v8 =	vadd.f32 v14, v8;
	v53 =	vmul.f32 v24, v30;
	v10 =	vadd.f32 v47, v10  }
0x1e8: {  	v57 =	vmul.f32 v48, v32;
	v11 =	vadd.f32 v49, v11;
	v59 =	vadd.f32 v9, v0  }
0x1e9: {  	v56 =	vmul.f32 v45, v43;
	v8 =	vadd.f32 v53, v8;
	v60 =	vadd.f32 v10, v0  }
0x1ea: {  	v61 =	vmul.f32 v52, v54;
	v7 =	vadd.f32 v57, v7;
	v62 =	vadd.f32 v11, v0;
	[tilespmem:$0xD000] =	vst v59  }
0x1eb: {  	v3 =	vmul.f32 v50, v55;
	v58 =	vadd.f32 v56, v6;
	v8 =	vadd.f32 v8, v0;
	[tilespmem:$0xD010] =	vst v60  }
0x1ec: {  	v2 =	vadd.f32 v61, v2;
	v63 =	vadd.f32 v7, v0;
	[tilespmem:$0xD020] =	vst v62  }
0x1ed: {  	v1 =	vadd.f32 v3, v1;
	v3 =	vadd.f32 v58, v0;
	[tilespmem:$0xD030] =	vst v8  }
0x1ee: {  	v2 =	vadd.f32 v2, v0;
	[tilespmem:$0xD040] =	vst v63  }
0x1ef: {  	v1 =	vadd.f32 v1, v0;
	[tilespmem:$0xD050] =	vst v3  }
0x1f0: {  	[tilespmem:$0xD060] =	vst v2  }
0x1f1: {  	s13 =	simm.s32 $0x0;
	s9 =	rddreg [dreg:$0x11];
	[tilespmem:$0xD070] =	vst v1  }
0x1f2: {  	[hbm4b:s9+s13] =	stream.linear.scatter [tilespmem:s17], [sflag:$0x5], $0x80, $0x200038;
	[tilespmem:$0x1F728] =	vst v63  }
0x1f3: {  	_ =	swait.ge [sflag:s28], $0x80  }
0x1f4: {  	[sflag:s28] =	ssyncset.done $0x0  }
0x1f5: {  	s10 =	rddreg [dreg:$0xe];
	[sflag:s28] =	ssyncadd.s32 $0xFFFFFF80  }
0x1f6: {  	[tilespmem:s22], [sflag:$0x3] =	stream.strided.gather [hbm4b:s10+s19], $0x3000, s20, s19, $0x200038;
	[tilespmem:$0x1F728] =	vst v63  }
0x1f7: {  	s6 =	sadd.s32 $0x30000, s10  }
0x1f8: {  	[tilespmem:s23], [sflag:$0x3] =	stream.linear.gather [hbm4b:s6+s13], $0x200, $0x200038;
	[tilespmem:$0x1F728] =	vst v63  }
0x1f9: {  	_ =	strace $0x9000004E  }
0x1fa: {  	_ =	strace $0x8000004F  }
0x1fb: {  	_ =	swait.ge [sflag:s29], $0x3200  }
0x1fc: {  	[sflag:s29] =	ssyncset.done $0x0  }
0x1fd: {  	s9 =	simm.s32 $0x3400;
	s11 =	rddreg [dreg:$0xf];
	[sflag:s29] =	ssyncadd.s32 $0xFFFFCE00  }
0x1fe: {  	[tilespmem:s9], [sflag:$0x2] =	stream.strided.gather [hbm4b:s11+s19], $0x3000, s20, s19, $0x200038;
	[tilespmem:$0x1F728] =	vst v63  }
0x1ff: {  	s6 =	sadd.s32 $0x30000, s11  }
0x200: {  	[tilespmem:s31], [sflag:$0x2] =	stream.linear.gather [hbm4b:s6+s13], $0x200, $0x200038;
	[tilespmem:$0x1F728] =	vst v63  }
0x201: {  	_ =	strace $0x9000004F  }
0x202: {  	s12 =	simm.s32 $0x0;
	s13 =	simm.s32 $0x9C00;
	_ =	strace $0x80000050  }
0x203: {  	[tilespmem:s13], [sflag:$0x4] =	stream.indirect.gather [spmem:s2], $0x1, s12, s0, $0x2000b8;
	[tilespmem:$0x1F728] =	vst v63  }
0x204: {  	s9 =	simm.s32 $0x80;
	s6 =	simm.s32 $0x9C80  }
0x205: {  	[tilespmem:s6], [sflag:$0x4] =	stream.indirect.gather [spmem:s2], $0x1, s9, s0, $0x2000b8;
	[tilespmem:$0x1F728] =	vst v63  }
0x206: {  	s5 =	simm.s32 $0x400;
	s10 =	simm.s32 $0x9D00;
	s11 =	simm.s32 $0x100  }
0x207: {  	[tilespmem:s10], [sflag:$0x4] =	stream.indirect.gather [spmem:s2], $0x1, s11, s0, $0x2000b8;
	[tilespmem:$0x1F728] =	vst v63  }
0x208: {  	s12 =	simm.s32 $0x9D80;
	s13 =	simm.s32 $0x180;
	s6 =	simm.s32 $0x9E00  }
0x209: {  	[tilespmem:s12], [sflag:$0x4] =	stream.indirect.gather [spmem:s2], $0x1, s13, s0, $0x2000b8;
	[tilespmem:$0x1F728] =	vst v63  }
0x20a: {  	s9 =	simm.s32 $0x200;
	s10 =	simm.s32 $0x9E80;
	s11 =	simm.s32 $0x280  }
0x20b: {  	[tilespmem:s6], [sflag:$0x4] =	stream.indirect.gather [spmem:s2], $0x1, s9, s0, $0x2000b8;
	[tilespmem:$0x1F728] =	vst v63  }
0x20c: {  	s12 =	simm.s32 $0x9F00;
	s13 =	simm.s32 $0x300;
	s6 =	simm.s32 $0x8  }
0x20d: {  	[tilespmem:s10], [sflag:$0x4] =	stream.indirect.gather [spmem:s2], $0x1, s11, s0, $0x2000b8;
	[tilespmem:$0x1F728] =	vst v63  }
0x20e: {  	s9 =	simm.s32 $0x2000;
	s10 =	simm.s32 $0x9F80;
	s11 =	simm.s32 $0x380  }
0x20f: {  	[tilespmem:s12], [sflag:$0x4] =	stream.indirect.gather [spmem:s2], $0x1, s13, s0, $0x2000b8;
	[tilespmem:$0x1F728] =	vst v63  }
.LBB2_10:
0x210: {  	[tilespmem:s10], [sflag:$0x4] =	stream.indirect.gather [spmem:s2], $0x1, s11, s0, $0x2000b8;
	[tilespmem:$0x1F728] =	vst v63  }
0x211: {  	s10 =	sshra.s32 s9, $0x2;
	s6 =	sadd.s32 $0x8, s6;
	s11 =	sadd.s32 $0x9C00, s5  }
0x212: {  	[tilespmem:s11], [sflag:$0x4] =	stream.indirect.gather [spmem:s2], $0x1, s5, s0, $0x2000b8;
	[tilespmem:$0x1F728] =	vst v63  }
0x213: {  	s12 =	sadd.s32 $0x80, s5;
	p2 =	slt.u32 s6, $0x58;
	s11 =	sadd.s32 $0x9C80, s5  }
0x214: {  	[tilespmem:s11], [sflag:$0x4] =	stream.indirect.gather [spmem:s2], $0x1, s12, s0, $0x2000b8;
	[tilespmem:$0x1F728] =	vst v63  }
0x215: {  	s13 =	smov.u32 s5;
	s11 =	sadd.s32 $0x9D00, s5;
	s12 =	sadd.s32 $0x100, s5  }
0x216: {  	[tilespmem:s11], [sflag:$0x4] =	stream.indirect.gather [spmem:s2], $0x1, s12, s0, $0x2000b8;
	[tilespmem:$0x1F728] =	vst v63  }
0x217: {  	s5 =	smov.u32 s10;
	s11 =	sadd.s32 $0x9D80, s13;
	s12 =	sadd.s32 $0x180, s13  }
0x218: {  	[tilespmem:s11], [sflag:$0x4] =	stream.indirect.gather [spmem:s2], $0x1, s12, s0, $0x2000b8;
	[tilespmem:$0x1F728] =	vst v63  }
0x219: {  	s10 =	sadd.s32 $0x9E00, s13;
	s11 =	sadd.s32 $0x200, s13  }
0x21a: {  	[tilespmem:s10], [sflag:$0x4] =	stream.indirect.gather [spmem:s2], $0x1, s11, s0, $0x2000b8;
	[tilespmem:$0x1F728] =	vst v63  }
.Ltmp4:
0x21b: {  	s10 =	sadd.s32 $0x9E80, s13;
	s11 =	sadd.s32 $0x280, s13;
	(pc) =	sbr.rel @p2 .LBB2_10-.Ltmp4, $4  }
0x21c: {  	[tilespmem:s10], [sflag:$0x4] =	stream.indirect.gather [spmem:s2], $0x1, s11, s0, $0x2000b8;
	[tilespmem:$0x1F728] =	vst v63  }
0x21d: {  	s10 =	sadd.s32 $0x9F00, s13;
	s11 =	sadd.s32 $0x300, s13  }
0x21e: {  	[tilespmem:s10], [sflag:$0x4] =	stream.indirect.gather [spmem:s2], $0x1, s11, s0, $0x2000b8;
	[tilespmem:$0x1F728] =	vst v63  }
0x21f: {  	s9 =	sadd.s32 $0x1000, s9;
	s10 =	sadd.s32 $0x9F80, s13;
	s11 =	sadd.s32 $0x380, s13  }
0x220: {  	[tilespmem:s10], [sflag:$0x4] =	stream.indirect.gather [spmem:s2], $0x1, s11, s0, $0x2000b8;
	[tilespmem:$0x1F728] =	vst v63  }
0x221: {  	s6 =	sadd.s32 $0x9C00, s5  }
0x222: {  	[tilespmem:s6], [sflag:$0x4] =	stream.indirect.gather [spmem:s2], $0x1, s5, s0, $0x2000b8;
	[tilespmem:$0x1F728] =	vst v63  }
0x223: {  	s11 =	sadd.s32 $0x9C80, s5;
	s9 =	sadd.s32 $0x80, s5  }
0x224: {  	[tilespmem:s11], [sflag:$0x4] =	stream.indirect.gather [spmem:s2], $0x1, s9, s0, $0x2000b8;
	[tilespmem:$0x1F728] =	vst v63  }
0x225: {  	s12 =	sadd.s32 $0x9D00, s5;
	s13 =	sadd.s32 $0x100, s5  }
0x226: {  	[tilespmem:s12], [sflag:$0x4] =	stream.indirect.gather [spmem:s2], $0x1, s13, s0, $0x2000b8;
	[tilespmem:$0x1F728] =	vst v63  }
0x227: {  	s10 =	sadd.s32 $0x9D80, s5;
	s11 =	sadd.s32 $0x180, s5  }
0x228: {  	[tilespmem:s10], [sflag:$0x4] =	stream.indirect.gather [spmem:s2], $0x1, s11, s0, $0x2000b8;
	[tilespmem:$0x1F728] =	vst v63  }
0x229: {  	s12 =	sadd.s32 $0x9E00, s5;
	s13 =	sadd.s32 $0x200, s5  }
0x22a: {  	[tilespmem:s12], [sflag:$0x4] =	stream.indirect.gather [spmem:s2], $0x1, s13, s0, $0x2000b8;
	[tilespmem:$0x1F728] =	vst v63  }
0x22b: {  	s10 =	sadd.s32 $0x9E80, s5;
	s11 =	sadd.s32 $0x280, s5  }
0x22c: {  	[tilespmem:s10], [sflag:$0x4] =	stream.indirect.gather [spmem:s2], $0x1, s11, s0, $0x2000b8;
	[tilespmem:$0x1F728] =	vst v63  }
0x22d: {  	s12 =	sadd.s32 $0x9F00, s5;
	s13 =	sadd.s32 $0x300, s5  }
0x22e: {  	[tilespmem:s12], [sflag:$0x4] =	stream.indirect.gather [spmem:s2], $0x1, s13, s0, $0x2000b8;
	[tilespmem:$0x1F728] =	vst v63  }
0x22f: {  	s9 =	sadd.s32 $0x9F80, s5;
	s10 =	sadd.s32 $0x380, s5  }
0x230: {  	[tilespmem:s9], [sflag:$0x4] =	stream.indirect.gather [spmem:s2], $0x1, s10, s0, $0x2000b8;
	[tilespmem:$0x1F728] =	vst v63  }
0x231: {  	_ = 	snop  }
0x232: {  	[tilespmem:s4], [sflag:$0x4] =	stream.indirect.gather [spmem:s2], $0x1, s21, s0, $0x2000b8;
	[tilespmem:$0x1F728] =	vst v63  }
0x233: {  	s11 =	simm.s32 $0x3080  }
0x234: {  	[tilespmem:s1], [sflag:$0x4] =	stream.indirect.gather [spmem:s2], $0x1, s11, s0, $0x2000b8;
	[tilespmem:$0x1F728] =	vst v63  }
0x235: {  	s12 =	simm.s32 $0x3100  }
0x236: {  	[tilespmem:s8], [sflag:$0x4] =	stream.indirect.gather [spmem:s2], $0x1, s12, s0, $0x2000b8;
	[tilespmem:$0x1F728] =	vst v63  }
0x237: {  	s13 =	simm.s32 $0x3180  }
0x238: {  	[tilespmem:s30], [sflag:$0x4] =	stream.indirect.gather [spmem:s2], $0x1, s13, s0, $0x2000b8;
	[tilespmem:$0x1F728] =	vst v63  }
0x239: {  	_ =	swait.ge [sflag:s16], $0x3200  }
0x23a: {  	[sflag:s16] =	ssyncset.done $0x0  }
0x23b: {  	[sflag:s16] =	ssyncadd.s32 $0xFFFFCE00  }
0x23c: {  	_ =	strace $0x90000050  }
0x23d: {  	_ =	strace $0x80000051  }
0x23e: {  	_ =	swait.ge [sflag:s15], $0x80  }
0x23f: {  	[sflag:s15] =	ssyncset.done $0x0  }
0x240: {  	s9 =	simm.s32 $0x6880;
	[sflag:s15] =	ssyncadd.s32 $0xFFFFFF80  }
0x241: {  	s5 =	simm.s32 $0x9C80;
	v1 =	vld [tilespmem:s9+$0xFFFFFFF0]  }
0x242: {  	v3 =	vld [tilespmem:s5+$0xFFFFFFF0]  }
0x243: {  	v12 =	vld [tilespmem:s9+$0xFFFFFFD0]  }
0x244: {  	v2 =	vld [tilespmem:s5+$0xFFFFFFE0]  }
0x245: {  	v5 =	vld [tilespmem:s9+$0xFFFFFFE0]  }
0x246: {  	v15 =	vld [tilespmem:s5+$0xFFFFFFD0]  }
0x247: {  	v10 =	vimm.f32 $0.0e+00;
	v11 =	vimm.f32 $0.0e+00;
	v8 =	vimm.f32 $0.0e+00;
	v13 =	vld [tilespmem:s9+$0xFFFFFFC0]  }
0x248: {  	v9 =	vimm.f32 $0.0e+00;
	v6 =	vimm.f32 $0.0e+00;
	v7 =	vimm.f32 $0.0e+00;
	v16 =	vld [tilespmem:s5+$0xFFFFFFC0]  }
0x249: {  	v4 =	vimm.f32 $0.0e+00;
	s6 =	simm.s32 $0x6880;
	s10 =	simm.s32 $0x0;
	s11 =	simm.s32 $0x9C80;
	v14 =	vld [tilespmem:s9+$0xFFFFFFB0];
	v3 =	vmul.f32 v1, v3;
	v1 =	vimm.f32 $0.0e+00  }
.LBB2_12:
0x24a: {  	s10 =	sadd.s32 $0x2, s10;
	v17 =	vld [tilespmem:s5+$0xFFFFFFB0];
	s9 =	sadd.s32 $0x100, s9;
	s11 =	sadd.s32 $0x100, s11  }
0x24b: {  	p2 =	slt.u32 s10, $0x62;
	v18 =	vld [tilespmem:s6+$0xFFFFFFA0];
	v12 =	vmul.f32 v12, v15  }
0x24c: {  	v15 =	vld [tilespmem:s5+$0xFFFFFFA0]  }
0x24d: {  	v19 =	vld [tilespmem:s6+$0xFFFFFF90];
	v13 =	vmul.f32 v13, v16  }
0x24e: {  	v16 =	vld [tilespmem:s5+$0xFFFFFF90]  }
0x24f: {  	v20 =	vld [tilespmem:s5+$0xFFFFFF80];
	v14 =	vmul.f32 v14, v17  }
0x250: {  	v17 =	vld [tilespmem:s6+$0xFFFFFF80]  }
0x251: {  	v15 =	vmul.f32 v18, v15;
	_ =	swait.ge [sflag:s15], $0x80  }
0x252: {  	[sflag:s15] =	ssyncset.done $0x0  }
0x253: {  	v16 =	vmul.f32 v19, v16;
	[sflag:s15] =	ssyncadd.s32 $0xFFFFFF80  }
0x254: {  	v18 =	vld [tilespmem:s6+$0x30]  }
0x255: {  	v17 =	vmul.f32 v17, v20;
	v19 =	vld [tilespmem:s5+$0x10]  }
0x256: {  	v20 =	vld [tilespmem:s6+$0x10]  }
0x257: {  	v21 =	vld [tilespmem:s5+$0x20]  }
0x258: {  	v22 =	vld [tilespmem:s6+$0x20]  }
0x259: {  	v23 =	vld [tilespmem:s5+$0x0]  }
0x25a: {  	v24 =	vld [tilespmem:s5+$0x30]  }
0x25b: {  	v10 =	vadd.f32 v16, v10;
	v16 =	vld [tilespmem:s6+$0x0];
	v19 =	vmul.f32 v20, v19  }
0x25c: {  	v20 =	vld [tilespmem:s5+$0x40]  }
0x25d: {  	v11 =	vadd.f32 v15, v11;
	v10 =	vadd.f32 v19, v10;
	v15 =	vmul.f32 v22, v21;
	v19 =	vld [tilespmem:s6+$0x70]  }
0x25e: {  	v21 =	vld [tilespmem:s5+$0x50]  }
0x25f: {  	v8 =	vadd.f32 v14, v8;
	v11 =	vadd.f32 v15, v11;
	v14 =	vmul.f32 v18, v24;
	v15 =	vld [tilespmem:s6+$0x50]  }
0x260: {  	v9 =	vadd.f32 v17, v9;
	v16 =	vmul.f32 v16, v23;
	v17 =	vld [tilespmem:s6+$0x40]  }
0x261: {  	v8 =	vadd.f32 v14, v8;
	v14 =	vld [tilespmem:s6+$0x60];
	s6 =	smov.u32 s9  }
0x262: {  	v9 =	vadd.f32 v16, v9;
	v16 =	vld [tilespmem:s5+$0x70]  }
0x263: {  	v18 =	vld [tilespmem:s5+$0x60];
	s5 =	smov.u32 s11  }
0x264: {  	v6 =	vadd.f32 v12, v6;
	v12 =	vmul.f32 v15, v21  }
0x265: {  	v7 =	vadd.f32 v13, v7;
	_ =	swait.ge [sflag:s15], $0x80;
	v13 =	vmul.f32 v17, v20  }
0x266: {  	v2 =	vmul.f32 v5, v2;
	[sflag:s15] =	ssyncset.done $0x0;
	v6 =	vadd.f32 v12, v6  }
0x267: {  	v1 =	vadd.f32 v3, v1;
	[sflag:s15] =	ssyncadd.s32 $0xFFFFFF80;
	v7 =	vadd.f32 v13, v7;
	v3 =	vmul.f32 v19, v16  }
0x268: {  	v2 =	vadd.f32 v2, v4;
	v12 =	vld [tilespmem:s9+$0xFFFFFFD0];
	v4 =	vmul.f32 v14, v18  }
0x269: {  	v14 =	vld [tilespmem:s9+$0xFFFFFFF0];
	v1 =	vadd.f32 v3, v1  }
0x26a: {  	v3 =	vld [tilespmem:s11+$0xFFFFFFF0];
	v4 =	vadd.f32 v4, v2  }
0x26b: {  	v2 =	vld [tilespmem:s11+$0xFFFFFFE0]  }
.Ltmp5:
0x26c: {  	v5 =	vld [tilespmem:s9+$0xFFFFFFE0];
	(pc) =	sbr.rel @p2 .LBB2_12-.Ltmp5, $4  }
0x26d: {  	v15 =	vld [tilespmem:s11+$0xFFFFFFD0]  }
0x26e: {  	v13 =	vld [tilespmem:s9+$0xFFFFFFC0]  }
0x26f: {  	v16 =	vld [tilespmem:s11+$0xFFFFFFC0];
	v3 =	vmul.f32 v14, v3  }
0x270: {  	v14 =	vld [tilespmem:s9+$0xFFFFFFB0]  }
0x271: {  	v17 =	vld [tilespmem:s5+$0xFFFFFFB0]  }
0x272: {  	v18 =	vld [tilespmem:s6+$0xFFFFFFA0]  }
0x273: {  	v19 =	vld [tilespmem:s5+$0xFFFFFFA0]  }
0x274: {  	v20 =	vld [tilespmem:s6+$0xFFFFFF90]  }
0x275: {  	v21 =	vld [tilespmem:s5+$0xFFFFFF90]  }
0x276: {  	v22 =	vld [tilespmem:s5+$0xFFFFFF80]  }
0x277: {  	v23 =	vld [tilespmem:s6+$0xFFFFFF80];
	_ =	swait.ge [sflag:s15], $0x80  }
0x278: {  	[sflag:s15] =	ssyncset.done $0x0  }
0x279: {  	[sflag:s15] =	ssyncadd.s32 $0xFFFFFF80  }
0x27a: {  	v24 =	vld [tilespmem:s6+$0x30]  }
0x27b: {  	v25 =	vld [tilespmem:s5+$0x10]  }
0x27c: {  	v26 =	vld [tilespmem:s6+$0x10]  }
0x27d: {  	v27 =	vld [tilespmem:s5+$0x20]  }
0x27e: {  	v28 =	vld [tilespmem:s6+$0x20]  }
0x27f: {  	v29 =	vld [tilespmem:s5+$0x0]  }
0x280: {  	v30 =	vld [tilespmem:s5+$0x30]  }
0x281: {  	v31 =	vld [tilespmem:s6+$0x0]  }
0x282: {  	v32 =	vld [tilespmem:s5+$0x40]  }
0x283: {  	v2 =	vmul.f32 v5, v2;
	v43 =	vld [tilespmem:s5+$0x50]  }
0x284: {  	v1 =	vadd.f32 v3, v1;
	v12 =	vmul.f32 v12, v15;
	v45 =	vld [tilespmem:s6+$0x50]  }
0x285: {  	v2 =	vadd.f32 v2, v4;
	v13 =	vmul.f32 v13, v16;
	v48 =	vld [tilespmem:s6+$0x40];
	v46 =	vmul.f32 v23, v22  }
0x286: {  	v50 =	vld [tilespmem:s6+$0x70];
	v6 =	vadd.f32 v12, v6;
	v42 =	vmul.f32 v20, v21;
	v44 =	vmul.f32 v18, v19  }
0x287: {  	v52 =	vld [tilespmem:s6+$0x60];
	v14 =	vmul.f32 v14, v17;
	v9 =	vadd.f32 v46, v9;
	v51 =	vmul.f32 v31, v29  }
0x288: {  	v54 =	vld [tilespmem:s5+$0x60];
	v7 =	vadd.f32 v13, v7;
	v10 =	vadd.f32 v42, v10;
	v47 =	vmul.f32 v26, v25  }
0x289: {  	v55 =	vld [tilespmem:s5+$0x70];
	v11 =	vadd.f32 v44, v11;
	v49 =	vmul.f32 v28, v27;
	v9 =	vadd.f32 v51, v9  }
0x28a: {  	v8 =	vadd.f32 v14, v8;
	v53 =	vmul.f32 v24, v30;
	v10 =	vadd.f32 v47, v10  }
0x28b: {  	v57 =	vmul.f32 v48, v32;
	v11 =	vadd.f32 v49, v11;
	v59 =	vadd.f32 v9, v0  }
0x28c: {  	v56 =	vmul.f32 v45, v43;
	v8 =	vadd.f32 v53, v8;
	v60 =	vadd.f32 v10, v0  }
0x28d: {  	v61 =	vmul.f32 v52, v54;
	v7 =	vadd.f32 v57, v7;
	v62 =	vadd.f32 v11, v0;
	[tilespmem:$0xD000] =	vst v59  }
0x28e: {  	v3 =	vmul.f32 v50, v55;
	v58 =	vadd.f32 v56, v6;
	v8 =	vadd.f32 v8, v0;
	[tilespmem:$0xD010] =	vst v60  }
0x28f: {  	v2 =	vadd.f32 v61, v2;
	v63 =	vadd.f32 v7, v0;
	[tilespmem:$0xD020] =	vst v62  }
0x290: {  	v1 =	vadd.f32 v3, v1;
	v3 =	vadd.f32 v58, v0;
	[tilespmem:$0xD030] =	vst v8  }
0x291: {  	v2 =	vadd.f32 v2, v0;
	[tilespmem:$0xD040] =	vst v63  }
0x292: {  	v1 =	vadd.f32 v1, v0;
	[tilespmem:$0xD050] =	vst v3  }
0x293: {  	[tilespmem:$0xD060] =	vst v2  }
0x294: {  	s9 =	simm.s32 $0x0;
	s10 =	rddreg [dreg:$0x12];
	[tilespmem:$0xD070] =	vst v1  }
0x295: {  	[hbm4b:s10+s9] =	stream.linear.scatter [tilespmem:s17], [sflag:$0x5], $0x80, $0x200038;
	[tilespmem:$0x1F728] =	vst v63  }
0x296: {  	_ =	swait.ge [sflag:s28], $0x80  }
0x297: {  	[sflag:s28] =	ssyncset.done $0x0  }
0x298: {  	[sflag:s28] =	ssyncadd.s32 $0xFFFFFF80  }
0x299: {  	[tilespmem:s22], [sflag:$0x3] =	stream.strided.gather [hbm4b:s14+s19], $0x3000, s20, s19, $0x200038;
	[tilespmem:$0x1F728] =	vst v63  }
0x29a: {  	s11 =	sadd.s32 $0x30000, s14  }
0x29b: {  	[tilespmem:s23], [sflag:$0x3] =	stream.linear.gather [hbm4b:s11+s9], $0x200, $0x200038;
	[tilespmem:$0x1F728] =	vst v63  }
0x29c: {  	_ =	strace $0x90000051  }
0x29d: {  	_ =	strace $0x80000052  }
0x29e: {  	_ =	swait.ge [sflag:s29], $0x3200  }
0x29f: {  	[sflag:s29] =	ssyncset.done $0x0  }
0x2a0: {  	[sflag:s29] =	ssyncadd.s32 $0xFFFFCE00  }
0x2a1: {  	_ =	strace $0x90000052  }
0x2a2: {  	s12 =	simm.s32 $0x9C00;
	s13 =	simm.s32 $0x3400;
	_ =	strace $0x80000053  }
0x2a3: {  	[tilespmem:s12], [sflag:$0x4] =	stream.indirect.gather [spmem:s2], $0x1, s13, s0, $0x2000b8;
	[tilespmem:$0x1F728] =	vst v63  }
0x2a4: {  	s6 =	simm.s32 $0x9C80;
	s9 =	simm.s32 $0x3480  }
0x2a5: {  	[tilespmem:s6], [sflag:$0x4] =	stream.indirect.gather [spmem:s2], $0x1, s9, s0, $0x2000b8;
	[tilespmem:$0x1F728] =	vst v63  }
0x2a6: {  	s5 =	simm.s32 $0x400;
	s10 =	simm.s32 $0x9D00;
	s11 =	simm.s32 $0x3500  }
0x2a7: {  	[tilespmem:s10], [sflag:$0x4] =	stream.indirect.gather [spmem:s2], $0x1, s11, s0, $0x2000b8;
	[tilespmem:$0x1F728] =	vst v63  }
0x2a8: {  	s12 =	simm.s32 $0x9D80;
	s13 =	simm.s32 $0x3580;
	s6 =	simm.s32 $0x9E00  }
0x2a9: {  	[tilespmem:s12], [sflag:$0x4] =	stream.indirect.gather [spmem:s2], $0x1, s13, s0, $0x2000b8;
	[tilespmem:$0x1F728] =	vst v63  }
0x2aa: {  	s9 =	simm.s32 $0x3600;
	s10 =	simm.s32 $0x9E80;
	s11 =	simm.s32 $0x3680  }
0x2ab: {  	[tilespmem:s6], [sflag:$0x4] =	stream.indirect.gather [spmem:s2], $0x1, s9, s0, $0x2000b8;
	[tilespmem:$0x1F728] =	vst v63  }
0x2ac: {  	s12 =	simm.s32 $0x9F00;
	s13 =	simm.s32 $0x3700;
	s6 =	simm.s32 $0x8  }
0x2ad: {  	[tilespmem:s10], [sflag:$0x4] =	stream.indirect.gather [spmem:s2], $0x1, s11, s0, $0x2000b8;
	[tilespmem:$0x1F728] =	vst v63  }
0x2ae: {  	s9 =	simm.s32 $0x2000;
	s10 =	simm.s32 $0x9F80;
	s11 =	simm.s32 $0x3780  }
0x2af: {  	[tilespmem:s12], [sflag:$0x4] =	stream.indirect.gather [spmem:s2], $0x1, s13, s0, $0x2000b8;
	[tilespmem:$0x1F728] =	vst v63  }
.LBB2_14:
0x2b0: {  	[tilespmem:s10], [sflag:$0x4] =	stream.indirect.gather [spmem:s2], $0x1, s11, s0, $0x2000b8;
	[tilespmem:$0x1F728] =	vst v63  }
0x2b1: {  	s10 =	sshra.s32 s9, $0x2;
	s11 =	sadd.s32 $0x9C00, s5;
	s12 =	sadd.s32 $0x3400, s5  }
0x2b2: {  	[tilespmem:s11], [sflag:$0x4] =	stream.indirect.gather [spmem:s2], $0x1, s12, s0, $0x2000b8;
	[tilespmem:$0x1F728] =	vst v63  }
0x2b3: {  	s6 =	sadd.s32 $0x8, s6;
	s11 =	sadd.s32 $0x9C80, s5;
	s12 =	sadd.s32 $0x3480, s5  }
0x2b4: {  	[tilespmem:s11], [sflag:$0x4] =	stream.indirect.gather [spmem:s2], $0x1, s12, s0, $0x2000b8;
	[tilespmem:$0x1F728] =	vst v63  }
0x2b5: {  	p2 =	slt.u32 s6, $0x58;
	s11 =	sadd.s32 $0x9D00, s5;
	s12 =	sadd.s32 $0x3500, s5  }
0x2b6: {  	[tilespmem:s11], [sflag:$0x4] =	stream.indirect.gather [spmem:s2], $0x1, s12, s0, $0x2000b8;
	[tilespmem:$0x1F728] =	vst v63  }
0x2b7: {  	s13 =	smov.u32 s5;
	s11 =	sadd.s32 $0x9D80, s5;
	s12 =	sadd.s32 $0x3580, s5  }
0x2b8: {  	[tilespmem:s11], [sflag:$0x4] =	stream.indirect.gather [spmem:s2], $0x1, s12, s0, $0x2000b8;
	[tilespmem:$0x1F728] =	vst v63  }
0x2b9: {  	s5 =	smov.u32 s10;
	s11 =	sadd.s32 $0x9E00, s13;
	s12 =	sadd.s32 $0x3600, s13  }
0x2ba: {  	[tilespmem:s11], [sflag:$0x4] =	stream.indirect.gather [spmem:s2], $0x1, s12, s0, $0x2000b8;
	[tilespmem:$0x1F728] =	vst v63  }
.Ltmp6:
0x2bb: {  	s10 =	sadd.s32 $0x9E80, s13;
	s11 =	sadd.s32 $0x3680, s13;
	(pc) =	sbr.rel @p2 .LBB2_14-.Ltmp6, $4  }
0x2bc: {  	[tilespmem:s10], [sflag:$0x4] =	stream.indirect.gather [spmem:s2], $0x1, s11, s0, $0x2000b8;
	[tilespmem:$0x1F728] =	vst v63  }
0x2bd: {  	s10 =	sadd.s32 $0x9F00, s13;
	s11 =	sadd.s32 $0x3700, s13  }
0x2be: {  	[tilespmem:s10], [sflag:$0x4] =	stream.indirect.gather [spmem:s2], $0x1, s11, s0, $0x2000b8;
	[tilespmem:$0x1F728] =	vst v63  }
0x2bf: {  	s9 =	sadd.s32 $0x1000, s9;
	s10 =	sadd.s32 $0x9F80, s13;
	s11 =	sadd.s32 $0x3780, s13  }
0x2c0: {  	[tilespmem:s10], [sflag:$0x4] =	stream.indirect.gather [spmem:s2], $0x1, s11, s0, $0x2000b8;
	[tilespmem:$0x1F728] =	vst v63  }
0x2c1: {  	s6 =	sadd.s32 $0x9C00, s5;
	s9 =	sadd.s32 $0x3400, s5  }
0x2c2: {  	[tilespmem:s6], [sflag:$0x4] =	stream.indirect.gather [spmem:s2], $0x1, s9, s0, $0x2000b8;
	[tilespmem:$0x1F728] =	vst v63  }
0x2c3: {  	s10 =	sadd.s32 $0x9C80, s5;
	s11 =	sadd.s32 $0x3480, s5  }
0x2c4: {  	[tilespmem:s10], [sflag:$0x4] =	stream.indirect.gather [spmem:s2], $0x1, s11, s0, $0x2000b8;
	[tilespmem:$0x1F728] =	vst v63  }
0x2c5: {  	s12 =	sadd.s32 $0x9D00, s5;
	s13 =	sadd.s32 $0x3500, s5  }
0x2c6: {  	[tilespmem:s12], [sflag:$0x4] =	stream.indirect.gather [spmem:s2], $0x1, s13, s0, $0x2000b8;
	[tilespmem:$0x1F728] =	vst v63  }
0x2c7: {  	s10 =	sadd.s32 $0x9D80, s5;
	s11 =	sadd.s32 $0x3580, s5  }
0x2c8: {  	[tilespmem:s10], [sflag:$0x4] =	stream.indirect.gather [spmem:s2], $0x1, s11, s0, $0x2000b8;
	[tilespmem:$0x1F728] =	vst v63  }
0x2c9: {  	s12 =	sadd.s32 $0x9E00, s5;
	s13 =	sadd.s32 $0x3600, s5  }
0x2ca: {  	[tilespmem:s12], [sflag:$0x4] =	stream.indirect.gather [spmem:s2], $0x1, s13, s0, $0x2000b8;
	[tilespmem:$0x1F728] =	vst v63  }
0x2cb: {  	s10 =	sadd.s32 $0x9E80, s5;
	s11 =	sadd.s32 $0x3680, s5  }
0x2cc: {  	[tilespmem:s10], [sflag:$0x4] =	stream.indirect.gather [spmem:s2], $0x1, s11, s0, $0x2000b8;
	[tilespmem:$0x1F728] =	vst v63  }
0x2cd: {  	s12 =	sadd.s32 $0x9F00, s5;
	s13 =	sadd.s32 $0x3700, s5  }
0x2ce: {  	[tilespmem:s12], [sflag:$0x4] =	stream.indirect.gather [spmem:s2], $0x1, s13, s0, $0x2000b8;
	[tilespmem:$0x1F728] =	vst v63  }
0x2cf: {  	s9 =	sadd.s32 $0x9F80, s5;
	s10 =	sadd.s32 $0x3780, s5  }
0x2d0: {  	[tilespmem:s9], [sflag:$0x4] =	stream.indirect.gather [spmem:s2], $0x1, s10, s0, $0x2000b8;
	[tilespmem:$0x1F728] =	vst v63  }
0x2d1: {  	_ = 	snop  }
0x2d2: {  	[tilespmem:s4], [sflag:$0x4] =	stream.indirect.gather [spmem:s2], $0x1, s31, s0, $0x2000b8;
	[tilespmem:$0x1F728] =	vst v63  }
0x2d3: {  	s11 =	simm.s32 $0x6480  }
0x2d4: {  	[tilespmem:s1], [sflag:$0x4] =	stream.indirect.gather [spmem:s2], $0x1, s11, s0, $0x2000b8;
	[tilespmem:$0x1F728] =	vst v63  }
0x2d5: {  	s12 =	simm.s32 $0x6500  }
0x2d6: {  	[tilespmem:s8], [sflag:$0x4] =	stream.indirect.gather [spmem:s2], $0x1, s12, s0, $0x2000b8;
	[tilespmem:$0x1F728] =	vst v63  }
0x2d7: {  	s13 =	simm.s32 $0x6580  }
0x2d8: {  	[tilespmem:s30], [sflag:$0x4] =	stream.indirect.gather [spmem:s2], $0x1, s13, s0, $0x2000b8;
	[tilespmem:$0x1F728] =	vst v63  }
0x2d9: {  	_ =	swait.ge [sflag:s16], $0x3200  }
0x2da: {  	[sflag:s16] =	ssyncset.done $0x0  }
0x2db: {  	[sflag:s16] =	ssyncadd.s32 $0xFFFFCE00  }
0x2dc: {  	_ =	strace $0x90000053  }
0x2dd: {  	_ =	strace $0x80000054  }
0x2de: {  	_ =	swait.ge [sflag:s15], $0x80  }
0x2df: {  	[sflag:s15] =	ssyncset.done $0x0  }
0x2e0: {  	s9 =	simm.s32 $0x6880;
	[sflag:s15] =	ssyncadd.s32 $0xFFFFFF80  }
0x2e1: {  	s5 =	simm.s32 $0x9C80;
	v1 =	vld [tilespmem:s9+$0xFFFFFFF0]  }
0x2e2: {  	v3 =	vld [tilespmem:s5+$0xFFFFFFF0]  }
0x2e3: {  	v12 =	vld [tilespmem:s9+$0xFFFFFFD0]  }
0x2e4: {  	v2 =	vld [tilespmem:s5+$0xFFFFFFE0]  }
0x2e5: {  	v5 =	vld [tilespmem:s9+$0xFFFFFFE0]  }
0x2e6: {  	v15 =	vld [tilespmem:s5+$0xFFFFFFD0]  }
0x2e7: {  	v10 =	vimm.f32 $0.0e+00;
	v11 =	vimm.f32 $0.0e+00;
	v8 =	vimm.f32 $0.0e+00;
	v13 =	vld [tilespmem:s9+$0xFFFFFFC0]  }
0x2e8: {  	v9 =	vimm.f32 $0.0e+00;
	v6 =	vimm.f32 $0.0e+00;
	v7 =	vimm.f32 $0.0e+00;
	v16 =	vld [tilespmem:s5+$0xFFFFFFC0]  }
0x2e9: {  	v4 =	vimm.f32 $0.0e+00;
	s6 =	simm.s32 $0x6880;
	s10 =	simm.s32 $0x0;
	s11 =	simm.s32 $0x9C80;
	v14 =	vld [tilespmem:s9+$0xFFFFFFB0];
	v3 =	vmul.f32 v1, v3;
	v1 =	vimm.f32 $0.0e+00  }
.LBB2_16:
0x2ea: {  	s10 =	sadd.s32 $0x2, s10;
	v17 =	vld [tilespmem:s5+$0xFFFFFFB0];
	s9 =	sadd.s32 $0x100, s9;
	s11 =	sadd.s32 $0x100, s11  }
0x2eb: {  	p2 =	slt.u32 s10, $0x62;
	v18 =	vld [tilespmem:s6+$0xFFFFFFA0];
	v12 =	vmul.f32 v12, v15  }
0x2ec: {  	v15 =	vld [tilespmem:s5+$0xFFFFFFA0]  }
0x2ed: {  	v19 =	vld [tilespmem:s6+$0xFFFFFF90];
	v13 =	vmul.f32 v13, v16  }
0x2ee: {  	v16 =	vld [tilespmem:s5+$0xFFFFFF90]  }
0x2ef: {  	v20 =	vld [tilespmem:s5+$0xFFFFFF80];
	v14 =	vmul.f32 v14, v17  }
0x2f0: {  	v17 =	vld [tilespmem:s6+$0xFFFFFF80]  }
0x2f1: {  	v15 =	vmul.f32 v18, v15;
	_ =	swait.ge [sflag:s15], $0x80  }
0x2f2: {  	[sflag:s15] =	ssyncset.done $0x0  }
0x2f3: {  	v16 =	vmul.f32 v19, v16;
	[sflag:s15] =	ssyncadd.s32 $0xFFFFFF80  }
0x2f4: {  	v18 =	vld [tilespmem:s6+$0x30]  }
0x2f5: {  	v17 =	vmul.f32 v17, v20;
	v19 =	vld [tilespmem:s5+$0x10]  }
0x2f6: {  	v20 =	vld [tilespmem:s6+$0x10]  }
0x2f7: {  	v21 =	vld [tilespmem:s5+$0x20]  }
0x2f8: {  	v22 =	vld [tilespmem:s6+$0x20]  }
0x2f9: {  	v23 =	vld [tilespmem:s5+$0x0]  }
0x2fa: {  	v24 =	vld [tilespmem:s5+$0x30]  }
0x2fb: {  	v10 =	vadd.f32 v16, v10;
	v16 =	vld [tilespmem:s6+$0x0];
	v19 =	vmul.f32 v20, v19  }
0x2fc: {  	v20 =	vld [tilespmem:s5+$0x40]  }
0x2fd: {  	v11 =	vadd.f32 v15, v11;
	v10 =	vadd.f32 v19, v10;
	v15 =	vmul.f32 v22, v21;
	v19 =	vld [tilespmem:s6+$0x70]  }
0x2fe: {  	v21 =	vld [tilespmem:s5+$0x50]  }
0x2ff: {  	v8 =	vadd.f32 v14, v8;
	v11 =	vadd.f32 v15, v11;
	v14 =	vmul.f32 v18, v24;
	v15 =	vld [tilespmem:s6+$0x50]  }
0x300: {  	v9 =	vadd.f32 v17, v9;
	v16 =	vmul.f32 v16, v23;
	v17 =	vld [tilespmem:s6+$0x40]  }
0x301: {  	v8 =	vadd.f32 v14, v8;
	v14 =	vld [tilespmem:s6+$0x60];
	s6 =	smov.u32 s9  }
0x302: {  	v9 =	vadd.f32 v16, v9;
	v16 =	vld [tilespmem:s5+$0x70]  }
0x303: {  	v18 =	vld [tilespmem:s5+$0x60];
	s5 =	smov.u32 s11  }
0x304: {  	v6 =	vadd.f32 v12, v6;
	v12 =	vmul.f32 v15, v21  }
0x305: {  	v7 =	vadd.f32 v13, v7;
	_ =	swait.ge [sflag:s15], $0x80;
	v13 =	vmul.f32 v17, v20  }
0x306: {  	v2 =	vmul.f32 v5, v2;
	[sflag:s15] =	ssyncset.done $0x0;
	v6 =	vadd.f32 v12, v6  }
0x307: {  	v1 =	vadd.f32 v3, v1;
	[sflag:s15] =	ssyncadd.s32 $0xFFFFFF80;
	v7 =	vadd.f32 v13, v7;
	v3 =	vmul.f32 v19, v16  }
0x308: {  	v2 =	vadd.f32 v2, v4;
	v12 =	vld [tilespmem:s9+$0xFFFFFFD0];
	v4 =	vmul.f32 v14, v18  }
0x309: {  	v14 =	vld [tilespmem:s9+$0xFFFFFFF0];
	v1 =	vadd.f32 v3, v1  }
0x30a: {  	v3 =	vld [tilespmem:s11+$0xFFFFFFF0];
	v4 =	vadd.f32 v4, v2  }
0x30b: {  	v2 =	vld [tilespmem:s11+$0xFFFFFFE0]  }
.Ltmp7:
0x30c: {  	v5 =	vld [tilespmem:s9+$0xFFFFFFE0];
	(pc) =	sbr.rel @p2 .LBB2_16-.Ltmp7, $4  }
0x30d: {  	v15 =	vld [tilespmem:s11+$0xFFFFFFD0]  }
0x30e: {  	v13 =	vld [tilespmem:s9+$0xFFFFFFC0]  }
0x30f: {  	v16 =	vld [tilespmem:s11+$0xFFFFFFC0];
	v3 =	vmul.f32 v14, v3  }
0x310: {  	v14 =	vld [tilespmem:s9+$0xFFFFFFB0]  }
0x311: {  	v17 =	vld [tilespmem:s5+$0xFFFFFFB0]  }
0x312: {  	v18 =	vld [tilespmem:s6+$0xFFFFFFA0]  }
0x313: {  	v19 =	vld [tilespmem:s5+$0xFFFFFFA0]  }
0x314: {  	v20 =	vld [tilespmem:s6+$0xFFFFFF90]  }
0x315: {  	v21 =	vld [tilespmem:s5+$0xFFFFFF90]  }
0x316: {  	v22 =	vld [tilespmem:s5+$0xFFFFFF80]  }
0x317: {  	v23 =	vld [tilespmem:s6+$0xFFFFFF80];
	_ =	swait.ge [sflag:s15], $0x80  }
0x318: {  	[sflag:s15] =	ssyncset.done $0x0  }
0x319: {  	[sflag:s15] =	ssyncadd.s32 $0xFFFFFF80  }
0x31a: {  	v24 =	vld [tilespmem:s6+$0x30]  }
0x31b: {  	v25 =	vld [tilespmem:s5+$0x10]  }
0x31c: {  	v26 =	vld [tilespmem:s6+$0x10]  }
0x31d: {  	v27 =	vld [tilespmem:s5+$0x20]  }
0x31e: {  	v28 =	vld [tilespmem:s6+$0x20]  }
0x31f: {  	v29 =	vld [tilespmem:s5+$0x0]  }
0x320: {  	v30 =	vld [tilespmem:s5+$0x30]  }
0x321: {  	v31 =	vld [tilespmem:s6+$0x0]  }
0x322: {  	v32 =	vld [tilespmem:s5+$0x40]  }
0x323: {  	v2 =	vmul.f32 v5, v2;
	v40 =	vld [tilespmem:s5+$0x50]  }
0x324: {  	v1 =	vadd.f32 v3, v1;
	v12 =	vmul.f32 v12, v15;
	v42 =	vld [tilespmem:s6+$0x50]  }
0x325: {  	v2 =	vadd.f32 v2, v4;
	v13 =	vmul.f32 v13, v16;
	v45 =	vld [tilespmem:s6+$0x40];
	v43 =	vmul.f32 v23, v22  }
0x326: {  	v47 =	vld [tilespmem:s6+$0x70];
	v6 =	vadd.f32 v12, v6;
	v39 =	vmul.f32 v20, v21;
	v41 =	vmul.f32 v18, v19  }
0x327: {  	v49 =	vld [tilespmem:s6+$0x60];
	v14 =	vmul.f32 v14, v17;
	v9 =	vadd.f32 v43, v9;
	v48 =	vmul.f32 v31, v29  }
0x328: {  	v51 =	vld [tilespmem:s5+$0x60];
	v7 =	vadd.f32 v13, v7;
	v10 =	vadd.f32 v39, v10;
	v44 =	vmul.f32 v26, v25  }
0x329: {  	v52 =	vld [tilespmem:s5+$0x70];
	v11 =	vadd.f32 v41, v11;
	v46 =	vmul.f32 v28, v27;
	v9 =	vadd.f32 v48, v9  }
0x32a: {  	v8 =	vadd.f32 v14, v8;
	v50 =	vmul.f32 v24, v30;
	v10 =	vadd.f32 v44, v10  }
0x32b: {  	v54 =	vmul.f32 v45, v32;
	v11 =	vadd.f32 v46, v11;
	v56 =	vadd.f32 v9, v0  }
0x32c: {  	v53 =	vmul.f32 v42, v40;
	v8 =	vadd.f32 v50, v8;
	v57 =	vadd.f32 v10, v0  }
0x32d: {  	v58 =	vmul.f32 v49, v51;
	v7 =	vadd.f32 v54, v7;
	v59 =	vadd.f32 v11, v0;
	[tilespmem:$0xD000] =	vst v56  }
0x32e: {  	v60 =	vmul.f32 v47, v52;
	v55 =	vadd.f32 v53, v6;
	v8 =	vadd.f32 v8, v0;
	[tilespmem:$0xD010] =	vst v57  }
0x32f: {  	v2 =	vadd.f32 v58, v2;
	v61 =	vadd.f32 v7, v0;
	[tilespmem:$0xD020] =	vst v59  }
0x330: {  	v1 =	vadd.f32 v60, v1;
	v62 =	vadd.f32 v55, v0;
	[tilespmem:$0xD030] =	vst v8  }
0x331: {  	v2 =	vadd.f32 v2, v0;
	[tilespmem:$0xD040] =	vst v61  }
0x332: {  	v63 =	vadd.f32 v1, v0;
	[tilespmem:$0xD050] =	vst v62  }
0x333: {  	[tilespmem:$0xD060] =	vst v2  }
0x334: {  	s12 =	rddreg [dreg:$0x13];
	[tilespmem:$0xD070] =	vst v63  }
0x335: {  	[hbm4b:s12+s3] =	stream.linear.scatter [tilespmem:s17], [sflag:$0x5], $0x80, $0x200038;
	[tilespmem:$0x1F728] =	vst v63  }
0x336: {  	_ =	swait.ge [sflag:s28], $0x80  }
0x337: {  	s13 =	sld [smem:$0x7FC];
	_ =	sdelay $0x1  }
0x338: {  	s18 =	sadd.s32 $0x1, s18  }
0x339: {  	p2 =	sne.s32 s18, s13  }
.Ltmp8:
0x33a: {  	_ = 	snop;
	(pc) =	sbr.rel @p2 .LBB2_1-.Ltmp8, $4  }
0x33b: {  	_ = 	snop  }
0x33c: {  	[sflag:s28] =	ssyncset.done $0x0  }
0x33d: {  	[sflag:s28] =	ssyncadd.s32 $0xFFFFFF80  }
0x33e: {  	_ =	strace $0x90000054  }
0x33f: {  	_ =	sfence.sel $0x180000  }
0x340: {  	[bflag:$0x0] =	sbarrier.arrive $0xFFFF  }
0x341: {  	_ =	strace $0x90000047  }
0x342: {  	s0 =	stileid.u32;
	[bflag:$0x2] =	sbarrier.arrive $0xFFFF  }
0x343: {  	p0 =	sne.s32 s0, $0x0;
	s0 =	rddreg [dreg:$0x6]  }
0x344: {  	s0 =	sadd.s32 @!p0 $0x100000, s0  }
0x345: {  	[sflag:s0] =	ssyncadd.tile.s32 @!p0 $0x1;
	_ =	shalt  }
.Lfunc_end2:
_tile_overlayer_lowered:
.L_overlay_start_2:
0x346: {  	(tag) =	ssettag $0x2  }
0x347: {  	s0 =	rddreg [dreg:$0x0];
	s2 =	stileid.u32  }
0x348: {  	s1 =	rddreg [dreg:$0x1];
	p0 =	sne.s32 s2, $0x0  }
0x349: {  	s3 =	rddreg [dreg:$0x2];
	[bflag:$0x3] =	sbarrier.arrive $0xFFFF;
	s2 =	simm.s32 @!p0 $0x1C05  }
0x34a: {  	[timem:s3], [sflag:s2] =	dma.local @!p0 [hbm:s0], s1  }
0x34b: {  	s0 =	simm.s32 @!p0 $0x5  }
0x34c: {  	_ =	swait.ge @!p0 [sflag:s0], s1  }
0x34d: {  	s1 =	ssub.s32 @!p0 $0x0, s1;
	[sflag:s0] =	ssyncset.done @!p0 $0x0  }
0x34e: {  	[sflag:s0] =	ssyncadd.s32 @!p0 s1  }
0x34f: {  	[bflag:$0x3] =	sbarrier.arrive $0xFFFF  }
0x350: {  	_ =	shalt  }

</sc_bundles>
